<compile_context>
chip_gen: v7x
topology: tpu7x:2x2x1
jax: 0.10.2.dev20260603
libtpu: 0.0.44.dev20260713+nightly
codegen_flags: <defaults>
</compile_context>

<pallas_src>
import functools

import jax
import jax.numpy as jnp
from jax import lax
from jax.experimental import pallas as pl
from jax.experimental.pallas import tpu as pltpu
from jax.experimental.pallas import tpu_sc as plsc

_N_NODES = 10000
_HIDDEN = 128
_NUM_REL = 18
_NUM_PROTO = 18
_N_TAILS = 1024
_PPAD = 32
_STRIDE = 1040
_A_ROWS = _NUM_REL * _STRIDE
_NC, _NS = 2, 16
_NW = _NC * _NS
_N_EDGES = 320000
_E_PER_W = _N_EDGES // _NW
_ZROWS = _A_ROWS // _NS
_NODE_BLK = 2504
_WP_ROWS = 10016
_SLOT_PAD = 10016
_CAP = 10176


def _node_stage_kernel(x_ref, proto_ref, wp_ref):
    x = x_ref[...]
    pr = proto_ref[...]
    pn = pr / jnp.maximum(
        jnp.sqrt(jnp.sum(pr * pr, axis=1, keepdims=True)), 1e-12)
    xn = x / jnp.maximum(
        jnp.sqrt(jnp.sum(x * x, axis=1, keepdims=True)), 1e-12)
    sims = lax.dot_general(
        xn, pn, (((1,), (1,)), ((), ())),
        precision=lax.Precision.DEFAULT, preferred_element_type=jnp.float32)
    lane = lax.broadcasted_iota(jnp.int32, sims.shape, 1)
    sims = jnp.where(lane < _NUM_PROTO, sims, -1e30)
    m = jnp.max(sims, axis=1, keepdims=True)
    e = jnp.exp(sims - m)
    z = jnp.sum(e, axis=1, keepdims=True)
    p = e / z
    negent = (jnp.sum(p * sims, axis=1, keepdims=True) - m - jnp.log(z))
    row = (pl.program_id(0) * _NODE_BLK
           + lax.broadcasted_iota(jnp.int32, (_NODE_BLK, 1), 0))
    wp_ref[...] = jnp.where(row < _N_NODES, jnp.exp(negent) * p, 0.0)


def _edge_stage_kernel(ei_hbm, rel_hbm, slot_hbm, wp_hbm, zero_hbm,
                       out_hbm, slot_v, src_v, dst_v, rel_v, cp_v,
                       cj_row, cs_row, rows_g, acc_sh, sem_i, sem_g, sem_s):
    cid = lax.axis_index("c")
    sid = lax.axis_index("s")
    wid = sid * _NC + cid
    e0 = wid * _E_PER_W
    d_src = pltpu.async_copy(ei_hbm.at[0, pl.ds(e0, _E_PER_W)], src_v, sem_i)
    d_dst = pltpu.async_copy(ei_hbm.at[1, pl.ds(e0, _E_PER_W)], dst_v, sem_i)
    d_rel = pltpu.async_copy(rel_hbm.at[pl.ds(e0, _E_PER_W)], rel_v, sem_i)
    pltpu.sync_copy(slot_hbm, slot_v)
    pltpu.sync_copy(zero_hbm.at[sid], acc_sh.at[pl.ds(sid * _ZROWS, _ZROWS)])
    d_src.wait()
    d_dst.wait()
    d_rel.wait()
    plsc.subcore_barrier()

    _UNROLL = 25

    def grp_body(g, count):
        vals, masks = [], []
        for i in range(_UNROLL):
            s = pl.ds(g * (16 * _UNROLL) + i * 16, 16)
            slot16 = plsc.load_gather(slot_v, [dst_v[s]])
            j16 = rel_v[s] * _STRIDE + slot16
            vals.append(j16 * 16384 + src_v[s])
            masks.append(slot16 < _N_TAILS)
        for i in range(_UNROLL):
            plsc.store_compressed(cp_v.at[pl.ds(count, 16)], vals[i],
                                  mask=masks[i])
            count = count + plsc.all_reduce_population_count(masks[i])[0]
        return count

    count = lax.fori_loop(0, _E_PER_W // (16 * _UNROLL), grp_body,
                          jnp.int32(0))

    vpad = jnp.full((16,), _N_TAILS * 16384 + _N_NODES, jnp.int32)
    for t in range(8):
        cp_v[pl.ds(count + 16 * t, 16)] = vpad
    ngroups = (count + 127) // 128

    def g_body(g, carry):
        for i in range(8):
            s = pl.ds(i * 16, 16)
            v16 = cp_v[pl.ds(g * 128 + i * 16, 16)]
            cs_row[s] = lax.bitwise_and(v16, 16383)
            cj_row[s] = lax.shift_right_logical(v16, 14)
        pltpu.async_copy(wp_hbm.at[cs_row], rows_g, sem_g).wait()
        pltpu.sync_copy(rows_g, acc_sh.at[cj_row], add=True)
        return carry

    lax.fori_loop(0, ngroups, g_body, 0)
    plsc.subcore_barrier()
    pltpu.sync_copy(acc_sh.at[pl.ds(sid * _ZROWS, _ZROWS)],
                    out_hbm.at[cid, pl.ds(sid * _ZROWS, _ZROWS)])


_edge_stage = functools.partial(
    pl.kernel,
    out_type=jax.ShapeDtypeStruct((_NC, _A_ROWS, _PPAD), jnp.float32),
    mesh=plsc.VectorSubcoreMesh(core_axis_name="c", subcore_axis_name="s"),
    scratch_types=[
        pltpu.VMEM((_SLOT_PAD,), jnp.int32),
        pltpu.VMEM((_E_PER_W,), jnp.int32),
        pltpu.VMEM((_E_PER_W,), jnp.int32),
        pltpu.VMEM((_E_PER_W,), jnp.int32),
        pltpu.VMEM((_CAP,), jnp.int32),
        pltpu.VMEM((128,), jnp.int32),
        pltpu.VMEM((128,), jnp.int32),
        pltpu.VMEM((128, _PPAD), jnp.float32),
        pltpu.VMEM_SHARED((_A_ROWS, _PPAD), jnp.float32),
        pltpu.SemaphoreType.DMA,
        pltpu.SemaphoreType.DMA,
        pltpu.SemaphoreType.DMA,
    ],
    compiler_params=pltpu.CompilerParams(
        needs_layout_passes=False, use_tc_tiling_on_sc=False),
)(_edge_stage_kernel)


def _final_stage_kernel(a_hbm, m_ref, proto_ref, slot_ref, out_ref, a_vmem,
                        sem_a):
    pltpu.async_copy(a_hbm, a_vmem, sem_a).wait()
    a = a_vmem[0] + a_vmem[1]
    qrows = _STRIDE // 4
    slot = slot_ref[...]
    cols = lax.broadcasted_iota(jnp.int32, (_N_TAILS, qrows), 1)
    q = lax.shift_right_logical(slot, 2)
    u_b = lax.bitwise_and(slot, 3)
    g = jnp.zeros((_N_TAILS, _HIDDEN), jnp.float32)
    for u in range(4):
        acc = jnp.zeros((qrows, _HIDDEN), jnp.float32)
        for r in range(_NUM_REL):
            slab = lax.slice(a, (r * qrows, u * _PPAD),
                             ((r + 1) * qrows, (u + 1) * _PPAD))
            acc = acc + lax.dot_general(
                slab, m_ref[r], (((1,), (0,)), ((), ())),
                precision=lax.Precision.DEFAULT,
                preferred_element_type=jnp.float32)
        oh = ((cols == q) & (u_b == u)).astype(jnp.float32)
        g = g + lax.dot_general(
            oh, acc, (((1,), (0,)), ((), ())),
            precision=lax.Precision.DEFAULT,
            preferred_element_type=jnp.float32)
    gn = g / jnp.maximum(
        jnp.sqrt(jnp.sum(g * g, axis=1, keepdims=True)), 1e-12)
    pr = proto_ref[...]
    pn = pr / jnp.maximum(
        jnp.sqrt(jnp.sum(pr * pr, axis=1, keepdims=True)), 1e-12)
    out_ref[...] = lax.dot_general(
        gn, pn, (((1,), (1,)), ((), ())),
        precision=lax.Precision.HIGHEST, preferred_element_type=jnp.float32)


def kernel(input, multi_embedding, proto_embedding, edge_index, edge_type,
           tail_indices):
    x = input.astype(jnp.float32)
    ei = edge_index.astype(jnp.int32)
    et = edge_type.astype(jnp.int32)
    tails = tail_indices.astype(jnp.int32)

    proto_p = jnp.zeros((_PPAD, _HIDDEN), jnp.float32)
    proto_p = proto_p.at[:_NUM_PROTO].set(proto_embedding.astype(jnp.float32))

    wp = pl.pallas_call(
        _node_stage_kernel,
        out_shape=jax.ShapeDtypeStruct((_WP_ROWS, _PPAD), jnp.float32),
        grid=(_WP_ROWS // _NODE_BLK,),
        in_specs=[
            pl.BlockSpec((_NODE_BLK, _HIDDEN), lambda i: (i, 0)),
            pl.BlockSpec((_PPAD, _HIDDEN), lambda i: (0, 0)),
        ],
        out_specs=pl.BlockSpec((_NODE_BLK, _PPAD), lambda i: (i, 0)),
    )(x, proto_p)

    slot_tab = jnp.full((_SLOT_PAD,), _N_TAILS, jnp.int32)
    slot_tab = slot_tab.at[tails].set(jnp.arange(_N_TAILS, dtype=jnp.int32))
    zeros_hbm = jnp.zeros((_NS, _ZROWS, _PPAD), jnp.float32)

    a_out = _edge_stage(ei, et, slot_tab, wp, zeros_hbm)

    m_pad = jnp.zeros((_NUM_REL, _PPAD, _HIDDEN), jnp.float32)
    m_pad = m_pad.at[:, :_NUM_PROTO, :].set(
        multi_embedding.astype(jnp.float32))
    slot_t = slot_tab[tails].reshape(_N_TAILS, 1)

    out = pl.pallas_call(
        _final_stage_kernel,
        out_shape=jax.ShapeDtypeStruct((_N_TAILS, _PPAD), jnp.float32),
        in_specs=[
            pl.BlockSpec(memory_space=pl.ANY),
            pl.BlockSpec(memory_space=pltpu.VMEM),
            pl.BlockSpec(memory_space=pltpu.VMEM),
            pl.BlockSpec(memory_space=pltpu.VMEM),
        ],
        scratch_shapes=[
            pltpu.VMEM((_NC, _A_ROWS // 4, 128), jnp.float32),
            pltpu.SemaphoreType.DMA,
        ],
    )(a_out.reshape(_NC, _A_ROWS // 4, 128), m_pad, proto_p, slot_t)
    return out[:, :_NUM_PROTO]

# --- scband reference (transcript-rebuilt; emitter-appended) ---
"""Pipeline reference for scband-nbf-48095043780813 (READ-ONLY COPY).

The authoritative reference and input builder live on the scoring server;
editing this copy changes nothing except your own understanding.
"""

import jax, jax.numpy as jnp
import numpy as np

N_NODES = 10000
N_EDGES = 320000
HIDDEN = 128
NUM_REL = 18
NUM_PROTO = 18
N_TAILS = 1024
EPS_ENT = 1e-8


def _normalize(x, eps=1e-12):
    # torch.nn.functional.normalize: x / max(||x||_2, eps)
    n = jnp.linalg.norm(x, axis=-1, keepdims=True)
    return x / jnp.maximum(n, eps)


def setup_inputs(seed: int = 0) -> dict:
    key = jax.random.key(seed)
    k_x, k_ei, k_et, k_ti, k_me, k_pe = (jax.random.fold_in(key, i) for i in range(6))
    x = jax.random.normal(k_x, (N_NODES, HIDDEN), dtype=jnp.float32)
    edge_index = jax.random.randint(k_ei, (2, N_EDGES), 0, N_NODES, dtype=jnp.int64)
    edge_type = jax.random.randint(k_et, (N_EDGES,), 0, NUM_REL, dtype=jnp.int64)
    tail_indices = jax.random.randint(k_ti, (N_TAILS,), 0, N_NODES, dtype=jnp.int64)
    # learned parameters of the (single) NBFCluttr layer, init ~ torch.rand
    multi_embedding = jax.random.uniform(k_me, (NUM_REL, NUM_PROTO, HIDDEN), dtype=jnp.float32)
    proto_embedding = jax.random.uniform(k_pe, (NUM_PROTO, HIDDEN), dtype=jnp.float32)
    return {
        "input": x,
        "multi_embedding": multi_embedding,
        "proto_embedding": proto_embedding,
        "edge_index": edge_index,
        "edge_type": edge_type,
        "tail_indices": tail_indices,
    }


def _nbf_cluttr_layer(x, multi_embedding, proto_embedding, edge_index, edge_type, num_nodes):
    src = edge_index[0]
    dst = edge_index[1]
    # message: gather source node states
    input_j = jnp.take(x, src, axis=0)                      # [E, H]
    rel_proto_basis = jnp.take(multi_embedding, edge_type, axis=0)  # [E, P, H]
    # project onto prototype simplex (cosine sim + softmax)
    inp_n = _normalize(input_j)
    proto_n = _normalize(proto_embedding)
    sims = jnp.einsum('nh,ph->np', inp_n, proto_n)          # [E, P]
    proto_probas = jax.nn.softmax(sims, axis=1)             # [E, P]
    msg = jnp.einsum('np,nph->nh', proto_probas, rel_proto_basis)  # [E, H]
    # aggregate: entropic attention via scatter_softmax over dst
    proto_entropy = -(proto_probas * jnp.log(proto_probas + EPS_ENT)).sum(axis=1)  # [E]
    logits = -proto_entropy
    m = jax.ops.segment_max(logits, dst, num_segments=num_nodes)
    m = jnp.where(jnp.isfinite(m), m, 0.0)
    e = jnp.exp(logits - jnp.take(m, dst, axis=0))
    denom = jax.ops.segment_sum(e, dst, num_segments=num_nodes)
    coeff = e / jnp.take(denom, dst, axis=0)                # [E]
    weighted = coeff[:, None] * msg                         # [E, H]
    out = jax.ops.segment_sum(weighted, dst, num_segments=num_nodes)  # [N, H]
    # update: mix_inp_out=False, return_probas=False -> return new_out
    return out


def reference(input, multi_embedding, proto_embedding, edge_index, edge_type, tail_indices):
    num_nodes = input.shape[0]
    hidden = _nbf_cluttr_layer(input, multi_embedding, proto_embedding, edge_index, edge_type, num_nodes)
    # apply_classifier (use_mlp_classifier=False, eval_mode=True -> gumbel returns logits)
    out_embeddings = jnp.take(hidden, tail_indices, axis=0)  # [B, H]
    oe_n = _normalize(out_embeddings)
    pe_n = _normalize(proto_embedding)
    out_sims = jnp.einsum('nh,ph->np', oe_n, pe_n)           # [B, P]
    return out_sims

if __name__ == "__main__":
    import jax
    _d = setup_inputs()
    print(jax.jit(kernel)(*tuple(_d.values())))

</pallas_src>

<mosaic_0001>
#map = affine_map<(d0, d1) -> (0, 0)>
#map1 = affine_map<(d0, d1) -> (0)>
#map2 = affine_map<(d0, d1) -> (0, 0, 0)>
module attributes {stable_mosaic.version = 14 : i64} {
  func.func @_edge_stage_kernel(%arg0: i32, %arg1: i32, %arg2: memref<2x320000xi32, #tpu.memory_space<hbm>>, %arg3: memref<320000xi32, #tpu.memory_space<hbm>>, %arg4: memref<10016xi32, #tpu.memory_space<hbm>>, %arg5: memref<10016x32xf32, #tpu.memory_space<hbm>>, %arg6: memref<16x1170x32xf32, #tpu.memory_space<hbm>>, %arg7: memref<2x18720x32xf32, #tpu.memory_space<hbm>>, %arg8: memref<10016xi32, #tpu.memory_space<vmem>>, %arg9: memref<10000xi32, #tpu.memory_space<vmem>>, %arg10: memref<10000xi32, #tpu.memory_space<vmem>>, %arg11: memref<10000xi32, #tpu.memory_space<vmem>>, %arg12: memref<10176xi32, #tpu.memory_space<vmem>>, %arg13: memref<128xi32, #tpu.memory_space<vmem>>, %arg14: memref<128xi32, #tpu.memory_space<vmem>>, %arg15: memref<128x32xf32, #tpu.memory_space<vmem>>, %arg16: memref<18720x32xf32, #tpu.memory_space<vmem_shared>>, %arg17: memref<!tpu.dma_semaphore, #tpu.memory_space<semaphore_mem>>, %arg18: memref<!tpu.dma_semaphore, #tpu.memory_space<semaphore_mem>>, %arg19: memref<!tpu.dma_semaphore, #tpu.memory_space<semaphore_mem>>) attributes {dimension_semantics = [#tpu.dimension_semantics<core_parallel>, #tpu.dimension_semantics<subcore_parallel>], iteration_bounds = array<i64: 2, 16>, scalar_prefetch = 0 : i64, scratch_operands = 12 : i64, tpu.core_type = #tpu.core_type<sc_vector_subcore>, window_params = [{transform_indices = #map}, {transform_indices = #map1}, {transform_indices = #map1}, {transform_indices = #map}, {transform_indices = #map2}, {transform_indices = #map2}]} {
    %mul3A = arith.constant 2 : i32
    %mul3A_0 = arith.muli %arg1, %mul3A : i32
    %add3A = arith.addi %mul3A_0, %arg0 : i32
    %mul3A_1 = arith.constant 10000 : i32
    %mul3A_2 = arith.muli %add3A, %mul3A_1 : i32
    %dma_start3A = arith.constant 0 : i32
    %dma_start3A_3 = tpu.memref_slice %arg2[%dma_start3A, %mul3A_2] : memref<2x320000xi32, #tpu.memory_space<hbm>> -> memref<1x10000xi32, #tpu.memory_space<hbm>>
    %dma_start3A_4 = tpu.memref_squeeze %dma_start3A_3 : memref<1x10000xi32, #tpu.memory_space<hbm>> -> memref<10000xi32, #tpu.memory_space<hbm>>
    %dma_start3A_5 = tpu.memref_slice %arg2[%dma_start3A, %mul3A_2] : memref<2x320000xi32, #tpu.memory_space<hbm>> -> memref<1x10000xi32, #tpu.memory_space<hbm>>
    %dma_start3A_6 = tpu.memref_squeeze %dma_start3A_5 : memref<1x10000xi32, #tpu.memory_space<hbm>> -> memref<10000xi32, #tpu.memory_space<hbm>>
    tpu.enqueue_dma source(%dma_start3A_6 : memref<10000xi32, #tpu.memory_space<hbm>>) target(%arg9 : memref<10000xi32, #tpu.memory_space<vmem>>) target_semaphore(%arg17 : memref<!tpu.dma_semaphore, #tpu.memory_space<semaphore_mem>>)
    %dma_start3A_7 = arith.constant 1 : i32
    %dma_start3A_8 = tpu.memref_slice %arg2[%dma_start3A_7, %mul3A_2] : memref<2x320000xi32, #tpu.memory_space<hbm>> -> memref<1x10000xi32, #tpu.memory_space<hbm>>
    %dma_start3A_9 = tpu.memref_squeeze %dma_start3A_8 : memref<1x10000xi32, #tpu.memory_space<hbm>> -> memref<10000xi32, #tpu.memory_space<hbm>>
    %dma_start3A_10 = tpu.memref_slice %arg2[%dma_start3A_7, %mul3A_2] : memref<2x320000xi32, #tpu.memory_space<hbm>> -> memref<1x10000xi32, #tpu.memory_space<hbm>>
    %dma_start3A_11 = tpu.memref_squeeze %dma_start3A_10 : memref<1x10000xi32, #tpu.memory_space<hbm>> -> memref<10000xi32, #tpu.memory_space<hbm>>
    tpu.enqueue_dma source(%dma_start3A_11 : memref<10000xi32, #tpu.memory_space<hbm>>) target(%arg10 : memref<10000xi32, #tpu.memory_space<vmem>>) target_semaphore(%arg17 : memref<!tpu.dma_semaphore, #tpu.memory_space<semaphore_mem>>)
    %dma_start3A_12 = tpu.memref_slice %arg3[%mul3A_2] : memref<320000xi32, #tpu.memory_space<hbm>> -> memref<10000xi32, #tpu.memory_space<hbm>>
    %dma_start3A_13 = tpu.memref_slice %arg3[%mul3A_2] : memref<320000xi32, #tpu.memory_space<hbm>> -> memref<10000xi32, #tpu.memory_space<hbm>>
    tpu.enqueue_dma source(%dma_start3A_13 : memref<10000xi32, #tpu.memory_space<hbm>>) target(%arg11 : memref<10000xi32, #tpu.memory_space<vmem>>) target_semaphore(%arg17 : memref<!tpu.dma_semaphore, #tpu.memory_space<semaphore_mem>>)
    "tpu.region"() ({
      %run_scoped3A = tpu.sem_alloc : memref<!tpu.dma_semaphore, #tpu.memory_space<semaphore_mem>>
      tpu.enqueue_dma source(%arg4 : memref<10016xi32, #tpu.memory_space<hbm>>) target(%arg8 : memref<10016xi32, #tpu.memory_space<vmem>>) target_semaphore(%run_scoped3A : memref<!tpu.dma_semaphore, #tpu.memory_space<semaphore_mem>>)
      tpu.wait_dma2 semaphore(%run_scoped3A : memref<!tpu.dma_semaphore, #tpu.memory_space<semaphore_mem>>) src(%arg4 : memref<10016xi32, #tpu.memory_space<hbm>>) dst(%arg8 : memref<10016xi32, #tpu.memory_space<vmem>>)
      tpu.yield
    }) : () -> ()
    %mul3A_14 = arith.constant 1170 : i32
    %mul3A_15 = arith.muli %arg1, %mul3A_14 : i32
    "tpu.region"() ({
      %run_scoped3A = tpu.sem_alloc : memref<!tpu.dma_semaphore, #tpu.memory_space<semaphore_mem>>
      %dma_start3A_97 = arith.constant 0 : i32
      %dma_start3A_98 = tpu.memref_slice %arg16[%mul3A_15, %dma_start3A_97] : memref<18720x32xf32, #tpu.memory_space<vmem_shared>> -> memref<1170x32xf32, #tpu.memory_space<vmem_shared>>
      %dma_start3A_99 = arith.constant 0 : i32
      %dma_start3A_100 = arith.constant 0 : i32
      %dma_start3A_101 = tpu.memref_slice %arg6[%arg1, %dma_start3A_99, %dma_start3A_100] : memref<16x1170x32xf32, #tpu.memory_space<hbm>> -> memref<1x1170x32xf32, #tpu.memory_space<hbm>>
      %dma_start3A_102 = tpu.memref_squeeze %dma_start3A_101 : memref<1x1170x32xf32, #tpu.memory_space<hbm>> -> memref<1170x32xf32, #tpu.memory_space<hbm>>
      tpu.enqueue_dma source(%dma_start3A_102 : memref<1170x32xf32, #tpu.memory_space<hbm>>) target(%dma_start3A_98 : memref<1170x32xf32, #tpu.memory_space<vmem_shared>>) target_semaphore(%run_scoped3A : memref<!tpu.dma_semaphore, #tpu.memory_space<semaphore_mem>>)
      %dma_wait3A_103 = arith.constant 0 : i32
      %dma_wait3A_104 = tpu.memref_slice %arg16[%mul3A_15, %dma_wait3A_103] : memref<18720x32xf32, #tpu.memory_space<vmem_shared>> -> memref<1170x32xf32, #tpu.memory_space<vmem_shared>>
      %dma_wait3A_105 = arith.constant 0 : i32
      %dma_wait3A_106 = arith.constant 0 : i32
      %dma_wait3A_107 = tpu.memref_slice %arg6[%arg1, %dma_wait3A_105, %dma_wait3A_106] : memref<16x1170x32xf32, #tpu.memory_space<hbm>> -> memref<1x1170x32xf32, #tpu.memory_space<hbm>>
      %dma_wait3A_108 = tpu.memref_squeeze %dma_wait3A_107 : memref<1x1170x32xf32, #tpu.memory_space<hbm>> -> memref<1170x32xf32, #tpu.memory_space<hbm>>
      tpu.wait_dma2 semaphore(%run_scoped3A : memref<!tpu.dma_semaphore, #tpu.memory_space<semaphore_mem>>) src(%dma_wait3A_108 : memref<1170x32xf32, #tpu.memory_space<hbm>>) dst(%dma_wait3A_104 : memref<1170x32xf32, #tpu.memory_space<vmem_shared>>)
      tpu.yield
    }) : () -> ()
    %dma_wait3A = arith.constant 0 : i32
    %dma_wait3A_16 = tpu.memref_slice %arg2[%dma_wait3A, %mul3A_2] : memref<2x320000xi32, #tpu.memory_space<hbm>> -> memref<1x10000xi32, #tpu.memory_space<hbm>>
    %dma_wait3A_17 = tpu.memref_squeeze %dma_wait3A_16 : memref<1x10000xi32, #tpu.memory_space<hbm>> -> memref<10000xi32, #tpu.memory_space<hbm>>
    %dma_wait3A_18 = tpu.memref_slice %arg2[%dma_wait3A, %mul3A_2] : memref<2x320000xi32, #tpu.memory_space<hbm>> -> memref<1x10000xi32, #tpu.memory_space<hbm>>
    %dma_wait3A_19 = tpu.memref_squeeze %dma_wait3A_18 : memref<1x10000xi32, #tpu.memory_space<hbm>> -> memref<10000xi32, #tpu.memory_space<hbm>>
    tpu.wait_dma2 semaphore(%arg17 : memref<!tpu.dma_semaphore, #tpu.memory_space<semaphore_mem>>) src(%dma_wait3A_19 : memref<10000xi32, #tpu.memory_space<hbm>>) dst(%arg9 : memref<10000xi32, #tpu.memory_space<vmem>>)
    %dma_wait3A_20 = arith.constant 1 : i32
    %dma_wait3A_21 = tpu.memref_slice %arg2[%dma_wait3A_20, %mul3A_2] : memref<2x320000xi32, #tpu.memory_space<hbm>> -> memref<1x10000xi32, #tpu.memory_space<hbm>>
    %dma_wait3A_22 = tpu.memref_squeeze %dma_wait3A_21 : memref<1x10000xi32, #tpu.memory_space<hbm>> -> memref<10000xi32, #tpu.memory_space<hbm>>
    %dma_wait3A_23 = tpu.memref_slice %arg2[%dma_wait3A_20, %mul3A_2] : memref<2x320000xi32, #tpu.memory_space<hbm>> -> memref<1x10000xi32, #tpu.memory_space<hbm>>
    %dma_wait3A_24 = tpu.memref_squeeze %dma_wait3A_23 : memref<1x10000xi32, #tpu.memory_space<hbm>> -> memref<10000xi32, #tpu.memory_space<hbm>>
    tpu.wait_dma2 semaphore(%arg17 : memref<!tpu.dma_semaphore, #tpu.memory_space<semaphore_mem>>) src(%dma_wait3A_24 : memref<10000xi32, #tpu.memory_space<hbm>>) dst(%arg10 : memref<10000xi32, #tpu.memory_space<vmem>>)
    %dma_wait3A_25 = tpu.memref_slice %arg3[%mul3A_2] : memref<320000xi32, #tpu.memory_space<hbm>> -> memref<10000xi32, #tpu.memory_space<hbm>>
    %dma_wait3A_26 = tpu.memref_slice %arg3[%mul3A_2] : memref<320000xi32, #tpu.memory_space<hbm>> -> memref<10000xi32, #tpu.memory_space<hbm>>
    tpu.wait_dma2 semaphore(%arg17 : memref<!tpu.dma_semaphore, #tpu.memory_space<semaphore_mem>>) src(%dma_wait3A_26 : memref<10000xi32, #tpu.memory_space<hbm>>) dst(%arg11 : memref<10000xi32, #tpu.memory_space<vmem>>)
    %barrier3A = arith.constant 0 : index
    tpu.barrier barrier_id(%barrier3A)
    %scan3A = arith.constant 0 : i32
    %scan3A_27 = arith.constant 0 : i32
    %scan3A_28 = arith.constant 25 : i32
    %scan3A_29 = arith.addi %scan3A_27, %scan3A_28 : i32
    %scan3A_30 = arith.constant 1 : i32
    %scan3A_31 = scf.for %scan3A_97 = %scan3A_27 to %scan3A_29 step %scan3A_30 iter_args(%scan3A_98 = %scan3A) -> (i32)  : i32 {
      %mul3A_99 = arith.constant 400 : i32
      %mul3A_100 = arith.muli %scan3A_97, %mul3A_99 : i32
      %add3A_101 = arith.constant 0 : i32
      %add3A_102 = arith.addi %mul3A_100, %add3A_101 : i32
      %get3A = arith.index_cast %add3A_102 : i32 to index
      %get3A_103 = tpu.vector_load %arg10[%get3A] {strides = array<i32>} : memref<10000xi32, #tpu.memory_space<vmem>>, vector<16xi32>,
      %gather3A = tpu.vector_load_idx %arg8[%get3A_103] : memref<10016xi32, #tpu.memory_space<vmem>>[vector<16xi32>], vector<16xi32>,
      %get3A_104 = arith.index_cast %add3A_102 : i32 to index
      %get3A_105 = tpu.vector_load %arg11[%get3A_104] {strides = array<i32>} : memref<10000xi32, #tpu.memory_space<vmem>>, vector<16xi32>,
      %mul3A_106 = arith.constant 1040 : i32
      %mul3A_107 = vector.broadcast %mul3A_106 : i32 to vector<16xi32>
      %mul3A_108 = arith.muli %get3A_105, %mul3A_107 : vector<16xi32>
      %add3A_109 = arith.addi %mul3A_108, %gather3A : vector<16xi32>
      %mul3A_110 = arith.constant 16384 : i32
      %mul3A_111 = vector.broadcast %mul3A_110 : i32 to vector<16xi32>
      %mul3A_112 = arith.muli %add3A_109, %mul3A_111 : vector<16xi32>
      %get3A_113 = arith.index_cast %add3A_102 : i32 to index
      %get3A_114 = tpu.vector_load %arg9[%get3A_113] {strides = array<i32>} : memref<10000xi32, #tpu.memory_space<vmem>>, vector<16xi32>,
      %add3A_115 = arith.addi %mul3A_112, %get3A_114 : vector<16xi32>
      %lt3A = arith.constant 1024 : i32
      %lt3A_116 = vector.broadcast %lt3A : i32 to vector<16xi32>
      %lt3A_117 = arith.cmpi slt, %gather3A, %lt3A_116 : vector<16xi32>
      %mul3A_118 = arith.constant 400 : i32
      %mul3A_119 = arith.muli %scan3A_97, %mul3A_118 : i32
      %add3A_120 = arith.constant 16 : i32
      %add3A_121 = arith.addi %mul3A_119, %add3A_120 : i32
      %get3A_122 = arith.index_cast %add3A_121 : i32 to index
      %get3A_123 = tpu.vector_load %arg10[%get3A_122] {strides = array<i32>} : memref<10000xi32, #tpu.memory_space<vmem>>, vector<16xi32>,
      %gather3A_124 = tpu.vector_load_idx %arg8[%get3A_123] : memref<10016xi32, #tpu.memory_space<vmem>>[vector<16xi32>], vector<16xi32>,
      %get3A_125 = arith.index_cast %add3A_121 : i32 to index
      %get3A_126 = tpu.vector_load %arg11[%get3A_125] {strides = array<i32>} : memref<10000xi32, #tpu.memory_space<vmem>>, vector<16xi32>,
      %mul3A_127 = arith.constant 1040 : i32
      %mul3A_128 = vector.broadcast %mul3A_127 : i32 to vector<16xi32>
      %mul3A_129 = arith.muli %get3A_126, %mul3A_128 : vector<16xi32>
      %add3A_130 = arith.addi %mul3A_129, %gather3A_124 : vector<16xi32>
      %mul3A_131 = arith.constant 16384 : i32
      %mul3A_132 = vector.broadcast %mul3A_131 : i32 to vector<16xi32>
      %mul3A_133 = arith.muli %add3A_130, %mul3A_132 : vector<16xi32>
      %get3A_134 = arith.index_cast %add3A_121 : i32 to index
      %get3A_135 = tpu.vector_load %arg9[%get3A_134] {strides = array<i32>} : memref<10000xi32, #tpu.memory_space<vmem>>, vector<16xi32>,
      %add3A_136 = arith.addi %mul3A_133, %get3A_135 : vector<16xi32>
      %lt3A_137 = arith.constant 1024 : i32
      %lt3A_138 = vector.broadcast %lt3A_137 : i32 to vector<16xi32>
      %lt3A_139 = arith.cmpi slt, %gather3A_124, %lt3A_138 : vector<16xi32>
      %mul3A_140 = arith.constant 400 : i32
      %mul3A_141 = arith.muli %scan3A_97, %mul3A_140 : i32
      %add3A_142 = arith.constant 32 : i32
      %add3A_143 = arith.addi %mul3A_141, %add3A_142 : i32
      %get3A_144 = arith.index_cast %add3A_143 : i32 to index
      %get3A_145 = tpu.vector_load %arg10[%get3A_144] {strides = array<i32>} : memref<10000xi32, #tpu.memory_space<vmem>>, vector<16xi32>,
      %gather3A_146 = tpu.vector_load_idx %arg8[%get3A_145] : memref<10016xi32, #tpu.memory_space<vmem>>[vector<16xi32>], vector<16xi32>,
      %get3A_147 = arith.index_cast %add3A_143 : i32 to index
      %get3A_148 = tpu.vector_load %arg11[%get3A_147] {strides = array<i32>} : memref<10000xi32, #tpu.memory_space<vmem>>, vector<16xi32>,
      %mul3A_149 = arith.constant 1040 : i32
      %mul3A_150 = vector.broadcast %mul3A_149 : i32 to vector<16xi32>
      %mul3A_151 = arith.muli %get3A_148, %mul3A_150 : vector<16xi32>
      %add3A_152 = arith.addi %mul3A_151, %gather3A_146 : vector<16xi32>
      %mul3A_153 = arith.constant 16384 : i32
      %mul3A_154 = vector.broadcast %mul3A_153 : i32 to vector<16xi32>
      %mul3A_155 = arith.muli %add3A_152, %mul3A_154 : vector<16xi32>
      %get3A_156 = arith.index_cast %add3A_143 : i32 to index
      %get3A_157 = tpu.vector_load %arg9[%get3A_156] {strides = array<i32>} : memref<10000xi32, #tpu.memory_space<vmem>>, vector<16xi32>,
      %add3A_158 = arith.addi %mul3A_155, %get3A_157 : vector<16xi32>
      %lt3A_159 = arith.constant 1024 : i32
      %lt3A_160 = vector.broadcast %lt3A_159 : i32 to vector<16xi32>
      %lt3A_161 = arith.cmpi slt, %gather3A_146, %lt3A_160 : vector<16xi32>
      %mul3A_162 = arith.constant 400 : i32
      %mul3A_163 = arith.muli %scan3A_97, %mul3A_162 : i32
      %add3A_164 = arith.constant 48 : i32
      %add3A_165 = arith.addi %mul3A_163, %add3A_164 : i32
      %get3A_166 = arith.index_cast %add3A_165 : i32 to index
      %get3A_167 = tpu.vector_load %arg10[%get3A_166] {strides = array<i32>} : memref<10000xi32, #tpu.memory_space<vmem>>, vector<16xi32>,
      %gather3A_168 = tpu.vector_load_idx %arg8[%get3A_167] : memref<10016xi32, #tpu.memory_space<vmem>>[vector<16xi32>], vector<16xi32>,
      %get3A_169 = arith.index_cast %add3A_165 : i32 to index
      %get3A_170 = tpu.vector_load %arg11[%get3A_169] {strides = array<i32>} : memref<10000xi32, #tpu.memory_space<vmem>>, vector<16xi32>,
      %mul3A_171 = arith.constant 1040 : i32
      %mul3A_172 = vector.broadcast %mul3A_171 : i32 to vector<16xi32>
      %mul3A_173 = arith.muli %get3A_170, %mul3A_172 : vector<16xi32>
      %add3A_174 = arith.addi %mul3A_173, %gather3A_168 : vector<16xi32>
      %mul3A_175 = arith.constant 16384 : i32
      %mul3A_176 = vector.broadcast %mul3A_175 : i32 to vector<16xi32>
      %mul3A_177 = arith.muli %add3A_174, %mul3A_176 : vector<16xi32>
      %get3A_178 = arith.index_cast %add3A_165 : i32 to index
      %get3A_179 = tpu.vector_load %arg9[%get3A_178] {strides = array<i32>} : memref<10000xi32, #tpu.memory_space<vmem>>, vector<16xi32>,
      %add3A_180 = arith.addi %mul3A_177, %get3A_179 : vector<16xi32>
      %lt3A_181 = arith.constant 1024 : i32
      %lt3A_182 = vector.broadcast %lt3A_181 : i32 to vector<16xi32>
      %lt3A_183 = arith.cmpi slt, %gather3A_168, %lt3A_182 : vector<16xi32>
      %mul3A_184 = arith.constant 400 : i32
      %mul3A_185 = arith.muli %scan3A_97, %mul3A_184 : i32
      %add3A_186 = arith.constant 64 : i32
      %add3A_187 = arith.addi %mul3A_185, %add3A_186 : i32
      %get3A_188 = arith.index_cast %add3A_187 : i32 to index
      %get3A_189 = tpu.vector_load %arg10[%get3A_188] {strides = array<i32>} : memref<10000xi32, #tpu.memory_space<vmem>>, vector<16xi32>,
      %gather3A_190 = tpu.vector_load_idx %arg8[%get3A_189] : memref<10016xi32, #tpu.memory_space<vmem>>[vector<16xi32>], vector<16xi32>,
      %get3A_191 = arith.index_cast %add3A_187 : i32 to index
      %get3A_192 = tpu.vector_load %arg11[%get3A_191] {strides = array<i32>} : memref<10000xi32, #tpu.memory_space<vmem>>, vector<16xi32>,
      %mul3A_193 = arith.constant 1040 : i32
      %mul3A_194 = vector.broadcast %mul3A_193 : i32 to vector<16xi32>
      %mul3A_195 = arith.muli %get3A_192, %mul3A_194 : vector<16xi32>
      %add3A_196 = arith.addi %mul3A_195, %gather3A_190 : vector<16xi32>
      %mul3A_197 = arith.constant 16384 : i32
      %mul3A_198 = vector.broadcast %mul3A_197 : i32 to vector<16xi32>
      %mul3A_199 = arith.muli %add3A_196, %mul3A_198 : vector<16xi32>
      %get3A_200 = arith.index_cast %add3A_187 : i32 to index
      %get3A_201 = tpu.vector_load %arg9[%get3A_200] {strides = array<i32>} : memref<10000xi32, #tpu.memory_space<vmem>>, vector<16xi32>,
      %add3A_202 = arith.addi %mul3A_199, %get3A_201 : vector<16xi32>
      %lt3A_203 = arith.constant 1024 : i32
      %lt3A_204 = vector.broadcast %lt3A_203 : i32 to vector<16xi32>
      %lt3A_205 = arith.cmpi slt, %gather3A_190, %lt3A_204 : vector<16xi32>
      %mul3A_206 = arith.constant 400 : i32
      %mul3A_207 = arith.muli %scan3A_97, %mul3A_206 : i32
      %add3A_208 = arith.constant 80 : i32
      %add3A_209 = arith.addi %mul3A_207, %add3A_208 : i32
      %get3A_210 = arith.index_cast %add3A_209 : i32 to index
      %get3A_211 = tpu.vector_load %arg10[%get3A_210] {strides = array<i32>} : memref<10000xi32, #tpu.memory_space<vmem>>, vector<16xi32>,
      %gather3A_212 = tpu.vector_load_idx %arg8[%get3A_211] : memref<10016xi32, #tpu.memory_space<vmem>>[vector<16xi32>], vector<16xi32>,
      %get3A_213 = arith.index_cast %add3A_209 : i32 to index
      %get3A_214 = tpu.vector_load %arg11[%get3A_213] {strides = array<i32>} : memref<10000xi32, #tpu.memory_space<vmem>>, vector<16xi32>,
      %mul3A_215 = arith.constant 1040 : i32
      %mul3A_216 = vector.broadcast %mul3A_215 : i32 to vector<16xi32>
      %mul3A_217 = arith.muli %get3A_214, %mul3A_216 : vector<16xi32>
      %add3A_218 = arith.addi %mul3A_217, %gather3A_212 : vector<16xi32>
      %mul3A_219 = arith.constant 16384 : i32
      %mul3A_220 = vector.broadcast %mul3A_219 : i32 to vector<16xi32>
      %mul3A_221 = arith.muli %add3A_218, %mul3A_220 : vector<16xi32>
      %get3A_222 = arith.index_cast %add3A_209 : i32 to index
      %get3A_223 = tpu.vector_load %arg9[%get3A_222] {strides = array<i32>} : memref<10000xi32, #tpu.memory_space<vmem>>, vector<16xi32>,
      %add3A_224 = arith.addi %mul3A_221, %get3A_223 : vector<16xi32>
      %lt3A_225 = arith.constant 1024 : i32
      %lt3A_226 = vector.broadcast %lt3A_225 : i32 to vector<16xi32>
      %lt3A_227 = arith.cmpi slt, %gather3A_212, %lt3A_226 : vector<16xi32>
      %mul3A_228 = arith.constant 400 : i32
      %mul3A_229 = arith.muli %scan3A_97, %mul3A_228 : i32
      %add3A_230 = arith.constant 96 : i32
      %add3A_231 = arith.addi %mul3A_229, %add3A_230 : i32
      %get3A_232 = arith.index_cast %add3A_231 : i32 to index
      %get3A_233 = tpu.vector_load %arg10[%get3A_232] {strides = array<i32>} : memref<10000xi32, #tpu.memory_space<vmem>>, vector<16xi32>,
      %gather3A_234 = tpu.vector_load_idx %arg8[%get3A_233] : memref<10016xi32, #tpu.memory_space<vmem>>[vector<16xi32>], vector<16xi32>,
      %get3A_235 = arith.index_cast %add3A_231 : i32 to index
      %get3A_236 = tpu.vector_load %arg11[%get3A_235] {strides = array<i32>} : memref<10000xi32, #tpu.memory_space<vmem>>, vector<16xi32>,
      %mul3A_237 = arith.constant 1040 : i32
      %mul3A_238 = vector.broadcast %mul3A_237 : i32 to vector<16xi32>
      %mul3A_239 = arith.muli %get3A_236, %mul3A_238 : vector<16xi32>
      %add3A_240 = arith.addi %mul3A_239, %gather3A_234 : vector<16xi32>
      %mul3A_241 = arith.constant 16384 : i32
      %mul3A_242 = vector.broadcast %mul3A_241 : i32 to vector<16xi32>
      %mul3A_243 = arith.muli %add3A_240, %mul3A_242 : vector<16xi32>
      %get3A_244 = arith.index_cast %add3A_231 : i32 to index
      %get3A_245 = tpu.vector_load %arg9[%get3A_244] {strides = array<i32>} : memref<10000xi32, #tpu.memory_space<vmem>>, vector<16xi32>,
      %add3A_246 = arith.addi %mul3A_243, %get3A_245 : vector<16xi32>
      %lt3A_247 = arith.constant 1024 : i32
      %lt3A_248 = vector.broadcast %lt3A_247 : i32 to vector<16xi32>
      %lt3A_249 = arith.cmpi slt, %gather3A_234, %lt3A_248 : vector<16xi32>
      %mul3A_250 = arith.constant 400 : i32
      %mul3A_251 = arith.muli %scan3A_97, %mul3A_250 : i32
      %add3A_252 = arith.constant 112 : i32
      %add3A_253 = arith.addi %mul3A_251, %add3A_252 : i32
      %get3A_254 = arith.index_cast %add3A_253 : i32 to index
      %get3A_255 = tpu.vector_load %arg10[%get3A_254] {strides = array<i32>} : memref<10000xi32, #tpu.memory_space<vmem>>, vector<16xi32>,
      %gather3A_256 = tpu.vector_load_idx %arg8[%get3A_255] : memref<10016xi32, #tpu.memory_space<vmem>>[vector<16xi32>], vector<16xi32>,
      %get3A_257 = arith.index_cast %add3A_253 : i32 to index
      %get3A_258 = tpu.vector_load %arg11[%get3A_257] {strides = array<i32>} : memref<10000xi32, #tpu.memory_space<vmem>>, vector<16xi32>,
      %mul3A_259 = arith.constant 1040 : i32
      %mul3A_260 = vector.broadcast %mul3A_259 : i32 to vector<16xi32>
      %mul3A_261 = arith.muli %get3A_258, %mul3A_260 : vector<16xi32>
      %add3A_262 = arith.addi %mul3A_261, %gather3A_256 : vector<16xi32>
      %mul3A_263 = arith.constant 16384 : i32
      %mul3A_264 = vector.broadcast %mul3A_263 : i32 to vector<16xi32>
      %mul3A_265 = arith.muli %add3A_262, %mul3A_264 : vector<16xi32>
      %get3A_266 = arith.index_cast %add3A_253 : i32 to index
      %get3A_267 = tpu.vector_load %arg9[%get3A_266] {strides = array<i32>} : memref<10000xi32, #tpu.memory_space<vmem>>, vector<16xi32>,
      %add3A_268 = arith.addi %mul3A_265, %get3A_267 : vector<16xi32>
      %lt3A_269 = arith.constant 1024 : i32
      %lt3A_270 = vector.broadcast %lt3A_269 : i32 to vector<16xi32>
      %lt3A_271 = arith.cmpi slt, %gather3A_256, %lt3A_270 : vector<16xi32>
      %mul3A_272 = arith.constant 400 : i32
      %mul3A_273 = arith.muli %scan3A_97, %mul3A_272 : i32
      %add3A_274 = arith.constant 128 : i32
      %add3A_275 = arith.addi %mul3A_273, %add3A_274 : i32
      %get3A_276 = arith.index_cast %add3A_275 : i32 to index
      %get3A_277 = tpu.vector_load %arg10[%get3A_276] {strides = array<i32>} : memref<10000xi32, #tpu.memory_space<vmem>>, vector<16xi32>,
      %gather3A_278 = tpu.vector_load_idx %arg8[%get3A_277] : memref<10016xi32, #tpu.memory_space<vmem>>[vector<16xi32>], vector<16xi32>,
      %get3A_279 = arith.index_cast %add3A_275 : i32 to index
      %get3A_280 = tpu.vector_load %arg11[%get3A_279] {strides = array<i32>} : memref<10000xi32, #tpu.memory_space<vmem>>, vector<16xi32>,
      %mul3A_281 = arith.constant 1040 : i32
      %mul3A_282 = vector.broadcast %mul3A_281 : i32 to vector<16xi32>
      %mul3A_283 = arith.muli %get3A_280, %mul3A_282 : vector<16xi32>
      %add3A_284 = arith.addi %mul3A_283, %gather3A_278 : vector<16xi32>
      %mul3A_285 = arith.constant 16384 : i32
      %mul3A_286 = vector.broadcast %mul3A_285 : i32 to vector<16xi32>
      %mul3A_287 = arith.muli %add3A_284, %mul3A_286 : vector<16xi32>
      %get3A_288 = arith.index_cast %add3A_275 : i32 to index
      %get3A_289 = tpu.vector_load %arg9[%get3A_288] {strides = array<i32>} : memref<10000xi32, #tpu.memory_space<vmem>>, vector<16xi32>,
      %add3A_290 = arith.addi %mul3A_287, %get3A_289 : vector<16xi32>
      %lt3A_291 = arith.constant 1024 : i32
      %lt3A_292 = vector.broadcast %lt3A_291 : i32 to vector<16xi32>
      %lt3A_293 = arith.cmpi slt, %gather3A_278, %lt3A_292 : vector<16xi32>
      %mul3A_294 = arith.constant 400 : i32
      %mul3A_295 = arith.muli %scan3A_97, %mul3A_294 : i32
      %add3A_296 = arith.constant 144 : i32
      %add3A_297 = arith.addi %mul3A_295, %add3A_296 : i32
      %get3A_298 = arith.index_cast %add3A_297 : i32 to index
      %get3A_299 = tpu.vector_load %arg10[%get3A_298] {strides = array<i32>} : memref<10000xi32, #tpu.memory_space<vmem>>, vector<16xi32>,
      %gather3A_300 = tpu.vector_load_idx %arg8[%get3A_299] : memref<10016xi32, #tpu.memory_space<vmem>>[vector<16xi32>], vector<16xi32>,
      %get3A_301 = arith.index_cast %add3A_297 : i32 to index
      %get3A_302 = tpu.vector_load %arg11[%get3A_301] {strides = array<i32>} : memref<10000xi32, #tpu.memory_space<vmem>>, vector<16xi32>,
      %mul3A_303 = arith.constant 1040 : i32
      %mul3A_304 = vector.broadcast %mul3A_303 : i32 to vector<16xi32>
      %mul3A_305 = arith.muli %get3A_302, %mul3A_304 : vector<16xi32>
      %add3A_306 = arith.addi %mul3A_305, %gather3A_300 : vector<16xi32>
      %mul3A_307 = arith.constant 16384 : i32
      %mul3A_308 = vector.broadcast %mul3A_307 : i32 to vector<16xi32>
      %mul3A_309 = arith.muli %add3A_306, %mul3A_308 : vector<16xi32>
      %get3A_310 = arith.index_cast %add3A_297 : i32 to index
      %get3A_311 = tpu.vector_load %arg9[%get3A_310] {strides = array<i32>} : memref<10000xi32, #tpu.memory_space<vmem>>, vector<16xi32>,
      %add3A_312 = arith.addi %mul3A_309, %get3A_311 : vector<16xi32>
      %lt3A_313 = arith.constant 1024 : i32
      %lt3A_314 = vector.broadcast %lt3A_313 : i32 to vector<16xi32>
      %lt3A_315 = arith.cmpi slt, %gather3A_300, %lt3A_314 : vector<16xi32>
      %mul3A_316 = arith.constant 400 : i32
      %mul3A_317 = arith.muli %scan3A_97, %mul3A_316 : i32
      %add3A_318 = arith.constant 160 : i32
      %add3A_319 = arith.addi %mul3A_317, %add3A_318 : i32
      %get3A_320 = arith.index_cast %add3A_319 : i32 to index
      %get3A_321 = tpu.vector_load %arg10[%get3A_320] {strides = array<i32>} : memref<10000xi32, #tpu.memory_space<vmem>>, vector<16xi32>,
      %gather3A_322 = tpu.vector_load_idx %arg8[%get3A_321] : memref<10016xi32, #tpu.memory_space<vmem>>[vector<16xi32>], vector<16xi32>,
      %get3A_323 = arith.index_cast %add3A_319 : i32 to index
      %get3A_324 = tpu.vector_load %arg11[%get3A_323] {strides = array<i32>} : memref<10000xi32, #tpu.memory_space<vmem>>, vector<16xi32>,
      %mul3A_325 = arith.constant 1040 : i32
      %mul3A_326 = vector.broadcast %mul3A_325 : i32 to vector<16xi32>
      %mul3A_327 = arith.muli %get3A_324, %mul3A_326 : vector<16xi32>
      %add3A_328 = arith.addi %mul3A_327, %gather3A_322 : vector<16xi32>
      %mul3A_329 = arith.constant 16384 : i32
      %mul3A_330 = vector.broadcast %mul3A_329 : i32 to vector<16xi32>
      %mul3A_331 = arith.muli %add3A_328, %mul3A_330 : vector<16xi32>
      %get3A_332 = arith.index_cast %add3A_319 : i32 to index
      %get3A_333 = tpu.vector_load %arg9[%get3A_332] {strides = array<i32>} : memref<10000xi32, #tpu.memory_space<vmem>>, vector<16xi32>,
      %add3A_334 = arith.addi %mul3A_331, %get3A_333 : vector<16xi32>
      %lt3A_335 = arith.constant 1024 : i32
      %lt3A_336 = vector.broadcast %lt3A_335 : i32 to vector<16xi32>
      %lt3A_337 = arith.cmpi slt, %gather3A_322, %lt3A_336 : vector<16xi32>
      %mul3A_338 = arith.constant 400 : i32
      %mul3A_339 = arith.muli %scan3A_97, %mul3A_338 : i32
      %add3A_340 = arith.constant 176 : i32
      %add3A_341 = arith.addi %mul3A_339, %add3A_340 : i32
      %get3A_342 = arith.index_cast %add3A_341 : i32 to index
      %get3A_343 = tpu.vector_load %arg10[%get3A_342] {strides = array<i32>} : memref<10000xi32, #tpu.memory_space<vmem>>, vector<16xi32>,
      %gather3A_344 = tpu.vector_load_idx %arg8[%get3A_343] : memref<10016xi32, #tpu.memory_space<vmem>>[vector<16xi32>], vector<16xi32>,
      %get3A_345 = arith.index_cast %add3A_341 : i32 to index
      %get3A_346 = tpu.vector_load %arg11[%get3A_345] {strides = array<i32>} : memref<10000xi32, #tpu.memory_space<vmem>>, vector<16xi32>,
      %mul3A_347 = arith.constant 1040 : i32
      %mul3A_348 = vector.broadcast %mul3A_347 : i32 to vector<16xi32>
      %mul3A_349 = arith.muli %get3A_346, %mul3A_348 : vector<16xi32>
      %add3A_350 = arith.addi %mul3A_349, %gather3A_344 : vector<16xi32>
      %mul3A_351 = arith.constant 16384 : i32
      %mul3A_352 = vector.broadcast %mul3A_351 : i32 to vector<16xi32>
      %mul3A_353 = arith.muli %add3A_350, %mul3A_352 : vector<16xi32>
      %get3A_354 = arith.index_cast %add3A_341 : i32 to index
      %get3A_355 = tpu.vector_load %arg9[%get3A_354] {strides = array<i32>} : memref<10000xi32, #tpu.memory_space<vmem>>, vector<16xi32>,
      %add3A_356 = arith.addi %mul3A_353, %get3A_355 : vector<16xi32>
      %lt3A_357 = arith.constant 1024 : i32
      %lt3A_358 = vector.broadcast %lt3A_357 : i32 to vector<16xi32>
      %lt3A_359 = arith.cmpi slt, %gather3A_344, %lt3A_358 : vector<16xi32>
      %mul3A_360 = arith.constant 400 : i32
      %mul3A_361 = arith.muli %scan3A_97, %mul3A_360 : i32
      %add3A_362 = arith.constant 192 : i32
      %add3A_363 = arith.addi %mul3A_361, %add3A_362 : i32
      %get3A_364 = arith.index_cast %add3A_363 : i32 to index
      %get3A_365 = tpu.vector_load %arg10[%get3A_364] {strides = array<i32>} : memref<10000xi32, #tpu.memory_space<vmem>>, vector<16xi32>,
      %gather3A_366 = tpu.vector_load_idx %arg8[%get3A_365] : memref<10016xi32, #tpu.memory_space<vmem>>[vector<16xi32>], vector<16xi32>,
      %get3A_367 = arith.index_cast %add3A_363 : i32 to index
      %get3A_368 = tpu.vector_load %arg11[%get3A_367] {strides = array<i32>} : memref<10000xi32, #tpu.memory_space<vmem>>, vector<16xi32>,
      %mul3A_369 = arith.constant 1040 : i32
      %mul3A_370 = vector.broadcast %mul3A_369 : i32 to vector<16xi32>
      %mul3A_371 = arith.muli %get3A_368, %mul3A_370 : vector<16xi32>
      %add3A_372 = arith.addi %mul3A_371, %gather3A_366 : vector<16xi32>
      %mul3A_373 = arith.constant 16384 : i32
      %mul3A_374 = vector.broadcast %mul3A_373 : i32 to vector<16xi32>
      %mul3A_375 = arith.muli %add3A_372, %mul3A_374 : vector<16xi32>
      %get3A_376 = arith.index_cast %add3A_363 : i32 to index
      %get3A_377 = tpu.vector_load %arg9[%get3A_376] {strides = array<i32>} : memref<10000xi32, #tpu.memory_space<vmem>>, vector<16xi32>,
      %add3A_378 = arith.addi %mul3A_375, %get3A_377 : vector<16xi32>
      %lt3A_379 = arith.constant 1024 : i32
      %lt3A_380 = vector.broadcast %lt3A_379 : i32 to vector<16xi32>
      %lt3A_381 = arith.cmpi slt, %gather3A_366, %lt3A_380 : vector<16xi32>
      %mul3A_382 = arith.constant 400 : i32
      %mul3A_383 = arith.muli %scan3A_97, %mul3A_382 : i32
      %add3A_384 = arith.constant 208 : i32
      %add3A_385 = arith.addi %mul3A_383, %add3A_384 : i32
      %get3A_386 = arith.index_cast %add3A_385 : i32 to index
      %get3A_387 = tpu.vector_load %arg10[%get3A_386] {strides = array<i32>} : memref<10000xi32, #tpu.memory_space<vmem>>, vector<16xi32>,
      %gather3A_388 = tpu.vector_load_idx %arg8[%get3A_387] : memref<10016xi32, #tpu.memory_space<vmem>>[vector<16xi32>], vector<16xi32>,
      %get3A_389 = arith.index_cast %add3A_385 : i32 to index
      %get3A_390 = tpu.vector_load %arg11[%get3A_389] {strides = array<i32>} : memref<10000xi32, #tpu.memory_space<vmem>>, vector<16xi32>,
      %mul3A_391 = arith.constant 1040 : i32
      %mul3A_392 = vector.broadcast %mul3A_391 : i32 to vector<16xi32>
      %mul3A_393 = arith.muli %get3A_390, %mul3A_392 : vector<16xi32>
      %add3A_394 = arith.addi %mul3A_393, %gather3A_388 : vector<16xi32>
      %mul3A_395 = arith.constant 16384 : i32
      %mul3A_396 = vector.broadcast %mul3A_395 : i32 to vector<16xi32>
      %mul3A_397 = arith.muli %add3A_394, %mul3A_396 : vector<16xi32>
      %get3A_398 = arith.index_cast %add3A_385 : i32 to index
      %get3A_399 = tpu.vector_load %arg9[%get3A_398] {strides = array<i32>} : memref<10000xi32, #tpu.memory_space<vmem>>, vector<16xi32>,
      %add3A_400 = arith.addi %mul3A_397, %get3A_399 : vector<16xi32>
      %lt3A_401 = arith.constant 1024 : i32
      %lt3A_402 = vector.broadcast %lt3A_401 : i32 to vector<16xi32>
      %lt3A_403 = arith.cmpi slt, %gather3A_388, %lt3A_402 : vector<16xi32>
      %mul3A_404 = arith.constant 400 : i32
      %mul3A_405 = arith.muli %scan3A_97, %mul3A_404 : i32
      %add3A_406 = arith.constant 224 : i32
      %add3A_407 = arith.addi %mul3A_405, %add3A_406 : i32
      %get3A_408 = arith.index_cast %add3A_407 : i32 to index
      %get3A_409 = tpu.vector_load %arg10[%get3A_408] {strides = array<i32>} : memref<10000xi32, #tpu.memory_space<vmem>>, vector<16xi32>,
      %gather3A_410 = tpu.vector_load_idx %arg8[%get3A_409] : memref<10016xi32, #tpu.memory_space<vmem>>[vector<16xi32>], vector<16xi32>,
      %get3A_411 = arith.index_cast %add3A_407 : i32 to index
      %get3A_412 = tpu.vector_load %arg11[%get3A_411] {strides = array<i32>} : memref<10000xi32, #tpu.memory_space<vmem>>, vector<16xi32>,
      %mul3A_413 = arith.constant 1040 : i32
      %mul3A_414 = vector.broadcast %mul3A_413 : i32 to vector<16xi32>
      %mul3A_415 = arith.muli %get3A_412, %mul3A_414 : vector<16xi32>
      %add3A_416 = arith.addi %mul3A_415, %gather3A_410 : vector<16xi32>
      %mul3A_417 = arith.constant 16384 : i32
      %mul3A_418 = vector.broadcast %mul3A_417 : i32 to vector<16xi32>
      %mul3A_419 = arith.muli %add3A_416, %mul3A_418 : vector<16xi32>
      %get3A_420 = arith.index_cast %add3A_407 : i32 to index
      %get3A_421 = tpu.vector_load %arg9[%get3A_420] {strides = array<i32>} : memref<10000xi32, #tpu.memory_space<vmem>>, vector<16xi32>,
      %add3A_422 = arith.addi %mul3A_419, %get3A_421 : vector<16xi32>
      %lt3A_423 = arith.constant 1024 : i32
      %lt3A_424 = vector.broadcast %lt3A_423 : i32 to vector<16xi32>
      %lt3A_425 = arith.cmpi slt, %gather3A_410, %lt3A_424 : vector<16xi32>
      %mul3A_426 = arith.constant 400 : i32
      %mul3A_427 = arith.muli %scan3A_97, %mul3A_426 : i32
      %add3A_428 = arith.constant 240 : i32
      %add3A_429 = arith.addi %mul3A_427, %add3A_428 : i32
      %get3A_430 = arith.index_cast %add3A_429 : i32 to index
      %get3A_431 = tpu.vector_load %arg10[%get3A_430] {strides = array<i32>} : memref<10000xi32, #tpu.memory_space<vmem>>, vector<16xi32>,
      %gather3A_432 = tpu.vector_load_idx %arg8[%get3A_431] : memref<10016xi32, #tpu.memory_space<vmem>>[vector<16xi32>], vector<16xi32>,
      %get3A_433 = arith.index_cast %add3A_429 : i32 to index
      %get3A_434 = tpu.vector_load %arg11[%get3A_433] {strides = array<i32>} : memref<10000xi32, #tpu.memory_space<vmem>>, vector<16xi32>,
      %mul3A_435 = arith.constant 1040 : i32
      %mul3A_436 = vector.broadcast %mul3A_435 : i32 to vector<16xi32>
      %mul3A_437 = arith.muli %get3A_434, %mul3A_436 : vector<16xi32>
      %add3A_438 = arith.addi %mul3A_437, %gather3A_432 : vector<16xi32>
      %mul3A_439 = arith.constant 16384 : i32
      %mul3A_440 = vector.broadcast %mul3A_439 : i32 to vector<16xi32>
      %mul3A_441 = arith.muli %add3A_438, %mul3A_440 : vector<16xi32>
      %get3A_442 = arith.index_cast %add3A_429 : i32 to index
      %get3A_443 = tpu.vector_load %arg9[%get3A_442] {strides = array<i32>} : memref<10000xi32, #tpu.memory_space<vmem>>, vector<16xi32>,
      %add3A_444 = arith.addi %mul3A_441, %get3A_443 : vector<16xi32>
      %lt3A_445 = arith.constant 1024 : i32
      %lt3A_446 = vector.broadcast %lt3A_445 : i32 to vector<16xi32>
      %lt3A_447 = arith.cmpi slt, %gather3A_432, %lt3A_446 : vector<16xi32>
      %mul3A_448 = arith.constant 400 : i32
      %mul3A_449 = arith.muli %scan3A_97, %mul3A_448 : i32
      %add3A_450 = arith.constant 256 : i32
      %add3A_451 = arith.addi %mul3A_449, %add3A_450 : i32
      %get3A_452 = arith.index_cast %add3A_451 : i32 to index
      %get3A_453 = tpu.vector_load %arg10[%get3A_452] {strides = array<i32>} : memref<10000xi32, #tpu.memory_space<vmem>>, vector<16xi32>,
      %gather3A_454 = tpu.vector_load_idx %arg8[%get3A_453] : memref<10016xi32, #tpu.memory_space<vmem>>[vector<16xi32>], vector<16xi32>,
      %get3A_455 = arith.index_cast %add3A_451 : i32 to index
      %get3A_456 = tpu.vector_load %arg11[%get3A_455] {strides = array<i32>} : memref<10000xi32, #tpu.memory_space<vmem>>, vector<16xi32>,
      %mul3A_457 = arith.constant 1040 : i32
      %mul3A_458 = vector.broadcast %mul3A_457 : i32 to vector<16xi32>
      %mul3A_459 = arith.muli %get3A_456, %mul3A_458 : vector<16xi32>
      %add3A_460 = arith.addi %mul3A_459, %gather3A_454 : vector<16xi32>
      %mul3A_461 = arith.constant 16384 : i32
      %mul3A_462 = vector.broadcast %mul3A_461 : i32 to vector<16xi32>
      %mul3A_463 = arith.muli %add3A_460, %mul3A_462 : vector<16xi32>
      %get3A_464 = arith.index_cast %add3A_451 : i32 to index
      %get3A_465 = tpu.vector_load %arg9[%get3A_464] {strides = array<i32>} : memref<10000xi32, #tpu.memory_space<vmem>>, vector<16xi32>,
      %add3A_466 = arith.addi %mul3A_463, %get3A_465 : vector<16xi32>
      %lt3A_467 = arith.constant 1024 : i32
      %lt3A_468 = vector.broadcast %lt3A_467 : i32 to vector<16xi32>
      %lt3A_469 = arith.cmpi slt, %gather3A_454, %lt3A_468 : vector<16xi32>
      %mul3A_470 = arith.constant 400 : i32
      %mul3A_471 = arith.muli %scan3A_97, %mul3A_470 : i32
      %add3A_472 = arith.constant 272 : i32
      %add3A_473 = arith.addi %mul3A_471, %add3A_472 : i32
      %get3A_474 = arith.index_cast %add3A_473 : i32 to index
      %get3A_475 = tpu.vector_load %arg10[%get3A_474] {strides = array<i32>} : memref<10000xi32, #tpu.memory_space<vmem>>, vector<16xi32>,
      %gather3A_476 = tpu.vector_load_idx %arg8[%get3A_475] : memref<10016xi32, #tpu.memory_space<vmem>>[vector<16xi32>], vector<16xi32>,
      %get3A_477 = arith.index_cast %add3A_473 : i32 to index
      %get3A_478 = tpu.vector_load %arg11[%get3A_477] {strides = array<i32>} : memref<10000xi32, #tpu.memory_space<vmem>>, vector<16xi32>,
      %mul3A_479 = arith.constant 1040 : i32
      %mul3A_480 = vector.broadcast %mul3A_479 : i32 to vector<16xi32>
      %mul3A_481 = arith.muli %get3A_478, %mul3A_480 : vector<16xi32>
      %add3A_482 = arith.addi %mul3A_481, %gather3A_476 : vector<16xi32>
      %mul3A_483 = arith.constant 16384 : i32
      %mul3A_484 = vector.broadcast %mul3A_483 : i32 to vector<16xi32>
      %mul3A_485 = arith.muli %add3A_482, %mul3A_484 : vector<16xi32>
      %get3A_486 = arith.index_cast %add3A_473 : i32 to index
      %get3A_487 = tpu.vector_load %arg9[%get3A_486] {strides = array<i32>} : memref<10000xi32, #tpu.memory_space<vmem>>, vector<16xi32>,
      %add3A_488 = arith.addi %mul3A_485, %get3A_487 : vector<16xi32>
      %lt3A_489 = arith.constant 1024 : i32
      %lt3A_490 = vector.broadcast %lt3A_489 : i32 to vector<16xi32>
      %lt3A_491 = arith.cmpi slt, %gather3A_476, %lt3A_490 : vector<16xi32>
      %mul3A_492 = arith.constant 400 : i32
      %mul3A_493 = arith.muli %scan3A_97, %mul3A_492 : i32
      %add3A_494 = arith.constant 288 : i32
      %add3A_495 = arith.addi %mul3A_493, %add3A_494 : i32
      %get3A_496 = arith.index_cast %add3A_495 : i32 to index
      %get3A_497 = tpu.vector_load %arg10[%get3A_496] {strides = array<i32>} : memref<10000xi32, #tpu.memory_space<vmem>>, vector<16xi32>,
      %gather3A_498 = tpu.vector_load_idx %arg8[%get3A_497] : memref<10016xi32, #tpu.memory_space<vmem>>[vector<16xi32>], vector<16xi32>,
      %get3A_499 = arith.index_cast %add3A_495 : i32 to index
      %get3A_500 = tpu.vector_load %arg11[%get3A_499] {strides = array<i32>} : memref<10000xi32, #tpu.memory_space<vmem>>, vector<16xi32>,
      %mul3A_501 = arith.constant 1040 : i32
      %mul3A_502 = vector.broadcast %mul3A_501 : i32 to vector<16xi32>
      %mul3A_503 = arith.muli %get3A_500, %mul3A_502 : vector<16xi32>
      %add3A_504 = arith.addi %mul3A_503, %gather3A_498 : vector<16xi32>
      %mul3A_505 = arith.constant 16384 : i32
      %mul3A_506 = vector.broadcast %mul3A_505 : i32 to vector<16xi32>
      %mul3A_507 = arith.muli %add3A_504, %mul3A_506 : vector<16xi32>
      %get3A_508 = arith.index_cast %add3A_495 : i32 to index
      %get3A_509 = tpu.vector_load %arg9[%get3A_508] {strides = array<i32>} : memref<10000xi32, #tpu.memory_space<vmem>>, vector<16xi32>,
      %add3A_510 = arith.addi %mul3A_507, %get3A_509 : vector<16xi32>
      %lt3A_511 = arith.constant 1024 : i32
      %lt3A_512 = vector.broadcast %lt3A_511 : i32 to vector<16xi32>
      %lt3A_513 = arith.cmpi slt, %gather3A_498, %lt3A_512 : vector<16xi32>
      %mul3A_514 = arith.constant 400 : i32
      %mul3A_515 = arith.muli %scan3A_97, %mul3A_514 : i32
      %add3A_516 = arith.constant 304 : i32
      %add3A_517 = arith.addi %mul3A_515, %add3A_516 : i32
      %get3A_518 = arith.index_cast %add3A_517 : i32 to index
      %get3A_519 = tpu.vector_load %arg10[%get3A_518] {strides = array<i32>} : memref<10000xi32, #tpu.memory_space<vmem>>, vector<16xi32>,
      %gather3A_520 = tpu.vector_load_idx %arg8[%get3A_519] : memref<10016xi32, #tpu.memory_space<vmem>>[vector<16xi32>], vector<16xi32>,
      %get3A_521 = arith.index_cast %add3A_517 : i32 to index
      %get3A_522 = tpu.vector_load %arg11[%get3A_521] {strides = array<i32>} : memref<10000xi32, #tpu.memory_space<vmem>>, vector<16xi32>,
      %mul3A_523 = arith.constant 1040 : i32
      %mul3A_524 = vector.broadcast %mul3A_523 : i32 to vector<16xi32>
      %mul3A_525 = arith.muli %get3A_522, %mul3A_524 : vector<16xi32>
      %add3A_526 = arith.addi %mul3A_525, %gather3A_520 : vector<16xi32>
      %mul3A_527 = arith.constant 16384 : i32
      %mul3A_528 = vector.broadcast %mul3A_527 : i32 to vector<16xi32>
      %mul3A_529 = arith.muli %add3A_526, %mul3A_528 : vector<16xi32>
      %get3A_530 = arith.index_cast %add3A_517 : i32 to index
      %get3A_531 = tpu.vector_load %arg9[%get3A_530] {strides = array<i32>} : memref<10000xi32, #tpu.memory_space<vmem>>, vector<16xi32>,
      %add3A_532 = arith.addi %mul3A_529, %get3A_531 : vector<16xi32>
      %lt3A_533 = arith.constant 1024 : i32
      %lt3A_534 = vector.broadcast %lt3A_533 : i32 to vector<16xi32>
      %lt3A_535 = arith.cmpi slt, %gather3A_520, %lt3A_534 : vector<16xi32>
      %mul3A_536 = arith.constant 400 : i32
      %mul3A_537 = arith.muli %scan3A_97, %mul3A_536 : i32
      %add3A_538 = arith.constant 320 : i32
      %add3A_539 = arith.addi %mul3A_537, %add3A_538 : i32
      %get3A_540 = arith.index_cast %add3A_539 : i32 to index
      %get3A_541 = tpu.vector_load %arg10[%get3A_540] {strides = array<i32>} : memref<10000xi32, #tpu.memory_space<vmem>>, vector<16xi32>,
      %gather3A_542 = tpu.vector_load_idx %arg8[%get3A_541] : memref<10016xi32, #tpu.memory_space<vmem>>[vector<16xi32>], vector<16xi32>,
      %get3A_543 = arith.index_cast %add3A_539 : i32 to index
      %get3A_544 = tpu.vector_load %arg11[%get3A_543] {strides = array<i32>} : memref<10000xi32, #tpu.memory_space<vmem>>, vector<16xi32>,
      %mul3A_545 = arith.constant 1040 : i32
      %mul3A_546 = vector.broadcast %mul3A_545 : i32 to vector<16xi32>
      %mul3A_547 = arith.muli %get3A_544, %mul3A_546 : vector<16xi32>
      %add3A_548 = arith.addi %mul3A_547, %gather3A_542 : vector<16xi32>
      %mul3A_549 = arith.constant 16384 : i32
      %mul3A_550 = vector.broadcast %mul3A_549 : i32 to vector<16xi32>
      %mul3A_551 = arith.muli %add3A_548, %mul3A_550 : vector<16xi32>
      %get3A_552 = arith.index_cast %add3A_539 : i32 to index
      %get3A_553 = tpu.vector_load %arg9[%get3A_552] {strides = array<i32>} : memref<10000xi32, #tpu.memory_space<vmem>>, vector<16xi32>,
      %add3A_554 = arith.addi %mul3A_551, %get3A_553 : vector<16xi32>
      %lt3A_555 = arith.constant 1024 : i32
      %lt3A_556 = vector.broadcast %lt3A_555 : i32 to vector<16xi32>
      %lt3A_557 = arith.cmpi slt, %gather3A_542, %lt3A_556 : vector<16xi32>
      %mul3A_558 = arith.constant 400 : i32
      %mul3A_559 = arith.muli %scan3A_97, %mul3A_558 : i32
      %add3A_560 = arith.constant 336 : i32
      %add3A_561 = arith.addi %mul3A_559, %add3A_560 : i32
      %get3A_562 = arith.index_cast %add3A_561 : i32 to index
      %get3A_563 = tpu.vector_load %arg10[%get3A_562] {strides = array<i32>} : memref<10000xi32, #tpu.memory_space<vmem>>, vector<16xi32>,
      %gather3A_564 = tpu.vector_load_idx %arg8[%get3A_563] : memref<10016xi32, #tpu.memory_space<vmem>>[vector<16xi32>], vector<16xi32>,
      %get3A_565 = arith.index_cast %add3A_561 : i32 to index
      %get3A_566 = tpu.vector_load %arg11[%get3A_565] {strides = array<i32>} : memref<10000xi32, #tpu.memory_space<vmem>>, vector<16xi32>,
      %mul3A_567 = arith.constant 1040 : i32
      %mul3A_568 = vector.broadcast %mul3A_567 : i32 to vector<16xi32>
      %mul3A_569 = arith.muli %get3A_566, %mul3A_568 : vector<16xi32>
      %add3A_570 = arith.addi %mul3A_569, %gather3A_564 : vector<16xi32>
      %mul3A_571 = arith.constant 16384 : i32
      %mul3A_572 = vector.broadcast %mul3A_571 : i32 to vector<16xi32>
      %mul3A_573 = arith.muli %add3A_570, %mul3A_572 : vector<16xi32>
      %get3A_574 = arith.index_cast %add3A_561 : i32 to index
      %get3A_575 = tpu.vector_load %arg9[%get3A_574] {strides = array<i32>} : memref<10000xi32, #tpu.memory_space<vmem>>, vector<16xi32>,
      %add3A_576 = arith.addi %mul3A_573, %get3A_575 : vector<16xi32>
      %lt3A_577 = arith.constant 1024 : i32
      %lt3A_578 = vector.broadcast %lt3A_577 : i32 to vector<16xi32>
      %lt3A_579 = arith.cmpi slt, %gather3A_564, %lt3A_578 : vector<16xi32>
      %mul3A_580 = arith.constant 400 : i32
      %mul3A_581 = arith.muli %scan3A_97, %mul3A_580 : i32
      %add3A_582 = arith.constant 352 : i32
      %add3A_583 = arith.addi %mul3A_581, %add3A_582 : i32
      %get3A_584 = arith.index_cast %add3A_583 : i32 to index
      %get3A_585 = tpu.vector_load %arg10[%get3A_584] {strides = array<i32>} : memref<10000xi32, #tpu.memory_space<vmem>>, vector<16xi32>,
      %gather3A_586 = tpu.vector_load_idx %arg8[%get3A_585] : memref<10016xi32, #tpu.memory_space<vmem>>[vector<16xi32>], vector<16xi32>,
      %get3A_587 = arith.index_cast %add3A_583 : i32 to index
      %get3A_588 = tpu.vector_load %arg11[%get3A_587] {strides = array<i32>} : memref<10000xi32, #tpu.memory_space<vmem>>, vector<16xi32>,
      %mul3A_589 = arith.constant 1040 : i32
      %mul3A_590 = vector.broadcast %mul3A_589 : i32 to vector<16xi32>
      %mul3A_591 = arith.muli %get3A_588, %mul3A_590 : vector<16xi32>
      %add3A_592 = arith.addi %mul3A_591, %gather3A_586 : vector<16xi32>
      %mul3A_593 = arith.constant 16384 : i32
      %mul3A_594 = vector.broadcast %mul3A_593 : i32 to vector<16xi32>
      %mul3A_595 = arith.muli %add3A_592, %mul3A_594 : vector<16xi32>
      %get3A_596 = arith.index_cast %add3A_583 : i32 to index
      %get3A_597 = tpu.vector_load %arg9[%get3A_596] {strides = array<i32>} : memref<10000xi32, #tpu.memory_space<vmem>>, vector<16xi32>,
      %add3A_598 = arith.addi %mul3A_595, %get3A_597 : vector<16xi32>
      %lt3A_599 = arith.constant 1024 : i32
      %lt3A_600 = vector.broadcast %lt3A_599 : i32 to vector<16xi32>
      %lt3A_601 = arith.cmpi slt, %gather3A_586, %lt3A_600 : vector<16xi32>
      %mul3A_602 = arith.constant 400 : i32
      %mul3A_603 = arith.muli %scan3A_97, %mul3A_602 : i32
      %add3A_604 = arith.constant 368 : i32
      %add3A_605 = arith.addi %mul3A_603, %add3A_604 : i32
      %get3A_606 = arith.index_cast %add3A_605 : i32 to index
      %get3A_607 = tpu.vector_load %arg10[%get3A_606] {strides = array<i32>} : memref<10000xi32, #tpu.memory_space<vmem>>, vector<16xi32>,
      %gather3A_608 = tpu.vector_load_idx %arg8[%get3A_607] : memref<10016xi32, #tpu.memory_space<vmem>>[vector<16xi32>], vector<16xi32>,
      %get3A_609 = arith.index_cast %add3A_605 : i32 to index
      %get3A_610 = tpu.vector_load %arg11[%get3A_609] {strides = array<i32>} : memref<10000xi32, #tpu.memory_space<vmem>>, vector<16xi32>,
      %mul3A_611 = arith.constant 1040 : i32
      %mul3A_612 = vector.broadcast %mul3A_611 : i32 to vector<16xi32>
      %mul3A_613 = arith.muli %get3A_610, %mul3A_612 : vector<16xi32>
      %add3A_614 = arith.addi %mul3A_613, %gather3A_608 : vector<16xi32>
      %mul3A_615 = arith.constant 16384 : i32
      %mul3A_616 = vector.broadcast %mul3A_615 : i32 to vector<16xi32>
      %mul3A_617 = arith.muli %add3A_614, %mul3A_616 : vector<16xi32>
      %get3A_618 = arith.index_cast %add3A_605 : i32 to index
      %get3A_619 = tpu.vector_load %arg9[%get3A_618] {strides = array<i32>} : memref<10000xi32, #tpu.memory_space<vmem>>, vector<16xi32>,
      %add3A_620 = arith.addi %mul3A_617, %get3A_619 : vector<16xi32>
      %lt3A_621 = arith.constant 1024 : i32
      %lt3A_622 = vector.broadcast %lt3A_621 : i32 to vector<16xi32>
      %lt3A_623 = arith.cmpi slt, %gather3A_608, %lt3A_622 : vector<16xi32>
      %mul3A_624 = arith.constant 400 : i32
      %mul3A_625 = arith.muli %scan3A_97, %mul3A_624 : i32
      %add3A_626 = arith.constant 384 : i32
      %add3A_627 = arith.addi %mul3A_625, %add3A_626 : i32
      %get3A_628 = arith.index_cast %add3A_627 : i32 to index
      %get3A_629 = tpu.vector_load %arg10[%get3A_628] {strides = array<i32>} : memref<10000xi32, #tpu.memory_space<vmem>>, vector<16xi32>,
      %gather3A_630 = tpu.vector_load_idx %arg8[%get3A_629] : memref<10016xi32, #tpu.memory_space<vmem>>[vector<16xi32>], vector<16xi32>,
      %get3A_631 = arith.index_cast %add3A_627 : i32 to index
      %get3A_632 = tpu.vector_load %arg11[%get3A_631] {strides = array<i32>} : memref<10000xi32, #tpu.memory_space<vmem>>, vector<16xi32>,
      %mul3A_633 = arith.constant 1040 : i32
      %mul3A_634 = vector.broadcast %mul3A_633 : i32 to vector<16xi32>
      %mul3A_635 = arith.muli %get3A_632, %mul3A_634 : vector<16xi32>
      %add3A_636 = arith.addi %mul3A_635, %gather3A_630 : vector<16xi32>
      %mul3A_637 = arith.constant 16384 : i32
      %mul3A_638 = vector.broadcast %mul3A_637 : i32 to vector<16xi32>
      %mul3A_639 = arith.muli %add3A_636, %mul3A_638 : vector<16xi32>
      %get3A_640 = arith.index_cast %add3A_627 : i32 to index
      %get3A_641 = tpu.vector_load %arg9[%get3A_640] {strides = array<i32>} : memref<10000xi32, #tpu.memory_space<vmem>>, vector<16xi32>,
      %add3A_642 = arith.addi %mul3A_639, %get3A_641 : vector<16xi32>
      %lt3A_643 = arith.constant 1024 : i32
      %lt3A_644 = vector.broadcast %lt3A_643 : i32 to vector<16xi32>
      %lt3A_645 = arith.cmpi slt, %gather3A_630, %lt3A_644 : vector<16xi32>
      %swap3A_646 = arith.index_cast %scan3A_98 : i32 to index
      %swap3A_647 = tpu.vector_load %arg12[%swap3A_646] masked %lt3A_117 {strides = array<i32>} : memref<10176xi32, #tpu.memory_space<vmem>>, vector<16xi32>, vector<16xi1>
      tpu.vector_store %arg12[%swap3A_646], %add3A_115 masked %lt3A_117 {strides = array<i32>} : memref<10176xi32, #tpu.memory_space<vmem>>, vector<16xi32>, vector<16xi1>
      %all_reduce_population_count3A = tpu.all_reduce %lt3A_117 {dim = 0 : i64, kind = #tpu.reduction_kind<sum>} : vector<16xi1> -> vector<16xi32>
      %slice3A = vector.extract_strided_slice %all_reduce_population_count3A {offsets = [0], sizes = [1], strides = [1]} : vector<16xi32> to vector<1xi32>
      %squeeze3A = vector.extract %slice3A[0] : i32 from vector<1xi32>
      %add3A_648 = arith.addi %scan3A_98, %squeeze3A : i32
      %swap3A_649 = arith.index_cast %add3A_648 : i32 to index
      %swap3A_650 = tpu.vector_load %arg12[%swap3A_649] masked %lt3A_139 {strides = array<i32>} : memref<10176xi32, #tpu.memory_space<vmem>>, vector<16xi32>, vector<16xi1>
      tpu.vector_store %arg12[%swap3A_649], %add3A_136 masked %lt3A_139 {strides = array<i32>} : memref<10176xi32, #tpu.memory_space<vmem>>, vector<16xi32>, vector<16xi1>
      %all_reduce_population_count3A_651 = tpu.all_reduce %lt3A_139 {dim = 0 : i64, kind = #tpu.reduction_kind<sum>} : vector<16xi1> -> vector<16xi32>
      %slice3A_652 = vector.extract_strided_slice %all_reduce_population_count3A_651 {offsets = [0], sizes = [1], strides = [1]} : vector<16xi32> to vector<1xi32>
      %squeeze3A_653 = vector.extract %slice3A_652[0] : i32 from vector<1xi32>
      %add3A_654 = arith.addi %add3A_648, %squeeze3A_653 : i32
      %swap3A_655 = arith.index_cast %add3A_654 : i32 to index
      %swap3A_656 = tpu.vector_load %arg12[%swap3A_655] masked %lt3A_161 {strides = array<i32>} : memref<10176xi32, #tpu.memory_space<vmem>>, vector<16xi32>, vector<16xi1>
      tpu.vector_store %arg12[%swap3A_655], %add3A_158 masked %lt3A_161 {strides = array<i32>} : memref<10176xi32, #tpu.memory_space<vmem>>, vector<16xi32>, vector<16xi1>
      %all_reduce_population_count3A_657 = tpu.all_reduce %lt3A_161 {dim = 0 : i64, kind = #tpu.reduction_kind<sum>} : vector<16xi1> -> vector<16xi32>
      %slice3A_658 = vector.extract_strided_slice %all_reduce_population_count3A_657 {offsets = [0], sizes = [1], strides = [1]} : vector<16xi32> to vector<1xi32>
      %squeeze3A_659 = vector.extract %slice3A_658[0] : i32 from vector<1xi32>
      %add3A_660 = arith.addi %add3A_654, %squeeze3A_659 : i32
      %swap3A_661 = arith.index_cast %add3A_660 : i32 to index
      %swap3A_662 = tpu.vector_load %arg12[%swap3A_661] masked %lt3A_183 {strides = array<i32>} : memref<10176xi32, #tpu.memory_space<vmem>>, vector<16xi32>, vector<16xi1>
      tpu.vector_store %arg12[%swap3A_661], %add3A_180 masked %lt3A_183 {strides = array<i32>} : memref<10176xi32, #tpu.memory_space<vmem>>, vector<16xi32>, vector<16xi1>
      %all_reduce_population_count3A_663 = tpu.all_reduce %lt3A_183 {dim = 0 : i64, kind = #tpu.reduction_kind<sum>} : vector<16xi1> -> vector<16xi32>
      %slice3A_664 = vector.extract_strided_slice %all_reduce_population_count3A_663 {offsets = [0], sizes = [1], strides = [1]} : vector<16xi32> to vector<1xi32>
      %squeeze3A_665 = vector.extract %slice3A_664[0] : i32 from vector<1xi32>
      %add3A_666 = arith.addi %add3A_660, %squeeze3A_665 : i32
      %swap3A_667 = arith.index_cast %add3A_666 : i32 to index
      %swap3A_668 = tpu.vector_load %arg12[%swap3A_667] masked %lt3A_205 {strides = array<i32>} : memref<10176xi32, #tpu.memory_space<vmem>>, vector<16xi32>, vector<16xi1>
      tpu.vector_store %arg12[%swap3A_667], %add3A_202 masked %lt3A_205 {strides = array<i32>} : memref<10176xi32, #tpu.memory_space<vmem>>, vector<16xi32>, vector<16xi1>
      %all_reduce_population_count3A_669 = tpu.all_reduce %lt3A_205 {dim = 0 : i64, kind = #tpu.reduction_kind<sum>} : vector<16xi1> -> vector<16xi32>
      %slice3A_670 = vector.extract_strided_slice %all_reduce_population_count3A_669 {offsets = [0], sizes = [1], strides = [1]} : vector<16xi32> to vector<1xi32>
      %squeeze3A_671 = vector.extract %slice3A_670[0] : i32 from vector<1xi32>
      %add3A_672 = arith.addi %add3A_666, %squeeze3A_671 : i32
      %swap3A_673 = arith.index_cast %add3A_672 : i32 to index
      %swap3A_674 = tpu.vector_load %arg12[%swap3A_673] masked %lt3A_227 {strides = array<i32>} : memref<10176xi32, #tpu.memory_space<vmem>>, vector<16xi32>, vector<16xi1>
      tpu.vector_store %arg12[%swap3A_673], %add3A_224 masked %lt3A_227 {strides = array<i32>} : memref<10176xi32, #tpu.memory_space<vmem>>, vector<16xi32>, vector<16xi1>
      %all_reduce_population_count3A_675 = tpu.all_reduce %lt3A_227 {dim = 0 : i64, kind = #tpu.reduction_kind<sum>} : vector<16xi1> -> vector<16xi32>
      %slice3A_676 = vector.extract_strided_slice %all_reduce_population_count3A_675 {offsets = [0], sizes = [1], strides = [1]} : vector<16xi32> to vector<1xi32>
      %squeeze3A_677 = vector.extract %slice3A_676[0] : i32 from vector<1xi32>
      %add3A_678 = arith.addi %add3A_672, %squeeze3A_677 : i32
      %swap3A_679 = arith.index_cast %add3A_678 : i32 to index
      %swap3A_680 = tpu.vector_load %arg12[%swap3A_679] masked %lt3A_249 {strides = array<i32>} : memref<10176xi32, #tpu.memory_space<vmem>>, vector<16xi32>, vector<16xi1>
      tpu.vector_store %arg12[%swap3A_679], %add3A_246 masked %lt3A_249 {strides = array<i32>} : memref<10176xi32, #tpu.memory_space<vmem>>, vector<16xi32>, vector<16xi1>
      %all_reduce_population_count3A_681 = tpu.all_reduce %lt3A_249 {dim = 0 : i64, kind = #tpu.reduction_kind<sum>} : vector<16xi1> -> vector<16xi32>
      %slice3A_682 = vector.extract_strided_slice %all_reduce_population_count3A_681 {offsets = [0], sizes = [1], strides = [1]} : vector<16xi32> to vector<1xi32>
      %squeeze3A_683 = vector.extract %slice3A_682[0] : i32 from vector<1xi32>
      %add3A_684 = arith.addi %add3A_678, %squeeze3A_683 : i32
      %swap3A_685 = arith.index_cast %add3A_684 : i32 to index
      %swap3A_686 = tpu.vector_load %arg12[%swap3A_685] masked %lt3A_271 {strides = array<i32>} : memref<10176xi32, #tpu.memory_space<vmem>>, vector<16xi32>, vector<16xi1>
      tpu.vector_store %arg12[%swap3A_685], %add3A_268 masked %lt3A_271 {strides = array<i32>} : memref<10176xi32, #tpu.memory_space<vmem>>, vector<16xi32>, vector<16xi1>
      %all_reduce_population_count3A_687 = tpu.all_reduce %lt3A_271 {dim = 0 : i64, kind = #tpu.reduction_kind<sum>} : vector<16xi1> -> vector<16xi32>
      %slice3A_688 = vector.extract_strided_slice %all_reduce_population_count3A_687 {offsets = [0], sizes = [1], strides = [1]} : vector<16xi32> to vector<1xi32>
      %squeeze3A_689 = vector.extract %slice3A_688[0] : i32 from vector<1xi32>
      %add3A_690 = arith.addi %add3A_684, %squeeze3A_689 : i32
      %swap3A_691 = arith.index_cast %add3A_690 : i32 to index
      %swap3A_692 = tpu.vector_load %arg12[%swap3A_691] masked %lt3A_293 {strides = array<i32>} : memref<10176xi32, #tpu.memory_space<vmem>>, vector<16xi32>, vector<16xi1>
      tpu.vector_store %arg12[%swap3A_691], %add3A_290 masked %lt3A_293 {strides = array<i32>} : memref<10176xi32, #tpu.memory_space<vmem>>, vector<16xi32>, vector<16xi1>
      %all_reduce_population_count3A_693 = tpu.all_reduce %lt3A_293 {dim = 0 : i64, kind = #tpu.reduction_kind<sum>} : vector<16xi1> -> vector<16xi32>
      %slice3A_694 = vector.extract_strided_slice %all_reduce_population_count3A_693 {offsets = [0], sizes = [1], strides = [1]} : vector<16xi32> to vector<1xi32>
      %squeeze3A_695 = vector.extract %slice3A_694[0] : i32 from vector<1xi32>
      %add3A_696 = arith.addi %add3A_690, %squeeze3A_695 : i32
      %swap3A_697 = arith.index_cast %add3A_696 : i32 to index
      %swap3A_698 = tpu.vector_load %arg12[%swap3A_697] masked %lt3A_315 {strides = array<i32>} : memref<10176xi32, #tpu.memory_space<vmem>>, vector<16xi32>, vector<16xi1>
      tpu.vector_store %arg12[%swap3A_697], %add3A_312 masked %lt3A_315 {strides = array<i32>} : memref<10176xi32, #tpu.memory_space<vmem>>, vector<16xi32>, vector<16xi1>
      %all_reduce_population_count3A_699 = tpu.all_reduce %lt3A_315 {dim = 0 : i64, kind = #tpu.reduction_kind<sum>} : vector<16xi1> -> vector<16xi32>
      %slice3A_700 = vector.extract_strided_slice %all_reduce_population_count3A_699 {offsets = [0], sizes = [1], strides = [1]} : vector<16xi32> to vector<1xi32>
      %squeeze3A_701 = vector.extract %slice3A_700[0] : i32 from vector<1xi32>
      %add3A_702 = arith.addi %add3A_696, %squeeze3A_701 : i32
      %swap3A_703 = arith.index_cast %add3A_702 : i32 to index
      %swap3A_704 = tpu.vector_load %arg12[%swap3A_703] masked %lt3A_337 {strides = array<i32>} : memref<10176xi32, #tpu.memory_space<vmem>>, vector<16xi32>, vector<16xi1>
      tpu.vector_store %arg12[%swap3A_703], %add3A_334 masked %lt3A_337 {strides = array<i32>} : memref<10176xi32, #tpu.memory_space<vmem>>, vector<16xi32>, vector<16xi1>
      %all_reduce_population_count3A_705 = tpu.all_reduce %lt3A_337 {dim = 0 : i64, kind = #tpu.reduction_kind<sum>} : vector<16xi1> -> vector<16xi32>
      %slice3A_706 = vector.extract_strided_slice %all_reduce_population_count3A_705 {offsets = [0], sizes = [1], strides = [1]} : vector<16xi32> to vector<1xi32>
      %squeeze3A_707 = vector.extract %slice3A_706[0] : i32 from vector<1xi32>
      %add3A_708 = arith.addi %add3A_702, %squeeze3A_707 : i32
      %swap3A_709 = arith.index_cast %add3A_708 : i32 to index
      %swap3A_710 = tpu.vector_load %arg12[%swap3A_709] masked %lt3A_359 {strides = array<i32>} : memref<10176xi32, #tpu.memory_space<vmem>>, vector<16xi32>, vector<16xi1>
      tpu.vector_store %arg12[%swap3A_709], %add3A_356 masked %lt3A_359 {strides = array<i32>} : memref<10176xi32, #tpu.memory_space<vmem>>, vector<16xi32>, vector<16xi1>
      %all_reduce_population_count3A_711 = tpu.all_reduce %lt3A_359 {dim = 0 : i64, kind = #tpu.reduction_kind<sum>} : vector<16xi1> -> vector<16xi32>
      %slice3A_712 = vector.extract_strided_slice %all_reduce_population_count3A_711 {offsets = [0], sizes = [1], strides = [1]} : vector<16xi32> to vector<1xi32>
      %squeeze3A_713 = vector.extract %slice3A_712[0] : i32 from vector<1xi32>
      %add3A_714 = arith.addi %add3A_708, %squeeze3A_713 : i32
      %swap3A_715 = arith.index_cast %add3A_714 : i32 to index
      %swap3A_716 = tpu.vector_load %arg12[%swap3A_715] masked %lt3A_381 {strides = array<i32>} : memref<10176xi32, #tpu.memory_space<vmem>>, vector<16xi32>, vector<16xi1>
      tpu.vector_store %arg12[%swap3A_715], %add3A_378 masked %lt3A_381 {strides = array<i32>} : memref<10176xi32, #tpu.memory_space<vmem>>, vector<16xi32>, vector<16xi1>
      %all_reduce_population_count3A_717 = tpu.all_reduce %lt3A_381 {dim = 0 : i64, kind = #tpu.reduction_kind<sum>} : vector<16xi1> -> vector<16xi32>
      %slice3A_718 = vector.extract_strided_slice %all_reduce_population_count3A_717 {offsets = [0], sizes = [1], strides = [1]} : vector<16xi32> to vector<1xi32>
      %squeeze3A_719 = vector.extract %slice3A_718[0] : i32 from vector<1xi32>
      %add3A_720 = arith.addi %add3A_714, %squeeze3A_719 : i32
      %swap3A_721 = arith.index_cast %add3A_720 : i32 to index
      %swap3A_722 = tpu.vector_load %arg12[%swap3A_721] masked %lt3A_403 {strides = array<i32>} : memref<10176xi32, #tpu.memory_space<vmem>>, vector<16xi32>, vector<16xi1>
      tpu.vector_store %arg12[%swap3A_721], %add3A_400 masked %lt3A_403 {strides = array<i32>} : memref<10176xi32, #tpu.memory_space<vmem>>, vector<16xi32>, vector<16xi1>
      %all_reduce_population_count3A_723 = tpu.all_reduce %lt3A_403 {dim = 0 : i64, kind = #tpu.reduction_kind<sum>} : vector<16xi1> -> vector<16xi32>
      %slice3A_724 = vector.extract_strided_slice %all_reduce_population_count3A_723 {offsets = [0], sizes = [1], strides = [1]} : vector<16xi32> to vector<1xi32>
      %squeeze3A_725 = vector.extract %slice3A_724[0] : i32 from vector<1xi32>
      %add3A_726 = arith.addi %add3A_720, %squeeze3A_725 : i32
      %swap3A_727 = arith.index_cast %add3A_726 : i32 to index
      %swap3A_728 = tpu.vector_load %arg12[%swap3A_727] masked %lt3A_425 {strides = array<i32>} : memref<10176xi32, #tpu.memory_space<vmem>>, vector<16xi32>, vector<16xi1>
      tpu.vector_store %arg12[%swap3A_727], %add3A_422 masked %lt3A_425 {strides = array<i32>} : memref<10176xi32, #tpu.memory_space<vmem>>, vector<16xi32>, vector<16xi1>
      %all_reduce_population_count3A_729 = tpu.all_reduce %lt3A_425 {dim = 0 : i64, kind = #tpu.reduction_kind<sum>} : vector<16xi1> -> vector<16xi32>
      %slice3A_730 = vector.extract_strided_slice %all_reduce_population_count3A_729 {offsets = [0], sizes = [1], strides = [1]} : vector<16xi32> to vector<1xi32>
      %squeeze3A_731 = vector.extract %slice3A_730[0] : i32 from vector<1xi32>
      %add3A_732 = arith.addi %add3A_726, %squeeze3A_731 : i32
      %swap3A_733 = arith.index_cast %add3A_732 : i32 to index
      %swap3A_734 = tpu.vector_load %arg12[%swap3A_733] masked %lt3A_447 {strides = array<i32>} : memref<10176xi32, #tpu.memory_space<vmem>>, vector<16xi32>, vector<16xi1>
      tpu.vector_store %arg12[%swap3A_733], %add3A_444 masked %lt3A_447 {strides = array<i32>} : memref<10176xi32, #tpu.memory_space<vmem>>, vector<16xi32>, vector<16xi1>
      %all_reduce_population_count3A_735 = tpu.all_reduce %lt3A_447 {dim = 0 : i64, kind = #tpu.reduction_kind<sum>} : vector<16xi1> -> vector<16xi32>
      %slice3A_736 = vector.extract_strided_slice %all_reduce_population_count3A_735 {offsets = [0], sizes = [1], strides = [1]} : vector<16xi32> to vector<1xi32>
      %squeeze3A_737 = vector.extract %slice3A_736[0] : i32 from vector<1xi32>
      %add3A_738 = arith.addi %add3A_732, %squeeze3A_737 : i32
      %swap3A_739 = arith.index_cast %add3A_738 : i32 to index
      %swap3A_740 = tpu.vector_load %arg12[%swap3A_739] masked %lt3A_469 {strides = array<i32>} : memref<10176xi32, #tpu.memory_space<vmem>>, vector<16xi32>, vector<16xi1>
      tpu.vector_store %arg12[%swap3A_739], %add3A_466 masked %lt3A_469 {strides = array<i32>} : memref<10176xi32, #tpu.memory_space<vmem>>, vector<16xi32>, vector<16xi1>
      %all_reduce_population_count3A_741 = tpu.all_reduce %lt3A_469 {dim = 0 : i64, kind = #tpu.reduction_kind<sum>} : vector<16xi1> -> vector<16xi32>
      %slice3A_742 = vector.extract_strided_slice %all_reduce_population_count3A_741 {offsets = [0], sizes = [1], strides = [1]} : vector<16xi32> to vector<1xi32>
      %squeeze3A_743 = vector.extract %slice3A_742[0] : i32 from vector<1xi32>
      %add3A_744 = arith.addi %add3A_738, %squeeze3A_743 : i32
      %swap3A_745 = arith.index_cast %add3A_744 : i32 to index
      %swap3A_746 = tpu.vector_load %arg12[%swap3A_745] masked %lt3A_491 {strides = array<i32>} : memref<10176xi32, #tpu.memory_space<vmem>>, vector<16xi32>, vector<16xi1>
      tpu.vector_store %arg12[%swap3A_745], %add3A_488 masked %lt3A_491 {strides = array<i32>} : memref<10176xi32, #tpu.memory_space<vmem>>, vector<16xi32>, vector<16xi1>
      %all_reduce_population_count3A_747 = tpu.all_reduce %lt3A_491 {dim = 0 : i64, kind = #tpu.reduction_kind<sum>} : vector<16xi1> -> vector<16xi32>
      %slice3A_748 = vector.extract_strided_slice %all_reduce_population_count3A_747 {offsets = [0], sizes = [1], strides = [1]} : vector<16xi32> to vector<1xi32>
      %squeeze3A_749 = vector.extract %slice3A_748[0] : i32 from vector<1xi32>
      %add3A_750 = arith.addi %add3A_744, %squeeze3A_749 : i32
      %swap3A_751 = arith.index_cast %add3A_750 : i32 to index
      %swap3A_752 = tpu.vector_load %arg12[%swap3A_751] masked %lt3A_513 {strides = array<i32>} : memref<10176xi32, #tpu.memory_space<vmem>>, vector<16xi32>, vector<16xi1>
      tpu.vector_store %arg12[%swap3A_751], %add3A_510 masked %lt3A_513 {strides = array<i32>} : memref<10176xi32, #tpu.memory_space<vmem>>, vector<16xi32>, vector<16xi1>
      %all_reduce_population_count3A_753 = tpu.all_reduce %lt3A_513 {dim = 0 : i64, kind = #tpu.reduction_kind<sum>} : vector<16xi1> -> vector<16xi32>
      %slice3A_754 = vector.extract_strided_slice %all_reduce_population_count3A_753 {offsets = [0], sizes = [1], strides = [1]} : vector<16xi32> to vector<1xi32>
      %squeeze3A_755 = vector.extract %slice3A_754[0] : i32 from vector<1xi32>
      %add3A_756 = arith.addi %add3A_750, %squeeze3A_755 : i32
      %swap3A_757 = arith.index_cast %add3A_756 : i32 to index
      %swap3A_758 = tpu.vector_load %arg12[%swap3A_757] masked %lt3A_535 {strides = array<i32>} : memref<10176xi32, #tpu.memory_space<vmem>>, vector<16xi32>, vector<16xi1>
      tpu.vector_store %arg12[%swap3A_757], %add3A_532 masked %lt3A_535 {strides = array<i32>} : memref<10176xi32, #tpu.memory_space<vmem>>, vector<16xi32>, vector<16xi1>
      %all_reduce_population_count3A_759 = tpu.all_reduce %lt3A_535 {dim = 0 : i64, kind = #tpu.reduction_kind<sum>} : vector<16xi1> -> vector<16xi32>
      %slice3A_760 = vector.extract_strided_slice %all_reduce_population_count3A_759 {offsets = [0], sizes = [1], strides = [1]} : vector<16xi32> to vector<1xi32>
      %squeeze3A_761 = vector.extract %slice3A_760[0] : i32 from vector<1xi32>
      %add3A_762 = arith.addi %add3A_756, %squeeze3A_761 : i32
      %swap3A_763 = arith.index_cast %add3A_762 : i32 to index
      %swap3A_764 = tpu.vector_load %arg12[%swap3A_763] masked %lt3A_557 {strides = array<i32>} : memref<10176xi32, #tpu.memory_space<vmem>>, vector<16xi32>, vector<16xi1>
      tpu.vector_store %arg12[%swap3A_763], %add3A_554 masked %lt3A_557 {strides = array<i32>} : memref<10176xi32, #tpu.memory_space<vmem>>, vector<16xi32>, vector<16xi1>
      %all_reduce_population_count3A_765 = tpu.all_reduce %lt3A_557 {dim = 0 : i64, kind = #tpu.reduction_kind<sum>} : vector<16xi1> -> vector<16xi32>
      %slice3A_766 = vector.extract_strided_slice %all_reduce_population_count3A_765 {offsets = [0], sizes = [1], strides = [1]} : vector<16xi32> to vector<1xi32>
      %squeeze3A_767 = vector.extract %slice3A_766[0] : i32 from vector<1xi32>
      %add3A_768 = arith.addi %add3A_762, %squeeze3A_767 : i32
      %swap3A_769 = arith.index_cast %add3A_768 : i32 to index
      %swap3A_770 = tpu.vector_load %arg12[%swap3A_769] masked %lt3A_579 {strides = array<i32>} : memref<10176xi32, #tpu.memory_space<vmem>>, vector<16xi32>, vector<16xi1>
      tpu.vector_store %arg12[%swap3A_769], %add3A_576 masked %lt3A_579 {strides = array<i32>} : memref<10176xi32, #tpu.memory_space<vmem>>, vector<16xi32>, vector<16xi1>
      %all_reduce_population_count3A_771 = tpu.all_reduce %lt3A_579 {dim = 0 : i64, kind = #tpu.reduction_kind<sum>} : vector<16xi1> -> vector<16xi32>
      %slice3A_772 = vector.extract_strided_slice %all_reduce_population_count3A_771 {offsets = [0], sizes = [1], strides = [1]} : vector<16xi32> to vector<1xi32>
      %squeeze3A_773 = vector.extract %slice3A_772[0] : i32 from vector<1xi32>
      %add3A_774 = arith.addi %add3A_768, %squeeze3A_773 : i32
      %swap3A_775 = arith.index_cast %add3A_774 : i32 to index
      %swap3A_776 = tpu.vector_load %arg12[%swap3A_775] masked %lt3A_601 {strides = array<i32>} : memref<10176xi32, #tpu.memory_space<vmem>>, vector<16xi32>, vector<16xi1>
      tpu.vector_store %arg12[%swap3A_775], %add3A_598 masked %lt3A_601 {strides = array<i32>} : memref<10176xi32, #tpu.memory_space<vmem>>, vector<16xi32>, vector<16xi1>
      %all_reduce_population_count3A_777 = tpu.all_reduce %lt3A_601 {dim = 0 : i64, kind = #tpu.reduction_kind<sum>} : vector<16xi1> -> vector<16xi32>
      %slice3A_778 = vector.extract_strided_slice %all_reduce_population_count3A_777 {offsets = [0], sizes = [1], strides = [1]} : vector<16xi32> to vector<1xi32>
      %squeeze3A_779 = vector.extract %slice3A_778[0] : i32 from vector<1xi32>
      %add3A_780 = arith.addi %add3A_774, %squeeze3A_779 : i32
      %swap3A_781 = arith.index_cast %add3A_780 : i32 to index
      %swap3A_782 = tpu.vector_load %arg12[%swap3A_781] masked %lt3A_623 {strides = array<i32>} : memref<10176xi32, #tpu.memory_space<vmem>>, vector<16xi32>, vector<16xi1>
      tpu.vector_store %arg12[%swap3A_781], %add3A_620 masked %lt3A_623 {strides = array<i32>} : memref<10176xi32, #tpu.memory_space<vmem>>, vector<16xi32>, vector<16xi1>
      %all_reduce_population_count3A_783 = tpu.all_reduce %lt3A_623 {dim = 0 : i64, kind = #tpu.reduction_kind<sum>} : vector<16xi1> -> vector<16xi32>
      %slice3A_784 = vector.extract_strided_slice %all_reduce_population_count3A_783 {offsets = [0], sizes = [1], strides = [1]} : vector<16xi32> to vector<1xi32>
      %squeeze3A_785 = vector.extract %slice3A_784[0] : i32 from vector<1xi32>
      %add3A_786 = arith.addi %add3A_780, %squeeze3A_785 : i32
      %swap3A_787 = arith.index_cast %add3A_786 : i32 to index
      %swap3A_788 = tpu.vector_load %arg12[%swap3A_787] masked %lt3A_645 {strides = array<i32>} : memref<10176xi32, #tpu.memory_space<vmem>>, vector<16xi32>, vector<16xi1>
      tpu.vector_store %arg12[%swap3A_787], %add3A_642 masked %lt3A_645 {strides = array<i32>} : memref<10176xi32, #tpu.memory_space<vmem>>, vector<16xi32>, vector<16xi1>
      %all_reduce_population_count3A_789 = tpu.all_reduce %lt3A_645 {dim = 0 : i64, kind = #tpu.reduction_kind<sum>} : vector<16xi1> -> vector<16xi32>
      %slice3A_790 = vector.extract_strided_slice %all_reduce_population_count3A_789 {offsets = [0], sizes = [1], strides = [1]} : vector<16xi32> to vector<1xi32>
      %squeeze3A_791 = vector.extract %slice3A_790[0] : i32 from vector<1xi32>
      %add3A_792 = arith.addi %add3A_786, %squeeze3A_791 : i32
      scf.yield %add3A_792 : i32
    }
    %scan3A_32 = arith.constant 25 : i32
    %broadcast_in_dim3A = arith.constant 16787216 : i32
    %broadcast_in_dim3A_33 = vector.broadcast %broadcast_in_dim3A : i32 to vector<16xi32>
    %add3A_34 = arith.constant 0 : i32
    %add3A_35 = arith.addi %scan3A_31, %add3A_34 : i32
    %swap3A = arith.index_cast %add3A_35 : i32 to index
    %swap3A_36 = tpu.vector_load %arg12[%swap3A] {strides = array<i32>} : memref<10176xi32, #tpu.memory_space<vmem>>, vector<16xi32>,
    tpu.vector_store %arg12[%swap3A], %broadcast_in_dim3A_33 {strides = array<i32>} : memref<10176xi32, #tpu.memory_space<vmem>>, vector<16xi32>,
    %add3A_37 = arith.constant 16 : i32
    %add3A_38 = arith.addi %scan3A_31, %add3A_37 : i32
    %swap3A_39 = arith.index_cast %add3A_38 : i32 to index
    %swap3A_40 = tpu.vector_load %arg12[%swap3A_39] {strides = array<i32>} : memref<10176xi32, #tpu.memory_space<vmem>>, vector<16xi32>,
    tpu.vector_store %arg12[%swap3A_39], %broadcast_in_dim3A_33 {strides = array<i32>} : memref<10176xi32, #tpu.memory_space<vmem>>, vector<16xi32>,
    %add3A_41 = arith.constant 32 : i32
    %add3A_42 = arith.addi %scan3A_31, %add3A_41 : i32
    %swap3A_43 = arith.index_cast %add3A_42 : i32 to index
    %swap3A_44 = tpu.vector_load %arg12[%swap3A_43] {strides = array<i32>} : memref<10176xi32, #tpu.memory_space<vmem>>, vector<16xi32>,
    tpu.vector_store %arg12[%swap3A_43], %broadcast_in_dim3A_33 {strides = array<i32>} : memref<10176xi32, #tpu.memory_space<vmem>>, vector<16xi32>,
    %add3A_45 = arith.constant 48 : i32
    %add3A_46 = arith.addi %scan3A_31, %add3A_45 : i32
    %swap3A_47 = arith.index_cast %add3A_46 : i32 to index
    %swap3A_48 = tpu.vector_load %arg12[%swap3A_47] {strides = array<i32>} : memref<10176xi32, #tpu.memory_space<vmem>>, vector<16xi32>,
    tpu.vector_store %arg12[%swap3A_47], %broadcast_in_dim3A_33 {strides = array<i32>} : memref<10176xi32, #tpu.memory_space<vmem>>, vector<16xi32>,
    %add3A_49 = arith.constant 64 : i32
    %add3A_50 = arith.addi %scan3A_31, %add3A_49 : i32
    %swap3A_51 = arith.index_cast %add3A_50 : i32 to index
    %swap3A_52 = tpu.vector_load %arg12[%swap3A_51] {strides = array<i32>} : memref<10176xi32, #tpu.memory_space<vmem>>, vector<16xi32>,
    tpu.vector_store %arg12[%swap3A_51], %broadcast_in_dim3A_33 {strides = array<i32>} : memref<10176xi32, #tpu.memory_space<vmem>>, vector<16xi32>,
    %add3A_53 = arith.constant 80 : i32
    %add3A_54 = arith.addi %scan3A_31, %add3A_53 : i32
    %swap3A_55 = arith.index_cast %add3A_54 : i32 to index
    %swap3A_56 = tpu.vector_load %arg12[%swap3A_55] {strides = array<i32>} : memref<10176xi32, #tpu.memory_space<vmem>>, vector<16xi32>,
    tpu.vector_store %arg12[%swap3A_55], %broadcast_in_dim3A_33 {strides = array<i32>} : memref<10176xi32, #tpu.memory_space<vmem>>, vector<16xi32>,
    %add3A_57 = arith.constant 96 : i32
    %add3A_58 = arith.addi %scan3A_31, %add3A_57 : i32
    %swap3A_59 = arith.index_cast %add3A_58 : i32 to index
    %swap3A_60 = tpu.vector_load %arg12[%swap3A_59] {strides = array<i32>} : memref<10176xi32, #tpu.memory_space<vmem>>, vector<16xi32>,
    tpu.vector_store %arg12[%swap3A_59], %broadcast_in_dim3A_33 {strides = array<i32>} : memref<10176xi32, #tpu.memory_space<vmem>>, vector<16xi32>,
    %add3A_61 = arith.constant 112 : i32
    %add3A_62 = arith.addi %scan3A_31, %add3A_61 : i32
    %swap3A_63 = arith.index_cast %add3A_62 : i32 to index
    %swap3A_64 = tpu.vector_load %arg12[%swap3A_63] {strides = array<i32>} : memref<10176xi32, #tpu.memory_space<vmem>>, vector<16xi32>,
    tpu.vector_store %arg12[%swap3A_63], %broadcast_in_dim3A_33 {strides = array<i32>} : memref<10176xi32, #tpu.memory_space<vmem>>, vector<16xi32>,
    %add3A_65 = arith.constant 127 : i32
    %add3A_66 = arith.addi %scan3A_31, %add3A_65 : i32
    %jit3A = arith.constant 128 : i32
    %div3A = arith.divsi %add3A_66, %jit3A : i32
    %sign3A = arith.constant 0 : i32
    %sign3A_67 = arith.cmpi sgt, %add3A_66, %sign3A : i32
    %sign3A_68 = arith.extui %sign3A_67 : i1 to i32
    %sign3A_69 = arith.constant 0 : i32
    %sign3A_70 = arith.cmpi slt, %add3A_66, %sign3A_69 : i32
    %sign3A_71 = arith.extui %sign3A_70 : i1 to i32
    %sign3A_72 = arith.subi %sign3A_68, %sign3A_71 : i32
    %sign3A_73 = arith.constant 0 : i32
    %sign3A_74 = arith.cmpi sgt, %jit3A, %sign3A_73 : i32
    %sign3A_75 = arith.extui %sign3A_74 : i1 to i32
    %sign3A_76 = arith.constant 0 : i32
    %sign3A_77 = arith.cmpi slt, %jit3A, %sign3A_76 : i32
    %sign3A_78 = arith.extui %sign3A_77 : i1 to i32
    %sign3A_79 = arith.subi %sign3A_75, %sign3A_78 : i32
    %ne3A = arith.cmpi ne, %sign3A_72, %sign3A_79 : i32
    %rem3A = arith.remsi %add3A_66, %jit3A : i32
    %ne3A_80 = arith.constant 0 : i32
    %ne3A_81 = arith.cmpi ne, %rem3A, %ne3A_80 : i32
    %and3A = arith.andi %ne3A, %ne3A_81 : i1
    %sub3A = arith.constant 1 : i32
    %sub3A_82 = arith.subi %div3A, %sub3A : i32
    %select_n3A = arith.select %and3A, %sub3A_82, %div3A : i32
    %while3A = arith.constant 0 : i32
    %while3A_83 = arith.constant 0 : i32
    %while3A_84 = arith.subi %select_n3A, %while3A_83 : i32
    %while3A_85 = arith.addi %while3A_83, %while3A_84 : i32
    %while3A_86 = arith.constant 1 : i32
    %while3A_87 = arith.divsi %while3A_84, %while3A_86 : i32
    %while3A_88 = arith.muli %while3A_87, %while3A_86 : i32
    %while3A_89 = arith.addi %while3A_83, %while3A_88 : i32
    %while3A_90 = arith.constant 1 : i32
    scf.for %while3A_97 = %while3A_83 to %while3A_89 step %while3A_90  : i32 {
      %mul3A_98 = arith.constant 128 : i32
      %mul3A_99 = arith.muli %while3A_97, %mul3A_98 : i32
      %add3A_100 = arith.constant 0 : i32
      %add3A_101 = arith.addi %mul3A_99, %add3A_100 : i32
      %get3A = arith.index_cast %add3A_101 : i32 to index
      %get3A_102 = tpu.vector_load %arg12[%get3A] {strides = array<i32>} : memref<10176xi32, #tpu.memory_space<vmem>>, vector<16xi32>,
      %and3A_103 = arith.constant 16383 : i32
      %and3A_104 = vector.broadcast %and3A_103 : i32 to vector<16xi32>
      %and3A_105 = arith.andi %get3A_102, %and3A_104 : vector<16xi32>
      %swap3A_106 = arith.constant 0 : index
      %swap3A_107 = tpu.vector_load %arg14[%swap3A_106] {strides = array<i32>} : memref<128xi32, #tpu.memory_space<vmem>>, vector<16xi32>,
      tpu.vector_store %arg14[%swap3A_106], %and3A_105 {strides = array<i32>} : memref<128xi32, #tpu.memory_space<vmem>>, vector<16xi32>,
      %shift_right_logical3A = arith.constant 14 : i32
      %shift_right_logical3A_108 = vector.broadcast %shift_right_logical3A : i32 to vector<16xi32>
      %shift_right_logical3A_109 = arith.shrui %get3A_102, %shift_right_logical3A_108 : vector<16xi32>
      %swap3A_110 = arith.constant 0 : index
      %swap3A_111 = tpu.vector_load %arg13[%swap3A_110] {strides = array<i32>} : memref<128xi32, #tpu.memory_space<vmem>>, vector<16xi32>,
      tpu.vector_store %arg13[%swap3A_110], %shift_right_logical3A_109 {strides = array<i32>} : memref<128xi32, #tpu.memory_space<vmem>>, vector<16xi32>,
      %mul3A_112 = arith.constant 128 : i32
      %mul3A_113 = arith.muli %while3A_97, %mul3A_112 : i32
      %add3A_114 = arith.constant 16 : i32
      %add3A_115 = arith.addi %mul3A_113, %add3A_114 : i32
      %get3A_116 = arith.index_cast %add3A_115 : i32 to index
      %get3A_117 = tpu.vector_load %arg12[%get3A_116] {strides = array<i32>} : memref<10176xi32, #tpu.memory_space<vmem>>, vector<16xi32>,
      %and3A_118 = arith.constant 16383 : i32
      %and3A_119 = vector.broadcast %and3A_118 : i32 to vector<16xi32>
      %and3A_120 = arith.andi %get3A_117, %and3A_119 : vector<16xi32>
      %swap3A_121 = arith.constant 16 : index
      %swap3A_122 = tpu.vector_load %arg14[%swap3A_121] {strides = array<i32>} : memref<128xi32, #tpu.memory_space<vmem>>, vector<16xi32>,
      tpu.vector_store %arg14[%swap3A_121], %and3A_120 {strides = array<i32>} : memref<128xi32, #tpu.memory_space<vmem>>, vector<16xi32>,
      %shift_right_logical3A_123 = arith.constant 14 : i32
      %shift_right_logical3A_124 = vector.broadcast %shift_right_logical3A_123 : i32 to vector<16xi32>
      %shift_right_logical3A_125 = arith.shrui %get3A_117, %shift_right_logical3A_124 : vector<16xi32>
      %swap3A_126 = arith.constant 16 : index
      %swap3A_127 = tpu.vector_load %arg13[%swap3A_126] {strides = array<i32>} : memref<128xi32, #tpu.memory_space<vmem>>, vector<16xi32>,
      tpu.vector_store %arg13[%swap3A_126], %shift_right_logical3A_125 {strides = array<i32>} : memref<128xi32, #tpu.memory_space<vmem>>, vector<16xi32>,
      %mul3A_128 = arith.constant 128 : i32
      %mul3A_129 = arith.muli %while3A_97, %mul3A_128 : i32
      %add3A_130 = arith.constant 32 : i32
      %add3A_131 = arith.addi %mul3A_129, %add3A_130 : i32
      %get3A_132 = arith.index_cast %add3A_131 : i32 to index
      %get3A_133 = tpu.vector_load %arg12[%get3A_132] {strides = array<i32>} : memref<10176xi32, #tpu.memory_space<vmem>>, vector<16xi32>,
      %and3A_134 = arith.constant 16383 : i32
      %and3A_135 = vector.broadcast %and3A_134 : i32 to vector<16xi32>
      %and3A_136 = arith.andi %get3A_133, %and3A_135 : vector<16xi32>
      %swap3A_137 = arith.constant 32 : index
      %swap3A_138 = tpu.vector_load %arg14[%swap3A_137] {strides = array<i32>} : memref<128xi32, #tpu.memory_space<vmem>>, vector<16xi32>,
      tpu.vector_store %arg14[%swap3A_137], %and3A_136 {strides = array<i32>} : memref<128xi32, #tpu.memory_space<vmem>>, vector<16xi32>,
      %shift_right_logical3A_139 = arith.constant 14 : i32
      %shift_right_logical3A_140 = vector.broadcast %shift_right_logical3A_139 : i32 to vector<16xi32>
      %shift_right_logical3A_141 = arith.shrui %get3A_133, %shift_right_logical3A_140 : vector<16xi32>
      %swap3A_142 = arith.constant 32 : index
      %swap3A_143 = tpu.vector_load %arg13[%swap3A_142] {strides = array<i32>} : memref<128xi32, #tpu.memory_space<vmem>>, vector<16xi32>,
      tpu.vector_store %arg13[%swap3A_142], %shift_right_logical3A_141 {strides = array<i32>} : memref<128xi32, #tpu.memory_space<vmem>>, vector<16xi32>,
      %mul3A_144 = arith.constant 128 : i32
      %mul3A_145 = arith.muli %while3A_97, %mul3A_144 : i32
      %add3A_146 = arith.constant 48 : i32
      %add3A_147 = arith.addi %mul3A_145, %add3A_146 : i32
      %get3A_148 = arith.index_cast %add3A_147 : i32 to index
      %get3A_149 = tpu.vector_load %arg12[%get3A_148] {strides = array<i32>} : memref<10176xi32, #tpu.memory_space<vmem>>, vector<16xi32>,
      %and3A_150 = arith.constant 16383 : i32
      %and3A_151 = vector.broadcast %and3A_150 : i32 to vector<16xi32>
      %and3A_152 = arith.andi %get3A_149, %and3A_151 : vector<16xi32>
      %swap3A_153 = arith.constant 48 : index
      %swap3A_154 = tpu.vector_load %arg14[%swap3A_153] {strides = array<i32>} : memref<128xi32, #tpu.memory_space<vmem>>, vector<16xi32>,
      tpu.vector_store %arg14[%swap3A_153], %and3A_152 {strides = array<i32>} : memref<128xi32, #tpu.memory_space<vmem>>, vector<16xi32>,
      %shift_right_logical3A_155 = arith.constant 14 : i32
      %shift_right_logical3A_156 = vector.broadcast %shift_right_logical3A_155 : i32 to vector<16xi32>
      %shift_right_logical3A_157 = arith.shrui %get3A_149, %shift_right_logical3A_156 : vector<16xi32>
      %swap3A_158 = arith.constant 48 : index
      %swap3A_159 = tpu.vector_load %arg13[%swap3A_158] {strides = array<i32>} : memref<128xi32, #tpu.memory_space<vmem>>, vector<16xi32>,
      tpu.vector_store %arg13[%swap3A_158], %shift_right_logical3A_157 {strides = array<i32>} : memref<128xi32, #tpu.memory_space<vmem>>, vector<16xi32>,
      %mul3A_160 = arith.constant 128 : i32
      %mul3A_161 = arith.muli %while3A_97, %mul3A_160 : i32
      %add3A_162 = arith.constant 64 : i32
      %add3A_163 = arith.addi %mul3A_161, %add3A_162 : i32
      %get3A_164 = arith.index_cast %add3A_163 : i32 to index
      %get3A_165 = tpu.vector_load %arg12[%get3A_164] {strides = array<i32>} : memref<10176xi32, #tpu.memory_space<vmem>>, vector<16xi32>,
      %and3A_166 = arith.constant 16383 : i32
      %and3A_167 = vector.broadcast %and3A_166 : i32 to vector<16xi32>
      %and3A_168 = arith.andi %get3A_165, %and3A_167 : vector<16xi32>
      %swap3A_169 = arith.constant 64 : index
      %swap3A_170 = tpu.vector_load %arg14[%swap3A_169] {strides = array<i32>} : memref<128xi32, #tpu.memory_space<vmem>>, vector<16xi32>,
      tpu.vector_store %arg14[%swap3A_169], %and3A_168 {strides = array<i32>} : memref<128xi32, #tpu.memory_space<vmem>>, vector<16xi32>,
      %shift_right_logical3A_171 = arith.constant 14 : i32
      %shift_right_logical3A_172 = vector.broadcast %shift_right_logical3A_171 : i32 to vector<16xi32>
      %shift_right_logical3A_173 = arith.shrui %get3A_165, %shift_right_logical3A_172 : vector<16xi32>
      %swap3A_174 = arith.constant 64 : index
      %swap3A_175 = tpu.vector_load %arg13[%swap3A_174] {strides = array<i32>} : memref<128xi32, #tpu.memory_space<vmem>>, vector<16xi32>,
      tpu.vector_store %arg13[%swap3A_174], %shift_right_logical3A_173 {strides = array<i32>} : memref<128xi32, #tpu.memory_space<vmem>>, vector<16xi32>,
      %mul3A_176 = arith.constant 128 : i32
      %mul3A_177 = arith.muli %while3A_97, %mul3A_176 : i32
      %add3A_178 = arith.constant 80 : i32
      %add3A_179 = arith.addi %mul3A_177, %add3A_178 : i32
      %get3A_180 = arith.index_cast %add3A_179 : i32 to index
      %get3A_181 = tpu.vector_load %arg12[%get3A_180] {strides = array<i32>} : memref<10176xi32, #tpu.memory_space<vmem>>, vector<16xi32>,
      %and3A_182 = arith.constant 16383 : i32
      %and3A_183 = vector.broadcast %and3A_182 : i32 to vector<16xi32>
      %and3A_184 = arith.andi %get3A_181, %and3A_183 : vector<16xi32>
      %swap3A_185 = arith.constant 80 : index
      %swap3A_186 = tpu.vector_load %arg14[%swap3A_185] {strides = array<i32>} : memref<128xi32, #tpu.memory_space<vmem>>, vector<16xi32>,
      tpu.vector_store %arg14[%swap3A_185], %and3A_184 {strides = array<i32>} : memref<128xi32, #tpu.memory_space<vmem>>, vector<16xi32>,
      %shift_right_logical3A_187 = arith.constant 14 : i32
      %shift_right_logical3A_188 = vector.broadcast %shift_right_logical3A_187 : i32 to vector<16xi32>
      %shift_right_logical3A_189 = arith.shrui %get3A_181, %shift_right_logical3A_188 : vector<16xi32>
      %swap3A_190 = arith.constant 80 : index
      %swap3A_191 = tpu.vector_load %arg13[%swap3A_190] {strides = array<i32>} : memref<128xi32, #tpu.memory_space<vmem>>, vector<16xi32>,
      tpu.vector_store %arg13[%swap3A_190], %shift_right_logical3A_189 {strides = array<i32>} : memref<128xi32, #tpu.memory_space<vmem>>, vector<16xi32>,
      %mul3A_192 = arith.constant 128 : i32
      %mul3A_193 = arith.muli %while3A_97, %mul3A_192 : i32
      %add3A_194 = arith.constant 96 : i32
      %add3A_195 = arith.addi %mul3A_193, %add3A_194 : i32
      %get3A_196 = arith.index_cast %add3A_195 : i32 to index
      %get3A_197 = tpu.vector_load %arg12[%get3A_196] {strides = array<i32>} : memref<10176xi32, #tpu.memory_space<vmem>>, vector<16xi32>,
      %and3A_198 = arith.constant 16383 : i32
      %and3A_199 = vector.broadcast %and3A_198 : i32 to vector<16xi32>
      %and3A_200 = arith.andi %get3A_197, %and3A_199 : vector<16xi32>
      %swap3A_201 = arith.constant 96 : index
      %swap3A_202 = tpu.vector_load %arg14[%swap3A_201] {strides = array<i32>} : memref<128xi32, #tpu.memory_space<vmem>>, vector<16xi32>,
      tpu.vector_store %arg14[%swap3A_201], %and3A_200 {strides = array<i32>} : memref<128xi32, #tpu.memory_space<vmem>>, vector<16xi32>,
      %shift_right_logical3A_203 = arith.constant 14 : i32
      %shift_right_logical3A_204 = vector.broadcast %shift_right_logical3A_203 : i32 to vector<16xi32>
      %shift_right_logical3A_205 = arith.shrui %get3A_197, %shift_right_logical3A_204 : vector<16xi32>
      %swap3A_206 = arith.constant 96 : index
      %swap3A_207 = tpu.vector_load %arg13[%swap3A_206] {strides = array<i32>} : memref<128xi32, #tpu.memory_space<vmem>>, vector<16xi32>,
      tpu.vector_store %arg13[%swap3A_206], %shift_right_logical3A_205 {strides = array<i32>} : memref<128xi32, #tpu.memory_space<vmem>>, vector<16xi32>,
      %mul3A_208 = arith.constant 128 : i32
      %mul3A_209 = arith.muli %while3A_97, %mul3A_208 : i32
      %add3A_210 = arith.constant 112 : i32
      %add3A_211 = arith.addi %mul3A_209, %add3A_210 : i32
      %get3A_212 = arith.index_cast %add3A_211 : i32 to index
      %get3A_213 = tpu.vector_load %arg12[%get3A_212] {strides = array<i32>} : memref<10176xi32, #tpu.memory_space<vmem>>, vector<16xi32>,
      %and3A_214 = arith.constant 16383 : i32
      %and3A_215 = vector.broadcast %and3A_214 : i32 to vector<16xi32>
      %and3A_216 = arith.andi %get3A_213, %and3A_215 : vector<16xi32>
      %swap3A_217 = arith.constant 112 : index
      %swap3A_218 = tpu.vector_load %arg14[%swap3A_217] {strides = array<i32>} : memref<128xi32, #tpu.memory_space<vmem>>, vector<16xi32>,
      tpu.vector_store %arg14[%swap3A_217], %and3A_216 {strides = array<i32>} : memref<128xi32, #tpu.memory_space<vmem>>, vector<16xi32>,
      %shift_right_logical3A_219 = arith.constant 14 : i32
      %shift_right_logical3A_220 = vector.broadcast %shift_right_logical3A_219 : i32 to vector<16xi32>
      %shift_right_logical3A_221 = arith.shrui %get3A_213, %shift_right_logical3A_220 : vector<16xi32>
      %swap3A_222 = arith.constant 112 : index
      %swap3A_223 = tpu.vector_load %arg13[%swap3A_222] {strides = array<i32>} : memref<128xi32, #tpu.memory_space<vmem>>, vector<16xi32>,
      tpu.vector_store %arg13[%swap3A_222], %shift_right_logical3A_221 {strides = array<i32>} : memref<128xi32, #tpu.memory_space<vmem>>, vector<16xi32>,
      %dma_start3A_224 = arith.constant 0 : i32
      %dma_start3A_225 = arith.constant 0 : i32
      %dma_start3A_226 = tpu.memref_slice %arg5[%dma_start3A_224, %dma_start3A_225] : memref<10016x32xf32, #tpu.memory_space<hbm>> -> memref<10016x32xf32, #tpu.memory_space<hbm>>
      tpu.enqueue_indirect_dma source(%dma_start3A_226 : memref<10016x32xf32, #tpu.memory_space<hbm>>) target(%arg15 : memref<128x32xf32, #tpu.memory_space<vmem>>) offsets(%arg14 : memref<128xi32, #tpu.memory_space<vmem>>) semaphore(%arg18 : memref<!tpu.dma_semaphore, #tpu.memory_space<semaphore_mem>>)
      %dma_wait3A_227 = arith.constant 0 : i32
      %dma_wait3A_228 = arith.constant 0 : i32
      %dma_wait3A_229 = tpu.memref_slice %arg5[%dma_wait3A_227, %dma_wait3A_228] : memref<10016x32xf32, #tpu.memory_space<hbm>> -> memref<10016x32xf32, #tpu.memory_space<hbm>>
      tpu.wait_indirect_dma semaphore(%arg18 : memref<!tpu.dma_semaphore, #tpu.memory_space<semaphore_mem>>) src(%dma_wait3A_229 : memref<10016x32xf32, #tpu.memory_space<hbm>>) dst(%arg15 : memref<128x32xf32, #tpu.memory_space<vmem>>)
      "tpu.region"() ({
        %run_scoped3A = tpu.sem_alloc : memref<!tpu.dma_semaphore, #tpu.memory_space<semaphore_mem>>
        %dma_start3A_230 = arith.constant 0 : i32
        %dma_start3A_231 = arith.constant 0 : i32
        %dma_start3A_232 = tpu.memref_slice %arg16[%dma_start3A_230, %dma_start3A_231] : memref<18720x32xf32, #tpu.memory_space<vmem_shared>> -> memref<18720x32xf32, #tpu.memory_space<vmem_shared>>
        tpu.enqueue_indirect_dma source(%arg15 : memref<128x32xf32, #tpu.memory_space<vmem>>) target(%dma_start3A_232 : memref<18720x32xf32, #tpu.memory_space<vmem_shared>>) offsets(%arg13 : memref<128xi32, #tpu.memory_space<vmem>>) semaphore(%run_scoped3A : memref<!tpu.dma_semaphore, #tpu.memory_space<semaphore_mem>>) {add = true}
        %dma_wait3A_233 = arith.constant 0 : i32
        %dma_wait3A_234 = arith.constant 0 : i32
        %dma_wait3A_235 = tpu.memref_slice %arg16[%dma_wait3A_233, %dma_wait3A_234] : memref<18720x32xf32, #tpu.memory_space<vmem_shared>> -> memref<18720x32xf32, #tpu.memory_space<vmem_shared>>
        tpu.wait_indirect_dma semaphore(%run_scoped3A : memref<!tpu.dma_semaphore, #tpu.memory_space<semaphore_mem>>) src(%arg15 : memref<128x32xf32, #tpu.memory_space<vmem>>) dst(%dma_wait3A_235 : memref<18720x32xf32, #tpu.memory_space<vmem_shared>>)
        tpu.yield
      }) : () -> ()
    }
    %while3A_91 = arith.constant 1 : i32
    scf.for %while3A_97 = %while3A_89 to %while3A_85 step %while3A_91  : i32 {
      %mul3A_98 = arith.constant 128 : i32
      %mul3A_99 = arith.muli %while3A_97, %mul3A_98 : i32
      %add3A_100 = arith.constant 0 : i32
      %add3A_101 = arith.addi %mul3A_99, %add3A_100 : i32
      %get3A = arith.index_cast %add3A_101 : i32 to index
      %get3A_102 = tpu.vector_load %arg12[%get3A] {strides = array<i32>} : memref<10176xi32, #tpu.memory_space<vmem>>, vector<16xi32>,
      %and3A_103 = arith.constant 16383 : i32
      %and3A_104 = vector.broadcast %and3A_103 : i32 to vector<16xi32>
      %and3A_105 = arith.andi %get3A_102, %and3A_104 : vector<16xi32>
      %swap3A_106 = arith.constant 0 : index
      %swap3A_107 = tpu.vector_load %arg14[%swap3A_106] {strides = array<i32>} : memref<128xi32, #tpu.memory_space<vmem>>, vector<16xi32>,
      tpu.vector_store %arg14[%swap3A_106], %and3A_105 {strides = array<i32>} : memref<128xi32, #tpu.memory_space<vmem>>, vector<16xi32>,
      %shift_right_logical3A = arith.constant 14 : i32
      %shift_right_logical3A_108 = vector.broadcast %shift_right_logical3A : i32 to vector<16xi32>
      %shift_right_logical3A_109 = arith.shrui %get3A_102, %shift_right_logical3A_108 : vector<16xi32>
      %swap3A_110 = arith.constant 0 : index
      %swap3A_111 = tpu.vector_load %arg13[%swap3A_110] {strides = array<i32>} : memref<128xi32, #tpu.memory_space<vmem>>, vector<16xi32>,
      tpu.vector_store %arg13[%swap3A_110], %shift_right_logical3A_109 {strides = array<i32>} : memref<128xi32, #tpu.memory_space<vmem>>, vector<16xi32>,
      %mul3A_112 = arith.constant 128 : i32
      %mul3A_113 = arith.muli %while3A_97, %mul3A_112 : i32
      %add3A_114 = arith.constant 16 : i32
      %add3A_115 = arith.addi %mul3A_113, %add3A_114 : i32
      %get3A_116 = arith.index_cast %add3A_115 : i32 to index
      %get3A_117 = tpu.vector_load %arg12[%get3A_116] {strides = array<i32>} : memref<10176xi32, #tpu.memory_space<vmem>>, vector<16xi32>,
      %and3A_118 = arith.constant 16383 : i32
      %and3A_119 = vector.broadcast %and3A_118 : i32 to vector<16xi32>
      %and3A_120 = arith.andi %get3A_117, %and3A_119 : vector<16xi32>
      %swap3A_121 = arith.constant 16 : index
      %swap3A_122 = tpu.vector_load %arg14[%swap3A_121] {strides = array<i32>} : memref<128xi32, #tpu.memory_space<vmem>>, vector<16xi32>,
      tpu.vector_store %arg14[%swap3A_121], %and3A_120 {strides = array<i32>} : memref<128xi32, #tpu.memory_space<vmem>>, vector<16xi32>,
      %shift_right_logical3A_123 = arith.constant 14 : i32
      %shift_right_logical3A_124 = vector.broadcast %shift_right_logical3A_123 : i32 to vector<16xi32>
      %shift_right_logical3A_125 = arith.shrui %get3A_117, %shift_right_logical3A_124 : vector<16xi32>
      %swap3A_126 = arith.constant 16 : index
      %swap3A_127 = tpu.vector_load %arg13[%swap3A_126] {strides = array<i32>} : memref<128xi32, #tpu.memory_space<vmem>>, vector<16xi32>,
      tpu.vector_store %arg13[%swap3A_126], %shift_right_logical3A_125 {strides = array<i32>} : memref<128xi32, #tpu.memory_space<vmem>>, vector<16xi32>,
      %mul3A_128 = arith.constant 128 : i32
      %mul3A_129 = arith.muli %while3A_97, %mul3A_128 : i32
      %add3A_130 = arith.constant 32 : i32
      %add3A_131 = arith.addi %mul3A_129, %add3A_130 : i32
      %get3A_132 = arith.index_cast %add3A_131 : i32 to index
      %get3A_133 = tpu.vector_load %arg12[%get3A_132] {strides = array<i32>} : memref<10176xi32, #tpu.memory_space<vmem>>, vector<16xi32>,
      %and3A_134 = arith.constant 16383 : i32
      %and3A_135 = vector.broadcast %and3A_134 : i32 to vector<16xi32>
      %and3A_136 = arith.andi %get3A_133, %and3A_135 : vector<16xi32>
      %swap3A_137 = arith.constant 32 : index
      %swap3A_138 = tpu.vector_load %arg14[%swap3A_137] {strides = array<i32>} : memref<128xi32, #tpu.memory_space<vmem>>, vector<16xi32>,
      tpu.vector_store %arg14[%swap3A_137], %and3A_136 {strides = array<i32>} : memref<128xi32, #tpu.memory_space<vmem>>, vector<16xi32>,
      %shift_right_logical3A_139 = arith.constant 14 : i32
      %shift_right_logical3A_140 = vector.broadcast %shift_right_logical3A_139 : i32 to vector<16xi32>
      %shift_right_logical3A_141 = arith.shrui %get3A_133, %shift_right_logical3A_140 : vector<16xi32>
      %swap3A_142 = arith.constant 32 : index
      %swap3A_143 = tpu.vector_load %arg13[%swap3A_142] {strides = array<i32>} : memref<128xi32, #tpu.memory_space<vmem>>, vector<16xi32>,
      tpu.vector_store %arg13[%swap3A_142], %shift_right_logical3A_141 {strides = array<i32>} : memref<128xi32, #tpu.memory_space<vmem>>, vector<16xi32>,
      %mul3A_144 = arith.constant 128 : i32
      %mul3A_145 = arith.muli %while3A_97, %mul3A_144 : i32
      %add3A_146 = arith.constant 48 : i32
      %add3A_147 = arith.addi %mul3A_145, %add3A_146 : i32
      %get3A_148 = arith.index_cast %add3A_147 : i32 to index
      %get3A_149 = tpu.vector_load %arg12[%get3A_148] {strides = array<i32>} : memref<10176xi32, #tpu.memory_space<vmem>>, vector<16xi32>,
      %and3A_150 = arith.constant 16383 : i32
      %and3A_151 = vector.broadcast %and3A_150 : i32 to vector<16xi32>
      %and3A_152 = arith.andi %get3A_149, %and3A_151 : vector<16xi32>
      %swap3A_153 = arith.constant 48 : index
      %swap3A_154 = tpu.vector_load %arg14[%swap3A_153] {strides = array<i32>} : memref<128xi32, #tpu.memory_space<vmem>>, vector<16xi32>,
      tpu.vector_store %arg14[%swap3A_153], %and3A_152 {strides = array<i32>} : memref<128xi32, #tpu.memory_space<vmem>>, vector<16xi32>,
      %shift_right_logical3A_155 = arith.constant 14 : i32
      %shift_right_logical3A_156 = vector.broadcast %shift_right_logical3A_155 : i32 to vector<16xi32>
      %shift_right_logical3A_157 = arith.shrui %get3A_149, %shift_right_logical3A_156 : vector<16xi32>
      %swap3A_158 = arith.constant 48 : index
      %swap3A_159 = tpu.vector_load %arg13[%swap3A_158] {strides = array<i32>} : memref<128xi32, #tpu.memory_space<vmem>>, vector<16xi32>,
      tpu.vector_store %arg13[%swap3A_158], %shift_right_logical3A_157 {strides = array<i32>} : memref<128xi32, #tpu.memory_space<vmem>>, vector<16xi32>,
      %mul3A_160 = arith.constant 128 : i32
      %mul3A_161 = arith.muli %while3A_97, %mul3A_160 : i32
      %add3A_162 = arith.constant 64 : i32
      %add3A_163 = arith.addi %mul3A_161, %add3A_162 : i32
      %get3A_164 = arith.index_cast %add3A_163 : i32 to index
      %get3A_165 = tpu.vector_load %arg12[%get3A_164] {strides = array<i32>} : memref<10176xi32, #tpu.memory_space<vmem>>, vector<16xi32>,
      %and3A_166 = arith.constant 16383 : i32
      %and3A_167 = vector.broadcast %and3A_166 : i32 to vector<16xi32>
      %and3A_168 = arith.andi %get3A_165, %and3A_167 : vector<16xi32>
      %swap3A_169 = arith.constant 64 : index
      %swap3A_170 = tpu.vector_load %arg14[%swap3A_169] {strides = array<i32>} : memref<128xi32, #tpu.memory_space<vmem>>, vector<16xi32>,
      tpu.vector_store %arg14[%swap3A_169], %and3A_168 {strides = array<i32>} : memref<128xi32, #tpu.memory_space<vmem>>, vector<16xi32>,
      %shift_right_logical3A_171 = arith.constant 14 : i32
      %shift_right_logical3A_172 = vector.broadcast %shift_right_logical3A_171 : i32 to vector<16xi32>
      %shift_right_logical3A_173 = arith.shrui %get3A_165, %shift_right_logical3A_172 : vector<16xi32>
      %swap3A_174 = arith.constant 64 : index
      %swap3A_175 = tpu.vector_load %arg13[%swap3A_174] {strides = array<i32>} : memref<128xi32, #tpu.memory_space<vmem>>, vector<16xi32>,
      tpu.vector_store %arg13[%swap3A_174], %shift_right_logical3A_173 {strides = array<i32>} : memref<128xi32, #tpu.memory_space<vmem>>, vector<16xi32>,
      %mul3A_176 = arith.constant 128 : i32
      %mul3A_177 = arith.muli %while3A_97, %mul3A_176 : i32
      %add3A_178 = arith.constant 80 : i32
      %add3A_179 = arith.addi %mul3A_177, %add3A_178 : i32
      %get3A_180 = arith.index_cast %add3A_179 : i32 to index
      %get3A_181 = tpu.vector_load %arg12[%get3A_180] {strides = array<i32>} : memref<10176xi32, #tpu.memory_space<vmem>>, vector<16xi32>,
      %and3A_182 = arith.constant 16383 : i32
      %and3A_183 = vector.broadcast %and3A_182 : i32 to vector<16xi32>
      %and3A_184 = arith.andi %get3A_181, %and3A_183 : vector<16xi32>
      %swap3A_185 = arith.constant 80 : index
      %swap3A_186 = tpu.vector_load %arg14[%swap3A_185] {strides = array<i32>} : memref<128xi32, #tpu.memory_space<vmem>>, vector<16xi32>,
      tpu.vector_store %arg14[%swap3A_185], %and3A_184 {strides = array<i32>} : memref<128xi32, #tpu.memory_space<vmem>>, vector<16xi32>,
      %shift_right_logical3A_187 = arith.constant 14 : i32
      %shift_right_logical3A_188 = vector.broadcast %shift_right_logical3A_187 : i32 to vector<16xi32>
      %shift_right_logical3A_189 = arith.shrui %get3A_181, %shift_right_logical3A_188 : vector<16xi32>
      %swap3A_190 = arith.constant 80 : index
      %swap3A_191 = tpu.vector_load %arg13[%swap3A_190] {strides = array<i32>} : memref<128xi32, #tpu.memory_space<vmem>>, vector<16xi32>,
      tpu.vector_store %arg13[%swap3A_190], %shift_right_logical3A_189 {strides = array<i32>} : memref<128xi32, #tpu.memory_space<vmem>>, vector<16xi32>,
      %mul3A_192 = arith.constant 128 : i32
      %mul3A_193 = arith.muli %while3A_97, %mul3A_192 : i32
      %add3A_194 = arith.constant 96 : i32
      %add3A_195 = arith.addi %mul3A_193, %add3A_194 : i32
      %get3A_196 = arith.index_cast %add3A_195 : i32 to index
      %get3A_197 = tpu.vector_load %arg12[%get3A_196] {strides = array<i32>} : memref<10176xi32, #tpu.memory_space<vmem>>, vector<16xi32>,
      %and3A_198 = arith.constant 16383 : i32
      %and3A_199 = vector.broadcast %and3A_198 : i32 to vector<16xi32>
      %and3A_200 = arith.andi %get3A_197, %and3A_199 : vector<16xi32>
      %swap3A_201 = arith.constant 96 : index
      %swap3A_202 = tpu.vector_load %arg14[%swap3A_201] {strides = array<i32>} : memref<128xi32, #tpu.memory_space<vmem>>, vector<16xi32>,
      tpu.vector_store %arg14[%swap3A_201], %and3A_200 {strides = array<i32>} : memref<128xi32, #tpu.memory_space<vmem>>, vector<16xi32>,
      %shift_right_logical3A_203 = arith.constant 14 : i32
      %shift_right_logical3A_204 = vector.broadcast %shift_right_logical3A_203 : i32 to vector<16xi32>
      %shift_right_logical3A_205 = arith.shrui %get3A_197, %shift_right_logical3A_204 : vector<16xi32>
      %swap3A_206 = arith.constant 96 : index
      %swap3A_207 = tpu.vector_load %arg13[%swap3A_206] {strides = array<i32>} : memref<128xi32, #tpu.memory_space<vmem>>, vector<16xi32>,
      tpu.vector_store %arg13[%swap3A_206], %shift_right_logical3A_205 {strides = array<i32>} : memref<128xi32, #tpu.memory_space<vmem>>, vector<16xi32>,
      %mul3A_208 = arith.constant 128 : i32
      %mul3A_209 = arith.muli %while3A_97, %mul3A_208 : i32
      %add3A_210 = arith.constant 112 : i32
      %add3A_211 = arith.addi %mul3A_209, %add3A_210 : i32
      %get3A_212 = arith.index_cast %add3A_211 : i32 to index
      %get3A_213 = tpu.vector_load %arg12[%get3A_212] {strides = array<i32>} : memref<10176xi32, #tpu.memory_space<vmem>>, vector<16xi32>,
      %and3A_214 = arith.constant 16383 : i32
      %and3A_215 = vector.broadcast %and3A_214 : i32 to vector<16xi32>
      %and3A_216 = arith.andi %get3A_213, %and3A_215 : vector<16xi32>
      %swap3A_217 = arith.constant 112 : index
      %swap3A_218 = tpu.vector_load %arg14[%swap3A_217] {strides = array<i32>} : memref<128xi32, #tpu.memory_space<vmem>>, vector<16xi32>,
      tpu.vector_store %arg14[%swap3A_217], %and3A_216 {strides = array<i32>} : memref<128xi32, #tpu.memory_space<vmem>>, vector<16xi32>,
      %shift_right_logical3A_219 = arith.constant 14 : i32
      %shift_right_logical3A_220 = vector.broadcast %shift_right_logical3A_219 : i32 to vector<16xi32>
      %shift_right_logical3A_221 = arith.shrui %get3A_213, %shift_right_logical3A_220 : vector<16xi32>
      %swap3A_222 = arith.constant 112 : index
      %swap3A_223 = tpu.vector_load %arg13[%swap3A_222] {strides = array<i32>} : memref<128xi32, #tpu.memory_space<vmem>>, vector<16xi32>,
      tpu.vector_store %arg13[%swap3A_222], %shift_right_logical3A_221 {strides = array<i32>} : memref<128xi32, #tpu.memory_space<vmem>>, vector<16xi32>,
      %dma_start3A_224 = arith.constant 0 : i32
      %dma_start3A_225 = arith.constant 0 : i32
      %dma_start3A_226 = tpu.memref_slice %arg5[%dma_start3A_224, %dma_start3A_225] : memref<10016x32xf32, #tpu.memory_space<hbm>> -> memref<10016x32xf32, #tpu.memory_space<hbm>>
      tpu.enqueue_indirect_dma source(%dma_start3A_226 : memref<10016x32xf32, #tpu.memory_space<hbm>>) target(%arg15 : memref<128x32xf32, #tpu.memory_space<vmem>>) offsets(%arg14 : memref<128xi32, #tpu.memory_space<vmem>>) semaphore(%arg18 : memref<!tpu.dma_semaphore, #tpu.memory_space<semaphore_mem>>)
      %dma_wait3A_227 = arith.constant 0 : i32
      %dma_wait3A_228 = arith.constant 0 : i32
      %dma_wait3A_229 = tpu.memref_slice %arg5[%dma_wait3A_227, %dma_wait3A_228] : memref<10016x32xf32, #tpu.memory_space<hbm>> -> memref<10016x32xf32, #tpu.memory_space<hbm>>
      tpu.wait_indirect_dma semaphore(%arg18 : memref<!tpu.dma_semaphore, #tpu.memory_space<semaphore_mem>>) src(%dma_wait3A_229 : memref<10016x32xf32, #tpu.memory_space<hbm>>) dst(%arg15 : memref<128x32xf32, #tpu.memory_space<vmem>>)
      "tpu.region"() ({
        %run_scoped3A = tpu.sem_alloc : memref<!tpu.dma_semaphore, #tpu.memory_space<semaphore_mem>>
        %dma_start3A_230 = arith.constant 0 : i32
        %dma_start3A_231 = arith.constant 0 : i32
        %dma_start3A_232 = tpu.memref_slice %arg16[%dma_start3A_230, %dma_start3A_231] : memref<18720x32xf32, #tpu.memory_space<vmem_shared>> -> memref<18720x32xf32, #tpu.memory_space<vmem_shared>>
        tpu.enqueue_indirect_dma source(%arg15 : memref<128x32xf32, #tpu.memory_space<vmem>>) target(%dma_start3A_232 : memref<18720x32xf32, #tpu.memory_space<vmem_shared>>) offsets(%arg13 : memref<128xi32, #tpu.memory_space<vmem>>) semaphore(%run_scoped3A : memref<!tpu.dma_semaphore, #tpu.memory_space<semaphore_mem>>) {add = true}
        %dma_wait3A_233 = arith.constant 0 : i32
        %dma_wait3A_234 = arith.constant 0 : i32
        %dma_wait3A_235 = tpu.memref_slice %arg16[%dma_wait3A_233, %dma_wait3A_234] : memref<18720x32xf32, #tpu.memory_space<vmem_shared>> -> memref<18720x32xf32, #tpu.memory_space<vmem_shared>>
        tpu.wait_indirect_dma semaphore(%run_scoped3A : memref<!tpu.dma_semaphore, #tpu.memory_space<semaphore_mem>>) src(%arg15 : memref<128x32xf32, #tpu.memory_space<vmem>>) dst(%dma_wait3A_235 : memref<18720x32xf32, #tpu.memory_space<vmem_shared>>)
        tpu.yield
      }) : () -> ()
    }
    %barrier3A_92 = arith.constant 0 : index
    tpu.barrier barrier_id(%barrier3A_92)
    %mul3A_93 = arith.constant 1170 : i32
    %mul3A_94 = arith.muli %arg1, %mul3A_93 : i32
    %mul3A_95 = arith.constant 1170 : i32
    %mul3A_96 = arith.muli %arg1, %mul3A_95 : i32
    "tpu.region"() ({
      %run_scoped3A = tpu.sem_alloc : memref<!tpu.dma_semaphore, #tpu.memory_space<semaphore_mem>>
      %dma_start3A_97 = arith.constant 0 : i32
      %dma_start3A_98 = tpu.memref_slice %arg7[%arg0, %mul3A_96, %dma_start3A_97] : memref<2x18720x32xf32, #tpu.memory_space<hbm>> -> memref<1x1170x32xf32, #tpu.memory_space<hbm>>
      %dma_start3A_99 = tpu.memref_squeeze %dma_start3A_98 : memref<1x1170x32xf32, #tpu.memory_space<hbm>> -> memref<1170x32xf32, #tpu.memory_space<hbm>>
      %dma_start3A_100 = arith.constant 0 : i32
      %dma_start3A_101 = tpu.memref_slice %arg16[%mul3A_94, %dma_start3A_100] : memref<18720x32xf32, #tpu.memory_space<vmem_shared>> -> memref<1170x32xf32, #tpu.memory_space<vmem_shared>>
      tpu.enqueue_dma source(%dma_start3A_101 : memref<1170x32xf32, #tpu.memory_space<vmem_shared>>) target(%dma_start3A_99 : memref<1170x32xf32, #tpu.memory_space<hbm>>) target_semaphore(%run_scoped3A : memref<!tpu.dma_semaphore, #tpu.memory_space<semaphore_mem>>)
      %dma_wait3A_102 = arith.constant 0 : i32
      %dma_wait3A_103 = tpu.memref_slice %arg7[%arg0, %mul3A_96, %dma_wait3A_102] : memref<2x18720x32xf32, #tpu.memory_space<hbm>> -> memref<1x1170x32xf32, #tpu.memory_space<hbm>>
      %dma_wait3A_104 = tpu.memref_squeeze %dma_wait3A_103 : memref<1x1170x32xf32, #tpu.memory_space<hbm>> -> memref<1170x32xf32, #tpu.memory_space<hbm>>
      %dma_wait3A_105 = arith.constant 0 : i32
      %dma_wait3A_106 = tpu.memref_slice %arg16[%mul3A_94, %dma_wait3A_105] : memref<18720x32xf32, #tpu.memory_space<vmem_shared>> -> memref<1170x32xf32, #tpu.memory_space<vmem_shared>>
      tpu.wait_dma2 semaphore(%run_scoped3A : memref<!tpu.dma_semaphore, #tpu.memory_space<semaphore_mem>>) src(%dma_wait3A_106 : memref<1170x32xf32, #tpu.memory_space<vmem_shared>>) dst(%dma_wait3A_104 : memref<1170x32xf32, #tpu.memory_space<hbm>>)
      tpu.yield
    }) : () -> ()
    return
  }
}

module attributes {stable_mosaic.version = 14 : i64} {
  func.func @_node_stage_kernel(%arg0: i32, %arg1: memref<2504x128xf32, #tpu.memory_space<vmem>>, %arg2: memref<32x128xf32, #tpu.memory_space<vmem>>, %arg3: memref<2504x32xf32, #tpu.memory_space<vmem>>) attributes {dimension_semantics = [#tpu.dimension_semantics<arbitrary>], iteration_bounds = array<i64: 4>, scalar_prefetch = 0 : i64, scratch_operands = 0 : i64, tpu.core_type = #tpu.core_type<tc>, window_params = [{transform_indices = @transform_0, window_bounds = array<i64: 2504, 128>}, {pipeline_mode = #tpu.pipeline_mode<synchronous>, transform_indices = @transform_1, window_bounds = array<i64: 32, 128>}, {transform_indices = @transform_2, window_bounds = array<i64: 2504, 32>}]} {
    %get3A = arith.constant 0 : index
    %get3A_0 = arith.constant 0 : index
    %get3A_1 = vector.load %arg1[%get3A, %get3A_0] : memref<2504x128xf32, #tpu.memory_space<vmem>>, vector<2504x128xf32>
    %get3A_2 = arith.constant 0 : index
    %get3A_3 = arith.constant 0 : index
    %get3A_4 = vector.load %arg2[%get3A_2, %get3A_3] : memref<32x128xf32, #tpu.memory_space<vmem>>, vector<32x128xf32>
    %mul3A = arith.mulf %get3A_4, %get3A_4 : vector<32x128xf32>
    %reduce_sum3A = arith.constant dense<0.000000e+00> : vector<32xf32>
    %reduce_sum3A_5 = vector.multi_reduction <add>, %mul3A, %reduce_sum3A [1] : vector<32x128xf32> to vector<32xf32>
    %broadcast_in_dim3A = vector.shape_cast %reduce_sum3A_5 : vector<32xf32> to vector<32x1xf32>
    %sqrt3A = math.sqrt %broadcast_in_dim3A : vector<32x1xf32>
    %max3A = arith.constant 9.99999996E-13 : f32
    %max3A_6 = vector.broadcast %max3A : f32 to vector<32x1xf32>
    %max3A_7 = arith.maximumf %sqrt3A, %max3A_6 : vector<32x1xf32>
    %div3A = vector.broadcast %max3A_7 : vector<32x1xf32> to vector<32x128xf32>
    %div3A_8 = arith.divf %get3A_4, %div3A : vector<32x128xf32>
    %mul3A_9 = arith.mulf %get3A_1, %get3A_1 : vector<2504x128xf32>
    %reduce_sum3A_10 = arith.constant dense<0.000000e+00> : vector<2504xf32>
    %reduce_sum3A_11 = vector.multi_reduction <add>, %mul3A_9, %reduce_sum3A_10 [1] : vector<2504x128xf32> to vector<2504xf32>
    %broadcast_in_dim3A_12 = vector.shape_cast %reduce_sum3A_11 : vector<2504xf32> to vector<2504x1xf32>
    %sqrt3A_13 = math.sqrt %broadcast_in_dim3A_12 : vector<2504x1xf32>
    %max3A_14 = arith.constant 9.99999996E-13 : f32
    %max3A_15 = vector.broadcast %max3A_14 : f32 to vector<2504x1xf32>
    %max3A_16 = arith.maximumf %sqrt3A_13, %max3A_15 : vector<2504x1xf32>
    %div3A_17 = vector.broadcast %max3A_16 : vector<2504x1xf32> to vector<2504x128xf32>
    %div3A_18 = arith.divf %get3A_1, %div3A_17 : vector<2504x128xf32>
    %dot_general3A = arith.constant dense<0.000000e+00> : vector<2504x32xf32>
    %dot_general3A_19 = tpu.matmul %div3A_18, %div3A_8, %dot_general3A {dimension_numbers = #tpu.dot_dimension_numbers<[1], [1], [0], [0], [0, 0, 1, 0], [], []>, transpose_lhs_hint = false} : vector<2504x128xf32>, vector<32x128xf32>, vector<2504x32xf32> -> vector<2504x32xf32>
    %iota3A = tpu.iota {dimensions = array<i32: 1>} : vector<2504x32xi32>
    %lt3A = arith.constant 18 : i32
    %lt3A_20 = vector.broadcast %lt3A : i32 to vector<2504x32xi32>
    %lt3A_21 = arith.cmpi slt, %iota3A, %lt3A_20 : vector<2504x32xi32>
    %jit3A = arith.constant -1.000000e+30 : f32
    %broadcast_in_dim3A_22 = vector.broadcast %jit3A : f32 to vector<2504x32xf32>
    %select_n3A = arith.select %lt3A_21, %dot_general3A_19, %broadcast_in_dim3A_22 : vector<2504x32xi1>, vector<2504x32xf32>
    %reduce_max3A = arith.constant dense<0xFF800000> : vector<2504xf32>
    %reduce_max3A_23 = vector.multi_reduction <maximumf>, %select_n3A, %reduce_max3A [1] : vector<2504x32xf32> to vector<2504xf32>
    %broadcast_in_dim3A_24 = vector.shape_cast %reduce_max3A_23 : vector<2504xf32> to vector<2504x1xf32>
    %sub3A = vector.broadcast %broadcast_in_dim3A_24 : vector<2504x1xf32> to vector<2504x32xf32>
    %sub3A_25 = arith.subf %select_n3A, %sub3A : vector<2504x32xf32>
    %exp3A = math.exp %sub3A_25 : vector<2504x32xf32>
    %reduce_sum3A_26 = arith.constant dense<0.000000e+00> : vector<2504xf32>
    %reduce_sum3A_27 = vector.multi_reduction <add>, %exp3A, %reduce_sum3A_26 [1] : vector<2504x32xf32> to vector<2504xf32>
    %broadcast_in_dim3A_28 = vector.shape_cast %reduce_sum3A_27 : vector<2504xf32> to vector<2504x1xf32>
    %div3A_29 = vector.broadcast %broadcast_in_dim3A_28 : vector<2504x1xf32> to vector<2504x32xf32>
    %div3A_30 = arith.divf %exp3A, %div3A_29 : vector<2504x32xf32>
    %mul3A_31 = arith.mulf %div3A_30, %select_n3A : vector<2504x32xf32>
    %reduce_sum3A_32 = arith.constant dense<0.000000e+00> : vector<2504xf32>
    %reduce_sum3A_33 = vector.multi_reduction <add>, %mul3A_31, %reduce_sum3A_32 [1] : vector<2504x32xf32> to vector<2504xf32>
    %broadcast_in_dim3A_34 = vector.shape_cast %reduce_sum3A_33 : vector<2504xf32> to vector<2504x1xf32>
    %sub3A_35 = arith.subf %broadcast_in_dim3A_34, %broadcast_in_dim3A_24 : vector<2504x1xf32>
    %log3A = math.log %broadcast_in_dim3A_28 : vector<2504x1xf32>
    %sub3A_36 = arith.subf %sub3A_35, %log3A : vector<2504x1xf32>
    %mul3A_37 = arith.constant 2504 : i32
    %mul3A_38 = arith.muli %arg0, %mul3A_37 : i32
    %iota3A_39 = tpu.iota {dimensions = array<i32: 0>} : vector<2504x1xi32>
    %add3A = vector.broadcast %mul3A_38 : i32 to vector<2504x1xi32>
    %add3A_40 = arith.addi %add3A, %iota3A_39 : vector<2504x1xi32>
    %lt3A_41 = arith.constant 10000 : i32
    %lt3A_42 = vector.broadcast %lt3A_41 : i32 to vector<2504x1xi32>
    %lt3A_43 = arith.cmpi slt, %add3A_40, %lt3A_42 : vector<2504x1xi32>
    %exp3A_44 = math.exp %sub3A_36 : vector<2504x1xf32>
    %mul3A_45 = vector.broadcast %exp3A_44 : vector<2504x1xf32> to vector<2504x32xf32>
    %mul3A_46 = arith.mulf %mul3A_45, %div3A_30 : vector<2504x32xf32>
    %jit3A_47 = arith.constant 0.000000e+00 : f32
    %broadcast_in_dim3A_48 = vector.shape_cast %lt3A_43 : vector<2504x1xi1> to vector<2504x1xi1>
    %broadcast_in_dim3A_49 = vector.broadcast %broadcast_in_dim3A_48 : vector<2504x1xi1> to vector<2504x32xi1>
    %broadcast_in_dim3A_50 = vector.broadcast %jit3A_47 : f32 to vector<2504x32xf32>
    %select_n3A_51 = arith.select %broadcast_in_dim3A_49, %mul3A_46, %broadcast_in_dim3A_50 : vector<2504x32xi1>, vector<2504x32xf32>
    %swap3A = arith.constant 0 : index
    %swap3A_52 = arith.constant 0 : index
    %swap3A_53 = vector.load %arg3[%swap3A, %swap3A_52] : memref<2504x32xf32, #tpu.memory_space<vmem>>, vector<2504x32xf32>
    tpu.vector_store %arg3[%swap3A, %swap3A_52], %select_n3A_51 {strides = array<i32>} : memref<2504x32xf32, #tpu.memory_space<vmem>>, vector<2504x32xf32>,
    return
  }
  func.func @transform_0(%arg0: i32) -> (i32, i32) {
    %c0_i32 = arith.constant 0 : i32
    %c0_i32_0 = arith.constant 0 : i32
    return %arg0, %c0_i32 : i32, i32
  }
  func.func @transform_1(%arg0: i32) -> (i32, i32) {
    %c0_i32 = arith.constant 0 : i32
    %c0_i32_0 = arith.constant 0 : i32
    %c0_i32_1 = arith.constant 0 : i32
    return %c0_i32, %c0_i32_0 : i32, i32
  }
  func.func @transform_2(%arg0: i32) -> (i32, i32) {
    %c0_i32 = arith.constant 0 : i32
    %c0_i32_0 = arith.constant 0 : i32
    return %arg0, %c0_i32 : i32, i32
  }
}

module attributes {stable_mosaic.version = 14 : i64} {
  func.func @_final_stage_kernel(%arg0: memref<2x4680x128xf32, #tpu.memory_space<any>>, %arg1: memref<18x32x128xf32, #tpu.memory_space<vmem>>, %arg2: memref<32x128xf32, #tpu.memory_space<vmem>>, %arg3: memref<1024x1xi32, #tpu.memory_space<vmem>>, %arg4: memref<1024x32xf32, #tpu.memory_space<vmem>>, %arg5: memref<2x4680x128xf32, #tpu.memory_space<vmem>>, %arg6: memref<!tpu.dma_semaphore, #tpu.memory_space<semaphore_mem>>) attributes {dimension_semantics = [], scalar_prefetch = 0 : i64, scratch_operands = 2 : i64, tpu.core_type = #tpu.core_type<tc>} {
    tpu.enqueue_dma source(%arg0 : memref<2x4680x128xf32, #tpu.memory_space<any>>) target(%arg5 : memref<2x4680x128xf32, #tpu.memory_space<vmem>>) target_semaphore(%arg6 : memref<!tpu.dma_semaphore, #tpu.memory_space<semaphore_mem>>)
    tpu.wait_dma2 semaphore(%arg6 : memref<!tpu.dma_semaphore, #tpu.memory_space<semaphore_mem>>) src(%arg0 : memref<2x4680x128xf32, #tpu.memory_space<any>>) dst(%arg5 : memref<2x4680x128xf32, #tpu.memory_space<vmem>>)
    %get3A = arith.constant 0 : index
    %get3A_0 = arith.constant 0 : index
    %get3A_1 = arith.constant 0 : index
    %get3A_2 = vector.load %arg5[%get3A, %get3A_0, %get3A_1] : memref<2x4680x128xf32, #tpu.memory_space<vmem>>, vector<1x4680x128xf32>
    %get3A_3 = vector.shape_cast %get3A_2 : vector<1x4680x128xf32> to vector<4680x128xf32>
    %get3A_4 = arith.constant 1 : index
    %get3A_5 = arith.constant 0 : index
    %get3A_6 = arith.constant 0 : index
    %get3A_7 = vector.load %arg5[%get3A_4, %get3A_5, %get3A_6] : memref<2x4680x128xf32, #tpu.memory_space<vmem>>, vector<1x4680x128xf32>
    %get3A_8 = vector.shape_cast %get3A_7 : vector<1x4680x128xf32> to vector<4680x128xf32>
    %add3A = arith.addf %get3A_3, %get3A_8 : vector<4680x128xf32>
    %get3A_9 = arith.constant 0 : index
    %get3A_10 = arith.constant 0 : index
    %get3A_11 = vector.load %arg3[%get3A_9, %get3A_10] : memref<1024x1xi32, #tpu.memory_space<vmem>>, vector<1024x1xi32>
    %iota3A = tpu.iota {dimensions = array<i32: 1>} : vector<1024x260xi32>
    %shift_right_logical3A = arith.constant 2 : i32
    %shift_right_logical3A_12 = vector.broadcast %shift_right_logical3A : i32 to vector<1024x1xi32>
    %shift_right_logical3A_13 = arith.shrui %get3A_11, %shift_right_logical3A_12 : vector<1024x1xi32>
    %and3A = arith.constant 3 : i32
    %and3A_14 = vector.broadcast %and3A : i32 to vector<1024x1xi32>
    %and3A_15 = arith.andi %get3A_11, %and3A_14 : vector<1024x1xi32>
    %broadcast_in_dim3A = arith.constant 0.000000e+00 : f32
    %broadcast_in_dim3A_16 = vector.broadcast %broadcast_in_dim3A : f32 to vector<1024x128xf32>
    %broadcast_in_dim3A_17 = arith.constant 0.000000e+00 : f32
    %broadcast_in_dim3A_18 = vector.broadcast %broadcast_in_dim3A_17 : f32 to vector<260x128xf32>
    %slice3A = vector.extract_strided_slice %add3A {offsets = [0, 0], sizes = [260, 32], strides = [1, 1]} : vector<4680x128xf32> to vector<260x32xf32>
    %get3A_19 = arith.constant 0 : index
    %get3A_20 = arith.constant 0 : index
    %get3A_21 = arith.constant 0 : index
    %get3A_22 = vector.load %arg1[%get3A_19, %get3A_20, %get3A_21] : memref<18x32x128xf32, #tpu.memory_space<vmem>>, vector<1x32x128xf32>
    %get3A_23 = vector.shape_cast %get3A_22 : vector<1x32x128xf32> to vector<32x128xf32>
    %dot_general3A = arith.constant dense<0.000000e+00> : vector<260x128xf32>
    %dot_general3A_24 = tpu.matmul %slice3A, %get3A_23, %dot_general3A {dimension_numbers = #tpu.dot_dimension_numbers<[1], [0], [0], [1], [0, 0, 1, 1], [], []>, transpose_lhs_hint = false} : vector<260x32xf32>, vector<32x128xf32>, vector<260x128xf32> -> vector<260x128xf32>
    %add3A_25 = arith.addf %broadcast_in_dim3A_18, %dot_general3A_24 : vector<260x128xf32>
    %slice3A_26 = vector.extract_strided_slice %add3A {offsets = [260, 0], sizes = [260, 32], strides = [1, 1]} : vector<4680x128xf32> to vector<260x32xf32>
    %get3A_27 = arith.constant 1 : index
    %get3A_28 = arith.constant 0 : index
    %get3A_29 = arith.constant 0 : index
    %get3A_30 = vector.load %arg1[%get3A_27, %get3A_28, %get3A_29] : memref<18x32x128xf32, #tpu.memory_space<vmem>>, vector<1x32x128xf32>
    %get3A_31 = vector.shape_cast %get3A_30 : vector<1x32x128xf32> to vector<32x128xf32>
    %dot_general3A_32 = arith.constant dense<0.000000e+00> : vector<260x128xf32>
    %dot_general3A_33 = tpu.matmul %slice3A_26, %get3A_31, %dot_general3A_32 {dimension_numbers = #tpu.dot_dimension_numbers<[1], [0], [0], [1], [0, 0, 1, 1], [], []>, transpose_lhs_hint = false} : vector<260x32xf32>, vector<32x128xf32>, vector<260x128xf32> -> vector<260x128xf32>
    %add3A_34 = arith.addf %add3A_25, %dot_general3A_33 : vector<260x128xf32>
    %slice3A_35 = vector.extract_strided_slice %add3A {offsets = [520, 0], sizes = [260, 32], strides = [1, 1]} : vector<4680x128xf32> to vector<260x32xf32>
    %get3A_36 = arith.constant 2 : index
    %get3A_37 = arith.constant 0 : index
    %get3A_38 = arith.constant 0 : index
    %get3A_39 = vector.load %arg1[%get3A_36, %get3A_37, %get3A_38] : memref<18x32x128xf32, #tpu.memory_space<vmem>>, vector<1x32x128xf32>
    %get3A_40 = vector.shape_cast %get3A_39 : vector<1x32x128xf32> to vector<32x128xf32>
    %dot_general3A_41 = arith.constant dense<0.000000e+00> : vector<260x128xf32>
    %dot_general3A_42 = tpu.matmul %slice3A_35, %get3A_40, %dot_general3A_41 {dimension_numbers = #tpu.dot_dimension_numbers<[1], [0], [0], [1], [0, 0, 1, 1], [], []>, transpose_lhs_hint = false} : vector<260x32xf32>, vector<32x128xf32>, vector<260x128xf32> -> vector<260x128xf32>
    %add3A_43 = arith.addf %add3A_34, %dot_general3A_42 : vector<260x128xf32>
    %slice3A_44 = vector.extract_strided_slice %add3A {offsets = [780, 0], sizes = [260, 32], strides = [1, 1]} : vector<4680x128xf32> to vector<260x32xf32>
    %get3A_45 = arith.constant 3 : index
    %get3A_46 = arith.constant 0 : index
    %get3A_47 = arith.constant 0 : index
    %get3A_48 = vector.load %arg1[%get3A_45, %get3A_46, %get3A_47] : memref<18x32x128xf32, #tpu.memory_space<vmem>>, vector<1x32x128xf32>
    %get3A_49 = vector.shape_cast %get3A_48 : vector<1x32x128xf32> to vector<32x128xf32>
    %dot_general3A_50 = arith.constant dense<0.000000e+00> : vector<260x128xf32>
    %dot_general3A_51 = tpu.matmul %slice3A_44, %get3A_49, %dot_general3A_50 {dimension_numbers = #tpu.dot_dimension_numbers<[1], [0], [0], [1], [0, 0, 1, 1], [], []>, transpose_lhs_hint = false} : vector<260x32xf32>, vector<32x128xf32>, vector<260x128xf32> -> vector<260x128xf32>
    %add3A_52 = arith.addf %add3A_43, %dot_general3A_51 : vector<260x128xf32>
    %slice3A_53 = vector.extract_strided_slice %add3A {offsets = [1040, 0], sizes = [260, 32], strides = [1, 1]} : vector<4680x128xf32> to vector<260x32xf32>
    %get3A_54 = arith.constant 4 : index
    %get3A_55 = arith.constant 0 : index
    %get3A_56 = arith.constant 0 : index
    %get3A_57 = vector.load %arg1[%get3A_54, %get3A_55, %get3A_56] : memref<18x32x128xf32, #tpu.memory_space<vmem>>, vector<1x32x128xf32>
    %get3A_58 = vector.shape_cast %get3A_57 : vector<1x32x128xf32> to vector<32x128xf32>
    %dot_general3A_59 = arith.constant dense<0.000000e+00> : vector<260x128xf32>
    %dot_general3A_60 = tpu.matmul %slice3A_53, %get3A_58, %dot_general3A_59 {dimension_numbers = #tpu.dot_dimension_numbers<[1], [0], [0], [1], [0, 0, 1, 1], [], []>, transpose_lhs_hint = false} : vector<260x32xf32>, vector<32x128xf32>, vector<260x128xf32> -> vector<260x128xf32>
    %add3A_61 = arith.addf %add3A_52, %dot_general3A_60 : vector<260x128xf32>
    %slice3A_62 = vector.extract_strided_slice %add3A {offsets = [1300, 0], sizes = [260, 32], strides = [1, 1]} : vector<4680x128xf32> to vector<260x32xf32>
    %get3A_63 = arith.constant 5 : index
    %get3A_64 = arith.constant 0 : index
    %get3A_65 = arith.constant 0 : index
    %get3A_66 = vector.load %arg1[%get3A_63, %get3A_64, %get3A_65] : memref<18x32x128xf32, #tpu.memory_space<vmem>>, vector<1x32x128xf32>
    %get3A_67 = vector.shape_cast %get3A_66 : vector<1x32x128xf32> to vector<32x128xf32>
    %dot_general3A_68 = arith.constant dense<0.000000e+00> : vector<260x128xf32>
    %dot_general3A_69 = tpu.matmul %slice3A_62, %get3A_67, %dot_general3A_68 {dimension_numbers = #tpu.dot_dimension_numbers<[1], [0], [0], [1], [0, 0, 1, 1], [], []>, transpose_lhs_hint = false} : vector<260x32xf32>, vector<32x128xf32>, vector<260x128xf32> -> vector<260x128xf32>
    %add3A_70 = arith.addf %add3A_61, %dot_general3A_69 : vector<260x128xf32>
    %slice3A_71 = vector.extract_strided_slice %add3A {offsets = [1560, 0], sizes = [260, 32], strides = [1, 1]} : vector<4680x128xf32> to vector<260x32xf32>
    %get3A_72 = arith.constant 6 : index
    %get3A_73 = arith.constant 0 : index
    %get3A_74 = arith.constant 0 : index
    %get3A_75 = vector.load %arg1[%get3A_72, %get3A_73, %get3A_74] : memref<18x32x128xf32, #tpu.memory_space<vmem>>, vector<1x32x128xf32>
    %get3A_76 = vector.shape_cast %get3A_75 : vector<1x32x128xf32> to vector<32x128xf32>
    %dot_general3A_77 = arith.constant dense<0.000000e+00> : vector<260x128xf32>
    %dot_general3A_78 = tpu.matmul %slice3A_71, %get3A_76, %dot_general3A_77 {dimension_numbers = #tpu.dot_dimension_numbers<[1], [0], [0], [1], [0, 0, 1, 1], [], []>, transpose_lhs_hint = false} : vector<260x32xf32>, vector<32x128xf32>, vector<260x128xf32> -> vector<260x128xf32>
    %add3A_79 = arith.addf %add3A_70, %dot_general3A_78 : vector<260x128xf32>
    %slice3A_80 = vector.extract_strided_slice %add3A {offsets = [1820, 0], sizes = [260, 32], strides = [1, 1]} : vector<4680x128xf32> to vector<260x32xf32>
    %get3A_81 = arith.constant 7 : index
    %get3A_82 = arith.constant 0 : index
    %get3A_83 = arith.constant 0 : index
    %get3A_84 = vector.load %arg1[%get3A_81, %get3A_82, %get3A_83] : memref<18x32x128xf32, #tpu.memory_space<vmem>>, vector<1x32x128xf32>
    %get3A_85 = vector.shape_cast %get3A_84 : vector<1x32x128xf32> to vector<32x128xf32>
    %dot_general3A_86 = arith.constant dense<0.000000e+00> : vector<260x128xf32>
    %dot_general3A_87 = tpu.matmul %slice3A_80, %get3A_85, %dot_general3A_86 {dimension_numbers = #tpu.dot_dimension_numbers<[1], [0], [0], [1], [0, 0, 1, 1], [], []>, transpose_lhs_hint = false} : vector<260x32xf32>, vector<32x128xf32>, vector<260x128xf32> -> vector<260x128xf32>
    %add3A_88 = arith.addf %add3A_79, %dot_general3A_87 : vector<260x128xf32>
    %slice3A_89 = vector.extract_strided_slice %add3A {offsets = [2080, 0], sizes = [260, 32], strides = [1, 1]} : vector<4680x128xf32> to vector<260x32xf32>
    %get3A_90 = arith.constant 8 : index
    %get3A_91 = arith.constant 0 : index
    %get3A_92 = arith.constant 0 : index
    %get3A_93 = vector.load %arg1[%get3A_90, %get3A_91, %get3A_92] : memref<18x32x128xf32, #tpu.memory_space<vmem>>, vector<1x32x128xf32>
    %get3A_94 = vector.shape_cast %get3A_93 : vector<1x32x128xf32> to vector<32x128xf32>
    %dot_general3A_95 = arith.constant dense<0.000000e+00> : vector<260x128xf32>
    %dot_general3A_96 = tpu.matmul %slice3A_89, %get3A_94, %dot_general3A_95 {dimension_numbers = #tpu.dot_dimension_numbers<[1], [0], [0], [1], [0, 0, 1, 1], [], []>, transpose_lhs_hint = false} : vector<260x32xf32>, vector<32x128xf32>, vector<260x128xf32> -> vector<260x128xf32>
    %add3A_97 = arith.addf %add3A_88, %dot_general3A_96 : vector<260x128xf32>
    %slice3A_98 = vector.extract_strided_slice %add3A {offsets = [2340, 0], sizes = [260, 32], strides = [1, 1]} : vector<4680x128xf32> to vector<260x32xf32>
    %get3A_99 = arith.constant 9 : index
    %get3A_100 = arith.constant 0 : index
    %get3A_101 = arith.constant 0 : index
    %get3A_102 = vector.load %arg1[%get3A_99, %get3A_100, %get3A_101] : memref<18x32x128xf32, #tpu.memory_space<vmem>>, vector<1x32x128xf32>
    %get3A_103 = vector.shape_cast %get3A_102 : vector<1x32x128xf32> to vector<32x128xf32>
    %dot_general3A_104 = arith.constant dense<0.000000e+00> : vector<260x128xf32>
    %dot_general3A_105 = tpu.matmul %slice3A_98, %get3A_103, %dot_general3A_104 {dimension_numbers = #tpu.dot_dimension_numbers<[1], [0], [0], [1], [0, 0, 1, 1], [], []>, transpose_lhs_hint = false} : vector<260x32xf32>, vector<32x128xf32>, vector<260x128xf32> -> vector<260x128xf32>
    %add3A_106 = arith.addf %add3A_97, %dot_general3A_105 : vector<260x128xf32>
    %slice3A_107 = vector.extract_strided_slice %add3A {offsets = [2600, 0], sizes = [260, 32], strides = [1, 1]} : vector<4680x128xf32> to vector<260x32xf32>
    %get3A_108 = arith.constant 10 : index
    %get3A_109 = arith.constant 0 : index
    %get3A_110 = arith.constant 0 : index
    %get3A_111 = vector.load %arg1[%get3A_108, %get3A_109, %get3A_110] : memref<18x32x128xf32, #tpu.memory_space<vmem>>, vector<1x32x128xf32>
    %get3A_112 = vector.shape_cast %get3A_111 : vector<1x32x128xf32> to vector<32x128xf32>
    %dot_general3A_113 = arith.constant dense<0.000000e+00> : vector<260x128xf32>
    %dot_general3A_114 = tpu.matmul %slice3A_107, %get3A_112, %dot_general3A_113 {dimension_numbers = #tpu.dot_dimension_numbers<[1], [0], [0], [1], [0, 0, 1, 1], [], []>, transpose_lhs_hint = false} : vector<260x32xf32>, vector<32x128xf32>, vector<260x128xf32> -> vector<260x128xf32>
    %add3A_115 = arith.addf %add3A_106, %dot_general3A_114 : vector<260x128xf32>
    %slice3A_116 = vector.extract_strided_slice %add3A {offsets = [2860, 0], sizes = [260, 32], strides = [1, 1]} : vector<4680x128xf32> to vector<260x32xf32>
    %get3A_117 = arith.constant 11 : index
    %get3A_118 = arith.constant 0 : index
    %get3A_119 = arith.constant 0 : index
    %get3A_120 = vector.load %arg1[%get3A_117, %get3A_118, %get3A_119] : memref<18x32x128xf32, #tpu.memory_space<vmem>>, vector<1x32x128xf32>
    %get3A_121 = vector.shape_cast %get3A_120 : vector<1x32x128xf32> to vector<32x128xf32>
    %dot_general3A_122 = arith.constant dense<0.000000e+00> : vector<260x128xf32>
    %dot_general3A_123 = tpu.matmul %slice3A_116, %get3A_121, %dot_general3A_122 {dimension_numbers = #tpu.dot_dimension_numbers<[1], [0], [0], [1], [0, 0, 1, 1], [], []>, transpose_lhs_hint = false} : vector<260x32xf32>, vector<32x128xf32>, vector<260x128xf32> -> vector<260x128xf32>
    %add3A_124 = arith.addf %add3A_115, %dot_general3A_123 : vector<260x128xf32>
    %slice3A_125 = vector.extract_strided_slice %add3A {offsets = [3120, 0], sizes = [260, 32], strides = [1, 1]} : vector<4680x128xf32> to vector<260x32xf32>
    %get3A_126 = arith.constant 12 : index
    %get3A_127 = arith.constant 0 : index
    %get3A_128 = arith.constant 0 : index
    %get3A_129 = vector.load %arg1[%get3A_126, %get3A_127, %get3A_128] : memref<18x32x128xf32, #tpu.memory_space<vmem>>, vector<1x32x128xf32>
    %get3A_130 = vector.shape_cast %get3A_129 : vector<1x32x128xf32> to vector<32x128xf32>
    %dot_general3A_131 = arith.constant dense<0.000000e+00> : vector<260x128xf32>
    %dot_general3A_132 = tpu.matmul %slice3A_125, %get3A_130, %dot_general3A_131 {dimension_numbers = #tpu.dot_dimension_numbers<[1], [0], [0], [1], [0, 0, 1, 1], [], []>, transpose_lhs_hint = false} : vector<260x32xf32>, vector<32x128xf32>, vector<260x128xf32> -> vector<260x128xf32>
    %add3A_133 = arith.addf %add3A_124, %dot_general3A_132 : vector<260x128xf32>
    %slice3A_134 = vector.extract_strided_slice %add3A {offsets = [3380, 0], sizes = [260, 32], strides = [1, 1]} : vector<4680x128xf32> to vector<260x32xf32>
    %get3A_135 = arith.constant 13 : index
    %get3A_136 = arith.constant 0 : index
    %get3A_137 = arith.constant 0 : index
    %get3A_138 = vector.load %arg1[%get3A_135, %get3A_136, %get3A_137] : memref<18x32x128xf32, #tpu.memory_space<vmem>>, vector<1x32x128xf32>
    %get3A_139 = vector.shape_cast %get3A_138 : vector<1x32x128xf32> to vector<32x128xf32>
    %dot_general3A_140 = arith.constant dense<0.000000e+00> : vector<260x128xf32>
    %dot_general3A_141 = tpu.matmul %slice3A_134, %get3A_139, %dot_general3A_140 {dimension_numbers = #tpu.dot_dimension_numbers<[1], [0], [0], [1], [0, 0, 1, 1], [], []>, transpose_lhs_hint = false} : vector<260x32xf32>, vector<32x128xf32>, vector<260x128xf32> -> vector<260x128xf32>
    %add3A_142 = arith.addf %add3A_133, %dot_general3A_141 : vector<260x128xf32>
    %slice3A_143 = vector.extract_strided_slice %add3A {offsets = [3640, 0], sizes = [260, 32], strides = [1, 1]} : vector<4680x128xf32> to vector<260x32xf32>
    %get3A_144 = arith.constant 14 : index
    %get3A_145 = arith.constant 0 : index
    %get3A_146 = arith.constant 0 : index
    %get3A_147 = vector.load %arg1[%get3A_144, %get3A_145, %get3A_146] : memref<18x32x128xf32, #tpu.memory_space<vmem>>, vector<1x32x128xf32>
    %get3A_148 = vector.shape_cast %get3A_147 : vector<1x32x128xf32> to vector<32x128xf32>
    %dot_general3A_149 = arith.constant dense<0.000000e+00> : vector<260x128xf32>
    %dot_general3A_150 = tpu.matmul %slice3A_143, %get3A_148, %dot_general3A_149 {dimension_numbers = #tpu.dot_dimension_numbers<[1], [0], [0], [1], [0, 0, 1, 1], [], []>, transpose_lhs_hint = false} : vector<260x32xf32>, vector<32x128xf32>, vector<260x128xf32> -> vector<260x128xf32>
    %add3A_151 = arith.addf %add3A_142, %dot_general3A_150 : vector<260x128xf32>
    %slice3A_152 = vector.extract_strided_slice %add3A {offsets = [3900, 0], sizes = [260, 32], strides = [1, 1]} : vector<4680x128xf32> to vector<260x32xf32>
    %get3A_153 = arith.constant 15 : index
    %get3A_154 = arith.constant 0 : index
    %get3A_155 = arith.constant 0 : index
    %get3A_156 = vector.load %arg1[%get3A_153, %get3A_154, %get3A_155] : memref<18x32x128xf32, #tpu.memory_space<vmem>>, vector<1x32x128xf32>
    %get3A_157 = vector.shape_cast %get3A_156 : vector<1x32x128xf32> to vector<32x128xf32>
    %dot_general3A_158 = arith.constant dense<0.000000e+00> : vector<260x128xf32>
    %dot_general3A_159 = tpu.matmul %slice3A_152, %get3A_157, %dot_general3A_158 {dimension_numbers = #tpu.dot_dimension_numbers<[1], [0], [0], [1], [0, 0, 1, 1], [], []>, transpose_lhs_hint = false} : vector<260x32xf32>, vector<32x128xf32>, vector<260x128xf32> -> vector<260x128xf32>
    %add3A_160 = arith.addf %add3A_151, %dot_general3A_159 : vector<260x128xf32>
    %slice3A_161 = vector.extract_strided_slice %add3A {offsets = [4160, 0], sizes = [260, 32], strides = [1, 1]} : vector<4680x128xf32> to vector<260x32xf32>
    %get3A_162 = arith.constant 16 : index
    %get3A_163 = arith.constant 0 : index
    %get3A_164 = arith.constant 0 : index
    %get3A_165 = vector.load %arg1[%get3A_162, %get3A_163, %get3A_164] : memref<18x32x128xf32, #tpu.memory_space<vmem>>, vector<1x32x128xf32>
    %get3A_166 = vector.shape_cast %get3A_165 : vector<1x32x128xf32> to vector<32x128xf32>
    %dot_general3A_167 = arith.constant dense<0.000000e+00> : vector<260x128xf32>
    %dot_general3A_168 = tpu.matmul %slice3A_161, %get3A_166, %dot_general3A_167 {dimension_numbers = #tpu.dot_dimension_numbers<[1], [0], [0], [1], [0, 0, 1, 1], [], []>, transpose_lhs_hint = false} : vector<260x32xf32>, vector<32x128xf32>, vector<260x128xf32> -> vector<260x128xf32>
    %add3A_169 = arith.addf %add3A_160, %dot_general3A_168 : vector<260x128xf32>
    %slice3A_170 = vector.extract_strided_slice %add3A {offsets = [4420, 0], sizes = [260, 32], strides = [1, 1]} : vector<4680x128xf32> to vector<260x32xf32>
    %get3A_171 = arith.constant 17 : index
    %get3A_172 = arith.constant 0 : index
    %get3A_173 = arith.constant 0 : index
    %get3A_174 = vector.load %arg1[%get3A_171, %get3A_172, %get3A_173] : memref<18x32x128xf32, #tpu.memory_space<vmem>>, vector<1x32x128xf32>
    %get3A_175 = vector.shape_cast %get3A_174 : vector<1x32x128xf32> to vector<32x128xf32>
    %dot_general3A_176 = arith.constant dense<0.000000e+00> : vector<260x128xf32>
    %dot_general3A_177 = tpu.matmul %slice3A_170, %get3A_175, %dot_general3A_176 {dimension_numbers = #tpu.dot_dimension_numbers<[1], [0], [0], [1], [0, 0, 1, 1], [], []>, transpose_lhs_hint = false} : vector<260x32xf32>, vector<32x128xf32>, vector<260x128xf32> -> vector<260x128xf32>
    %add3A_178 = arith.addf %add3A_169, %dot_general3A_177 : vector<260x128xf32>
    %eq3A = vector.broadcast %shift_right_logical3A_13 : vector<1024x1xi32> to vector<1024x260xi32>
    %eq3A_179 = arith.cmpi eq, %iota3A, %eq3A : vector<1024x260xi32>
    %eq3A_180 = arith.constant 0 : i32
    %eq3A_181 = vector.broadcast %eq3A_180 : i32 to vector<1024x1xi32>
    %eq3A_182 = arith.cmpi eq, %and3A_15, %eq3A_181 : vector<1024x1xi32>
    %and3A_183 = vector.broadcast %eq3A_182 : vector<1024x1xi1> to vector<1024x260xi1>
    %and3A_184 = arith.andi %eq3A_179, %and3A_183 : vector<1024x260xi1>
    %convert_element_type3A = arith.extui %and3A_184 : vector<1024x260xi1> to vector<1024x260xi32>
    %convert_element_type3A_185 = arith.sitofp %convert_element_type3A : vector<1024x260xi32> to vector<1024x260xf32>
    %dot_general3A_186 = arith.constant dense<0.000000e+00> : vector<1024x128xf32>
    %dot_general3A_187 = tpu.matmul %convert_element_type3A_185, %add3A_178, %dot_general3A_186 {dimension_numbers = #tpu.dot_dimension_numbers<[1], [0], [0], [1], [0, 0, 1, 1], [], []>, transpose_lhs_hint = false} : vector<1024x260xf32>, vector<260x128xf32>, vector<1024x128xf32> -> vector<1024x128xf32>
    %add3A_188 = arith.addf %broadcast_in_dim3A_16, %dot_general3A_187 : vector<1024x128xf32>
    %broadcast_in_dim3A_189 = arith.constant 0.000000e+00 : f32
    %broadcast_in_dim3A_190 = vector.broadcast %broadcast_in_dim3A_189 : f32 to vector<260x128xf32>
    %slice3A_191 = vector.extract_strided_slice %add3A {offsets = [0, 32], sizes = [260, 32], strides = [1, 1]} : vector<4680x128xf32> to vector<260x32xf32>
    %get3A_192 = arith.constant 0 : index
    %get3A_193 = arith.constant 0 : index
    %get3A_194 = arith.constant 0 : index
    %get3A_195 = vector.load %arg1[%get3A_192, %get3A_193, %get3A_194] : memref<18x32x128xf32, #tpu.memory_space<vmem>>, vector<1x32x128xf32>
    %get3A_196 = vector.shape_cast %get3A_195 : vector<1x32x128xf32> to vector<32x128xf32>
    %dot_general3A_197 = arith.constant dense<0.000000e+00> : vector<260x128xf32>
    %dot_general3A_198 = tpu.matmul %slice3A_191, %get3A_196, %dot_general3A_197 {dimension_numbers = #tpu.dot_dimension_numbers<[1], [0], [0], [1], [0, 0, 1, 1], [], []>, transpose_lhs_hint = false} : vector<260x32xf32>, vector<32x128xf32>, vector<260x128xf32> -> vector<260x128xf32>
    %add3A_199 = arith.addf %broadcast_in_dim3A_190, %dot_general3A_198 : vector<260x128xf32>
    %slice3A_200 = vector.extract_strided_slice %add3A {offsets = [260, 32], sizes = [260, 32], strides = [1, 1]} : vector<4680x128xf32> to vector<260x32xf32>
    %get3A_201 = arith.constant 1 : index
    %get3A_202 = arith.constant 0 : index
    %get3A_203 = arith.constant 0 : index
    %get3A_204 = vector.load %arg1[%get3A_201, %get3A_202, %get3A_203] : memref<18x32x128xf32, #tpu.memory_space<vmem>>, vector<1x32x128xf32>
    %get3A_205 = vector.shape_cast %get3A_204 : vector<1x32x128xf32> to vector<32x128xf32>
    %dot_general3A_206 = arith.constant dense<0.000000e+00> : vector<260x128xf32>
    %dot_general3A_207 = tpu.matmul %slice3A_200, %get3A_205, %dot_general3A_206 {dimension_numbers = #tpu.dot_dimension_numbers<[1], [0], [0], [1], [0, 0, 1, 1], [], []>, transpose_lhs_hint = false} : vector<260x32xf32>, vector<32x128xf32>, vector<260x128xf32> -> vector<260x128xf32>
    %add3A_208 = arith.addf %add3A_199, %dot_general3A_207 : vector<260x128xf32>
    %slice3A_209 = vector.extract_strided_slice %add3A {offsets = [520, 32], sizes = [260, 32], strides = [1, 1]} : vector<4680x128xf32> to vector<260x32xf32>
    %get3A_210 = arith.constant 2 : index
    %get3A_211 = arith.constant 0 : index
    %get3A_212 = arith.constant 0 : index
    %get3A_213 = vector.load %arg1[%get3A_210, %get3A_211, %get3A_212] : memref<18x32x128xf32, #tpu.memory_space<vmem>>, vector<1x32x128xf32>
    %get3A_214 = vector.shape_cast %get3A_213 : vector<1x32x128xf32> to vector<32x128xf32>
    %dot_general3A_215 = arith.constant dense<0.000000e+00> : vector<260x128xf32>
    %dot_general3A_216 = tpu.matmul %slice3A_209, %get3A_214, %dot_general3A_215 {dimension_numbers = #tpu.dot_dimension_numbers<[1], [0], [0], [1], [0, 0, 1, 1], [], []>, transpose_lhs_hint = false} : vector<260x32xf32>, vector<32x128xf32>, vector<260x128xf32> -> vector<260x128xf32>
    %add3A_217 = arith.addf %add3A_208, %dot_general3A_216 : vector<260x128xf32>
    %slice3A_218 = vector.extract_strided_slice %add3A {offsets = [780, 32], sizes = [260, 32], strides = [1, 1]} : vector<4680x128xf32> to vector<260x32xf32>
    %get3A_219 = arith.constant 3 : index
    %get3A_220 = arith.constant 0 : index
    %get3A_221 = arith.constant 0 : index
    %get3A_222 = vector.load %arg1[%get3A_219, %get3A_220, %get3A_221] : memref<18x32x128xf32, #tpu.memory_space<vmem>>, vector<1x32x128xf32>
    %get3A_223 = vector.shape_cast %get3A_222 : vector<1x32x128xf32> to vector<32x128xf32>
    %dot_general3A_224 = arith.constant dense<0.000000e+00> : vector<260x128xf32>
    %dot_general3A_225 = tpu.matmul %slice3A_218, %get3A_223, %dot_general3A_224 {dimension_numbers = #tpu.dot_dimension_numbers<[1], [0], [0], [1], [0, 0, 1, 1], [], []>, transpose_lhs_hint = false} : vector<260x32xf32>, vector<32x128xf32>, vector<260x128xf32> -> vector<260x128xf32>
    %add3A_226 = arith.addf %add3A_217, %dot_general3A_225 : vector<260x128xf32>
    %slice3A_227 = vector.extract_strided_slice %add3A {offsets = [1040, 32], sizes = [260, 32], strides = [1, 1]} : vector<4680x128xf32> to vector<260x32xf32>
    %get3A_228 = arith.constant 4 : index
    %get3A_229 = arith.constant 0 : index
    %get3A_230 = arith.constant 0 : index
    %get3A_231 = vector.load %arg1[%get3A_228, %get3A_229, %get3A_230] : memref<18x32x128xf32, #tpu.memory_space<vmem>>, vector<1x32x128xf32>
    %get3A_232 = vector.shape_cast %get3A_231 : vector<1x32x128xf32> to vector<32x128xf32>
    %dot_general3A_233 = arith.constant dense<0.000000e+00> : vector<260x128xf32>
    %dot_general3A_234 = tpu.matmul %slice3A_227, %get3A_232, %dot_general3A_233 {dimension_numbers = #tpu.dot_dimension_numbers<[1], [0], [0], [1], [0, 0, 1, 1], [], []>, transpose_lhs_hint = false} : vector<260x32xf32>, vector<32x128xf32>, vector<260x128xf32> -> vector<260x128xf32>
    %add3A_235 = arith.addf %add3A_226, %dot_general3A_234 : vector<260x128xf32>
    %slice3A_236 = vector.extract_strided_slice %add3A {offsets = [1300, 32], sizes = [260, 32], strides = [1, 1]} : vector<4680x128xf32> to vector<260x32xf32>
    %get3A_237 = arith.constant 5 : index
    %get3A_238 = arith.constant 0 : index
    %get3A_239 = arith.constant 0 : index
    %get3A_240 = vector.load %arg1[%get3A_237, %get3A_238, %get3A_239] : memref<18x32x128xf32, #tpu.memory_space<vmem>>, vector<1x32x128xf32>
    %get3A_241 = vector.shape_cast %get3A_240 : vector<1x32x128xf32> to vector<32x128xf32>
    %dot_general3A_242 = arith.constant dense<0.000000e+00> : vector<260x128xf32>
    %dot_general3A_243 = tpu.matmul %slice3A_236, %get3A_241, %dot_general3A_242 {dimension_numbers = #tpu.dot_dimension_numbers<[1], [0], [0], [1], [0, 0, 1, 1], [], []>, transpose_lhs_hint = false} : vector<260x32xf32>, vector<32x128xf32>, vector<260x128xf32> -> vector<260x128xf32>
    %add3A_244 = arith.addf %add3A_235, %dot_general3A_243 : vector<260x128xf32>
    %slice3A_245 = vector.extract_strided_slice %add3A {offsets = [1560, 32], sizes = [260, 32], strides = [1, 1]} : vector<4680x128xf32> to vector<260x32xf32>
    %get3A_246 = arith.constant 6 : index
    %get3A_247 = arith.constant 0 : index
    %get3A_248 = arith.constant 0 : index
    %get3A_249 = vector.load %arg1[%get3A_246, %get3A_247, %get3A_248] : memref<18x32x128xf32, #tpu.memory_space<vmem>>, vector<1x32x128xf32>
    %get3A_250 = vector.shape_cast %get3A_249 : vector<1x32x128xf32> to vector<32x128xf32>
    %dot_general3A_251 = arith.constant dense<0.000000e+00> : vector<260x128xf32>
    %dot_general3A_252 = tpu.matmul %slice3A_245, %get3A_250, %dot_general3A_251 {dimension_numbers = #tpu.dot_dimension_numbers<[1], [0], [0], [1], [0, 0, 1, 1], [], []>, transpose_lhs_hint = false} : vector<260x32xf32>, vector<32x128xf32>, vector<260x128xf32> -> vector<260x128xf32>
    %add3A_253 = arith.addf %add3A_244, %dot_general3A_252 : vector<260x128xf32>
    %slice3A_254 = vector.extract_strided_slice %add3A {offsets = [1820, 32], sizes = [260, 32], strides = [1, 1]} : vector<4680x128xf32> to vector<260x32xf32>
    %get3A_255 = arith.constant 7 : index
    %get3A_256 = arith.constant 0 : index
    %get3A_257 = arith.constant 0 : index
    %get3A_258 = vector.load %arg1[%get3A_255, %get3A_256, %get3A_257] : memref<18x32x128xf32, #tpu.memory_space<vmem>>, vector<1x32x128xf32>
    %get3A_259 = vector.shape_cast %get3A_258 : vector<1x32x128xf32> to vector<32x128xf32>
    %dot_general3A_260 = arith.constant dense<0.000000e+00> : vector<260x128xf32>
    %dot_general3A_261 = tpu.matmul %slice3A_254, %get3A_259, %dot_general3A_260 {dimension_numbers = #tpu.dot_dimension_numbers<[1], [0], [0], [1], [0, 0, 1, 1], [], []>, transpose_lhs_hint = false} : vector<260x32xf32>, vector<32x128xf32>, vector<260x128xf32> -> vector<260x128xf32>
    %add3A_262 = arith.addf %add3A_253, %dot_general3A_261 : vector<260x128xf32>
    %slice3A_263 = vector.extract_strided_slice %add3A {offsets = [2080, 32], sizes = [260, 32], strides = [1, 1]} : vector<4680x128xf32> to vector<260x32xf32>
    %get3A_264 = arith.constant 8 : index
    %get3A_265 = arith.constant 0 : index
    %get3A_266 = arith.constant 0 : index
    %get3A_267 = vector.load %arg1[%get3A_264, %get3A_265, %get3A_266] : memref<18x32x128xf32, #tpu.memory_space<vmem>>, vector<1x32x128xf32>
    %get3A_268 = vector.shape_cast %get3A_267 : vector<1x32x128xf32> to vector<32x128xf32>
    %dot_general3A_269 = arith.constant dense<0.000000e+00> : vector<260x128xf32>
    %dot_general3A_270 = tpu.matmul %slice3A_263, %get3A_268, %dot_general3A_269 {dimension_numbers = #tpu.dot_dimension_numbers<[1], [0], [0], [1], [0, 0, 1, 1], [], []>, transpose_lhs_hint = false} : vector<260x32xf32>, vector<32x128xf32>, vector<260x128xf32> -> vector<260x128xf32>
    %add3A_271 = arith.addf %add3A_262, %dot_general3A_270 : vector<260x128xf32>
    %slice3A_272 = vector.extract_strided_slice %add3A {offsets = [2340, 32], sizes = [260, 32], strides = [1, 1]} : vector<4680x128xf32> to vector<260x32xf32>
    %get3A_273 = arith.constant 9 : index
    %get3A_274 = arith.constant 0 : index
    %get3A_275 = arith.constant 0 : index
    %get3A_276 = vector.load %arg1[%get3A_273, %get3A_274, %get3A_275] : memref<18x32x128xf32, #tpu.memory_space<vmem>>, vector<1x32x128xf32>
    %get3A_277 = vector.shape_cast %get3A_276 : vector<1x32x128xf32> to vector<32x128xf32>
    %dot_general3A_278 = arith.constant dense<0.000000e+00> : vector<260x128xf32>
    %dot_general3A_279 = tpu.matmul %slice3A_272, %get3A_277, %dot_general3A_278 {dimension_numbers = #tpu.dot_dimension_numbers<[1], [0], [0], [1], [0, 0, 1, 1], [], []>, transpose_lhs_hint = false} : vector<260x32xf32>, vector<32x128xf32>, vector<260x128xf32> -> vector<260x128xf32>
    %add3A_280 = arith.addf %add3A_271, %dot_general3A_279 : vector<260x128xf32>
    %slice3A_281 = vector.extract_strided_slice %add3A {offsets = [2600, 32], sizes = [260, 32], strides = [1, 1]} : vector<4680x128xf32> to vector<260x32xf32>
    %get3A_282 = arith.constant 10 : index
    %get3A_283 = arith.constant 0 : index
    %get3A_284 = arith.constant 0 : index
    %get3A_285 = vector.load %arg1[%get3A_282, %get3A_283, %get3A_284] : memref<18x32x128xf32, #tpu.memory_space<vmem>>, vector<1x32x128xf32>
    %get3A_286 = vector.shape_cast %get3A_285 : vector<1x32x128xf32> to vector<32x128xf32>
    %dot_general3A_287 = arith.constant dense<0.000000e+00> : vector<260x128xf32>
    %dot_general3A_288 = tpu.matmul %slice3A_281, %get3A_286, %dot_general3A_287 {dimension_numbers = #tpu.dot_dimension_numbers<[1], [0], [0], [1], [0, 0, 1, 1], [], []>, transpose_lhs_hint = false} : vector<260x32xf32>, vector<32x128xf32>, vector<260x128xf32> -> vector<260x128xf32>
    %add3A_289 = arith.addf %add3A_280, %dot_general3A_288 : vector<260x128xf32>
    %slice3A_290 = vector.extract_strided_slice %add3A {offsets = [2860, 32], sizes = [260, 32], strides = [1, 1]} : vector<4680x128xf32> to vector<260x32xf32>
    %get3A_291 = arith.constant 11 : index
    %get3A_292 = arith.constant 0 : index
    %get3A_293 = arith.constant 0 : index
    %get3A_294 = vector.load %arg1[%get3A_291, %get3A_292, %get3A_293] : memref<18x32x128xf32, #tpu.memory_space<vmem>>, vector<1x32x128xf32>
    %get3A_295 = vector.shape_cast %get3A_294 : vector<1x32x128xf32> to vector<32x128xf32>
    %dot_general3A_296 = arith.constant dense<0.000000e+00> : vector<260x128xf32>
    %dot_general3A_297 = tpu.matmul %slice3A_290, %get3A_295, %dot_general3A_296 {dimension_numbers = #tpu.dot_dimension_numbers<[1], [0], [0], [1], [0, 0, 1, 1], [], []>, transpose_lhs_hint = false} : vector<260x32xf32>, vector<32x128xf32>, vector<260x128xf32> -> vector<260x128xf32>
    %add3A_298 = arith.addf %add3A_289, %dot_general3A_297 : vector<260x128xf32>
    %slice3A_299 = vector.extract_strided_slice %add3A {offsets = [3120, 32], sizes = [260, 32], strides = [1, 1]} : vector<4680x128xf32> to vector<260x32xf32>
    %get3A_300 = arith.constant 12 : index
    %get3A_301 = arith.constant 0 : index
    %get3A_302 = arith.constant 0 : index
    %get3A_303 = vector.load %arg1[%get3A_300, %get3A_301, %get3A_302] : memref<18x32x128xf32, #tpu.memory_space<vmem>>, vector<1x32x128xf32>
    %get3A_304 = vector.shape_cast %get3A_303 : vector<1x32x128xf32> to vector<32x128xf32>
    %dot_general3A_305 = arith.constant dense<0.000000e+00> : vector<260x128xf32>
    %dot_general3A_306 = tpu.matmul %slice3A_299, %get3A_304, %dot_general3A_305 {dimension_numbers = #tpu.dot_dimension_numbers<[1], [0], [0], [1], [0, 0, 1, 1], [], []>, transpose_lhs_hint = false} : vector<260x32xf32>, vector<32x128xf32>, vector<260x128xf32> -> vector<260x128xf32>
    %add3A_307 = arith.addf %add3A_298, %dot_general3A_306 : vector<260x128xf32>
    %slice3A_308 = vector.extract_strided_slice %add3A {offsets = [3380, 32], sizes = [260, 32], strides = [1, 1]} : vector<4680x128xf32> to vector<260x32xf32>
    %get3A_309 = arith.constant 13 : index
    %get3A_310 = arith.constant 0 : index
    %get3A_311 = arith.constant 0 : index
    %get3A_312 = vector.load %arg1[%get3A_309, %get3A_310, %get3A_311] : memref<18x32x128xf32, #tpu.memory_space<vmem>>, vector<1x32x128xf32>
    %get3A_313 = vector.shape_cast %get3A_312 : vector<1x32x128xf32> to vector<32x128xf32>
    %dot_general3A_314 = arith.constant dense<0.000000e+00> : vector<260x128xf32>
    %dot_general3A_315 = tpu.matmul %slice3A_308, %get3A_313, %dot_general3A_314 {dimension_numbers = #tpu.dot_dimension_numbers<[1], [0], [0], [1], [0, 0, 1, 1], [], []>, transpose_lhs_hint = false} : vector<260x32xf32>, vector<32x128xf32>, vector<260x128xf32> -> vector<260x128xf32>
    %add3A_316 = arith.addf %add3A_307, %dot_general3A_315 : vector<260x128xf32>
    %slice3A_317 = vector.extract_strided_slice %add3A {offsets = [3640, 32], sizes = [260, 32], strides = [1, 1]} : vector<4680x128xf32> to vector<260x32xf32>
    %get3A_318 = arith.constant 14 : index
    %get3A_319 = arith.constant 0 : index
    %get3A_320 = arith.constant 0 : index
    %get3A_321 = vector.load %arg1[%get3A_318, %get3A_319, %get3A_320] : memref<18x32x128xf32, #tpu.memory_space<vmem>>, vector<1x32x128xf32>
    %get3A_322 = vector.shape_cast %get3A_321 : vector<1x32x128xf32> to vector<32x128xf32>
    %dot_general3A_323 = arith.constant dense<0.000000e+00> : vector<260x128xf32>
    %dot_general3A_324 = tpu.matmul %slice3A_317, %get3A_322, %dot_general3A_323 {dimension_numbers = #tpu.dot_dimension_numbers<[1], [0], [0], [1], [0, 0, 1, 1], [], []>, transpose_lhs_hint = false} : vector<260x32xf32>, vector<32x128xf32>, vector<260x128xf32> -> vector<260x128xf32>
    %add3A_325 = arith.addf %add3A_316, %dot_general3A_324 : vector<260x128xf32>
    %slice3A_326 = vector.extract_strided_slice %add3A {offsets = [3900, 32], sizes = [260, 32], strides = [1, 1]} : vector<4680x128xf32> to vector<260x32xf32>
    %get3A_327 = arith.constant 15 : index
    %get3A_328 = arith.constant 0 : index
    %get3A_329 = arith.constant 0 : index
    %get3A_330 = vector.load %arg1[%get3A_327, %get3A_328, %get3A_329] : memref<18x32x128xf32, #tpu.memory_space<vmem>>, vector<1x32x128xf32>
    %get3A_331 = vector.shape_cast %get3A_330 : vector<1x32x128xf32> to vector<32x128xf32>
    %dot_general3A_332 = arith.constant dense<0.000000e+00> : vector<260x128xf32>
    %dot_general3A_333 = tpu.matmul %slice3A_326, %get3A_331, %dot_general3A_332 {dimension_numbers = #tpu.dot_dimension_numbers<[1], [0], [0], [1], [0, 0, 1, 1], [], []>, transpose_lhs_hint = false} : vector<260x32xf32>, vector<32x128xf32>, vector<260x128xf32> -> vector<260x128xf32>
    %add3A_334 = arith.addf %add3A_325, %dot_general3A_333 : vector<260x128xf32>
    %slice3A_335 = vector.extract_strided_slice %add3A {offsets = [4160, 32], sizes = [260, 32], strides = [1, 1]} : vector<4680x128xf32> to vector<260x32xf32>
    %get3A_336 = arith.constant 16 : index
    %get3A_337 = arith.constant 0 : index
    %get3A_338 = arith.constant 0 : index
    %get3A_339 = vector.load %arg1[%get3A_336, %get3A_337, %get3A_338] : memref<18x32x128xf32, #tpu.memory_space<vmem>>, vector<1x32x128xf32>
    %get3A_340 = vector.shape_cast %get3A_339 : vector<1x32x128xf32> to vector<32x128xf32>
    %dot_general3A_341 = arith.constant dense<0.000000e+00> : vector<260x128xf32>
    %dot_general3A_342 = tpu.matmul %slice3A_335, %get3A_340, %dot_general3A_341 {dimension_numbers = #tpu.dot_dimension_numbers<[1], [0], [0], [1], [0, 0, 1, 1], [], []>, transpose_lhs_hint = false} : vector<260x32xf32>, vector<32x128xf32>, vector<260x128xf32> -> vector<260x128xf32>
    %add3A_343 = arith.addf %add3A_334, %dot_general3A_342 : vector<260x128xf32>
    %slice3A_344 = vector.extract_strided_slice %add3A {offsets = [4420, 32], sizes = [260, 32], strides = [1, 1]} : vector<4680x128xf32> to vector<260x32xf32>
    %get3A_345 = arith.constant 17 : index
    %get3A_346 = arith.constant 0 : index
    %get3A_347 = arith.constant 0 : index
    %get3A_348 = vector.load %arg1[%get3A_345, %get3A_346, %get3A_347] : memref<18x32x128xf32, #tpu.memory_space<vmem>>, vector<1x32x128xf32>
    %get3A_349 = vector.shape_cast %get3A_348 : vector<1x32x128xf32> to vector<32x128xf32>
    %dot_general3A_350 = arith.constant dense<0.000000e+00> : vector<260x128xf32>
    %dot_general3A_351 = tpu.matmul %slice3A_344, %get3A_349, %dot_general3A_350 {dimension_numbers = #tpu.dot_dimension_numbers<[1], [0], [0], [1], [0, 0, 1, 1], [], []>, transpose_lhs_hint = false} : vector<260x32xf32>, vector<32x128xf32>, vector<260x128xf32> -> vector<260x128xf32>
    %add3A_352 = arith.addf %add3A_343, %dot_general3A_351 : vector<260x128xf32>
    %eq3A_353 = vector.broadcast %shift_right_logical3A_13 : vector<1024x1xi32> to vector<1024x260xi32>
    %eq3A_354 = arith.cmpi eq, %iota3A, %eq3A_353 : vector<1024x260xi32>
    %eq3A_355 = arith.constant 1 : i32
    %eq3A_356 = vector.broadcast %eq3A_355 : i32 to vector<1024x1xi32>
    %eq3A_357 = arith.cmpi eq, %and3A_15, %eq3A_356 : vector<1024x1xi32>
    %and3A_358 = vector.broadcast %eq3A_357 : vector<1024x1xi1> to vector<1024x260xi1>
    %and3A_359 = arith.andi %eq3A_354, %and3A_358 : vector<1024x260xi1>
    %convert_element_type3A_360 = arith.extui %and3A_359 : vector<1024x260xi1> to vector<1024x260xi32>
    %convert_element_type3A_361 = arith.sitofp %convert_element_type3A_360 : vector<1024x260xi32> to vector<1024x260xf32>
    %dot_general3A_362 = arith.constant dense<0.000000e+00> : vector<1024x128xf32>
    %dot_general3A_363 = tpu.matmul %convert_element_type3A_361, %add3A_352, %dot_general3A_362 {dimension_numbers = #tpu.dot_dimension_numbers<[1], [0], [0], [1], [0, 0, 1, 1], [], []>, transpose_lhs_hint = false} : vector<1024x260xf32>, vector<260x128xf32>, vector<1024x128xf32> -> vector<1024x128xf32>
    %add3A_364 = arith.addf %add3A_188, %dot_general3A_363 : vector<1024x128xf32>
    %broadcast_in_dim3A_365 = arith.constant 0.000000e+00 : f32
    %broadcast_in_dim3A_366 = vector.broadcast %broadcast_in_dim3A_365 : f32 to vector<260x128xf32>
    %slice3A_367 = vector.extract_strided_slice %add3A {offsets = [0, 64], sizes = [260, 32], strides = [1, 1]} : vector<4680x128xf32> to vector<260x32xf32>
    %get3A_368 = arith.constant 0 : index
    %get3A_369 = arith.constant 0 : index
    %get3A_370 = arith.constant 0 : index
    %get3A_371 = vector.load %arg1[%get3A_368, %get3A_369, %get3A_370] : memref<18x32x128xf32, #tpu.memory_space<vmem>>, vector<1x32x128xf32>
    %get3A_372 = vector.shape_cast %get3A_371 : vector<1x32x128xf32> to vector<32x128xf32>
    %dot_general3A_373 = arith.constant dense<0.000000e+00> : vector<260x128xf32>
    %dot_general3A_374 = tpu.matmul %slice3A_367, %get3A_372, %dot_general3A_373 {dimension_numbers = #tpu.dot_dimension_numbers<[1], [0], [0], [1], [0, 0, 1, 1], [], []>, transpose_lhs_hint = false} : vector<260x32xf32>, vector<32x128xf32>, vector<260x128xf32> -> vector<260x128xf32>
    %add3A_375 = arith.addf %broadcast_in_dim3A_366, %dot_general3A_374 : vector<260x128xf32>
    %slice3A_376 = vector.extract_strided_slice %add3A {offsets = [260, 64], sizes = [260, 32], strides = [1, 1]} : vector<4680x128xf32> to vector<260x32xf32>
    %get3A_377 = arith.constant 1 : index
    %get3A_378 = arith.constant 0 : index
    %get3A_379 = arith.constant 0 : index
    %get3A_380 = vector.load %arg1[%get3A_377, %get3A_378, %get3A_379] : memref<18x32x128xf32, #tpu.memory_space<vmem>>, vector<1x32x128xf32>
    %get3A_381 = vector.shape_cast %get3A_380 : vector<1x32x128xf32> to vector<32x128xf32>
    %dot_general3A_382 = arith.constant dense<0.000000e+00> : vector<260x128xf32>
    %dot_general3A_383 = tpu.matmul %slice3A_376, %get3A_381, %dot_general3A_382 {dimension_numbers = #tpu.dot_dimension_numbers<[1], [0], [0], [1], [0, 0, 1, 1], [], []>, transpose_lhs_hint = false} : vector<260x32xf32>, vector<32x128xf32>, vector<260x128xf32> -> vector<260x128xf32>
    %add3A_384 = arith.addf %add3A_375, %dot_general3A_383 : vector<260x128xf32>
    %slice3A_385 = vector.extract_strided_slice %add3A {offsets = [520, 64], sizes = [260, 32], strides = [1, 1]} : vector<4680x128xf32> to vector<260x32xf32>
    %get3A_386 = arith.constant 2 : index
    %get3A_387 = arith.constant 0 : index
    %get3A_388 = arith.constant 0 : index
    %get3A_389 = vector.load %arg1[%get3A_386, %get3A_387, %get3A_388] : memref<18x32x128xf32, #tpu.memory_space<vmem>>, vector<1x32x128xf32>
    %get3A_390 = vector.shape_cast %get3A_389 : vector<1x32x128xf32> to vector<32x128xf32>
    %dot_general3A_391 = arith.constant dense<0.000000e+00> : vector<260x128xf32>
    %dot_general3A_392 = tpu.matmul %slice3A_385, %get3A_390, %dot_general3A_391 {dimension_numbers = #tpu.dot_dimension_numbers<[1], [0], [0], [1], [0, 0, 1, 1], [], []>, transpose_lhs_hint = false} : vector<260x32xf32>, vector<32x128xf32>, vector<260x128xf32> -> vector<260x128xf32>
    %add3A_393 = arith.addf %add3A_384, %dot_general3A_392 : vector<260x128xf32>
    %slice3A_394 = vector.extract_strided_slice %add3A {offsets = [780, 64], sizes = [260, 32], strides = [1, 1]} : vector<4680x128xf32> to vector<260x32xf32>
    %get3A_395 = arith.constant 3 : index
    %get3A_396 = arith.constant 0 : index
    %get3A_397 = arith.constant 0 : index
    %get3A_398 = vector.load %arg1[%get3A_395, %get3A_396, %get3A_397] : memref<18x32x128xf32, #tpu.memory_space<vmem>>, vector<1x32x128xf32>
    %get3A_399 = vector.shape_cast %get3A_398 : vector<1x32x128xf32> to vector<32x128xf32>
    %dot_general3A_400 = arith.constant dense<0.000000e+00> : vector<260x128xf32>
    %dot_general3A_401 = tpu.matmul %slice3A_394, %get3A_399, %dot_general3A_400 {dimension_numbers = #tpu.dot_dimension_numbers<[1], [0], [0], [1], [0, 0, 1, 1], [], []>, transpose_lhs_hint = false} : vector<260x32xf32>, vector<32x128xf32>, vector<260x128xf32> -> vector<260x128xf32>
    %add3A_402 = arith.addf %add3A_393, %dot_general3A_401 : vector<260x128xf32>
    %slice3A_403 = vector.extract_strided_slice %add3A {offsets = [1040, 64], sizes = [260, 32], strides = [1, 1]} : vector<4680x128xf32> to vector<260x32xf32>
    %get3A_404 = arith.constant 4 : index
    %get3A_405 = arith.constant 0 : index
    %get3A_406 = arith.constant 0 : index
    %get3A_407 = vector.load %arg1[%get3A_404, %get3A_405, %get3A_406] : memref<18x32x128xf32, #tpu.memory_space<vmem>>, vector<1x32x128xf32>
    %get3A_408 = vector.shape_cast %get3A_407 : vector<1x32x128xf32> to vector<32x128xf32>
    %dot_general3A_409 = arith.constant dense<0.000000e+00> : vector<260x128xf32>
    %dot_general3A_410 = tpu.matmul %slice3A_403, %get3A_408, %dot_general3A_409 {dimension_numbers = #tpu.dot_dimension_numbers<[1], [0], [0], [1], [0, 0, 1, 1], [], []>, transpose_lhs_hint = false} : vector<260x32xf32>, vector<32x128xf32>, vector<260x128xf32> -> vector<260x128xf32>
    %add3A_411 = arith.addf %add3A_402, %dot_general3A_410 : vector<260x128xf32>
    %slice3A_412 = vector.extract_strided_slice %add3A {offsets = [1300, 64], sizes = [260, 32], strides = [1, 1]} : vector<4680x128xf32> to vector<260x32xf32>
    %get3A_413 = arith.constant 5 : index
    %get3A_414 = arith.constant 0 : index
    %get3A_415 = arith.constant 0 : index
    %get3A_416 = vector.load %arg1[%get3A_413, %get3A_414, %get3A_415] : memref<18x32x128xf32, #tpu.memory_space<vmem>>, vector<1x32x128xf32>
    %get3A_417 = vector.shape_cast %get3A_416 : vector<1x32x128xf32> to vector<32x128xf32>
    %dot_general3A_418 = arith.constant dense<0.000000e+00> : vector<260x128xf32>
    %dot_general3A_419 = tpu.matmul %slice3A_412, %get3A_417, %dot_general3A_418 {dimension_numbers = #tpu.dot_dimension_numbers<[1], [0], [0], [1], [0, 0, 1, 1], [], []>, transpose_lhs_hint = false} : vector<260x32xf32>, vector<32x128xf32>, vector<260x128xf32> -> vector<260x128xf32>
    %add3A_420 = arith.addf %add3A_411, %dot_general3A_419 : vector<260x128xf32>
    %slice3A_421 = vector.extract_strided_slice %add3A {offsets = [1560, 64], sizes = [260, 32], strides = [1, 1]} : vector<4680x128xf32> to vector<260x32xf32>
    %get3A_422 = arith.constant 6 : index
    %get3A_423 = arith.constant 0 : index
    %get3A_424 = arith.constant 0 : index
    %get3A_425 = vector.load %arg1[%get3A_422, %get3A_423, %get3A_424] : memref<18x32x128xf32, #tpu.memory_space<vmem>>, vector<1x32x128xf32>
    %get3A_426 = vector.shape_cast %get3A_425 : vector<1x32x128xf32> to vector<32x128xf32>
    %dot_general3A_427 = arith.constant dense<0.000000e+00> : vector<260x128xf32>
    %dot_general3A_428 = tpu.matmul %slice3A_421, %get3A_426, %dot_general3A_427 {dimension_numbers = #tpu.dot_dimension_numbers<[1], [0], [0], [1], [0, 0, 1, 1], [], []>, transpose_lhs_hint = false} : vector<260x32xf32>, vector<32x128xf32>, vector<260x128xf32> -> vector<260x128xf32>
    %add3A_429 = arith.addf %add3A_420, %dot_general3A_428 : vector<260x128xf32>
    %slice3A_430 = vector.extract_strided_slice %add3A {offsets = [1820, 64], sizes = [260, 32], strides = [1, 1]} : vector<4680x128xf32> to vector<260x32xf32>
    %get3A_431 = arith.constant 7 : index
    %get3A_432 = arith.constant 0 : index
    %get3A_433 = arith.constant 0 : index
    %get3A_434 = vector.load %arg1[%get3A_431, %get3A_432, %get3A_433] : memref<18x32x128xf32, #tpu.memory_space<vmem>>, vector<1x32x128xf32>
    %get3A_435 = vector.shape_cast %get3A_434 : vector<1x32x128xf32> to vector<32x128xf32>
    %dot_general3A_436 = arith.constant dense<0.000000e+00> : vector<260x128xf32>
    %dot_general3A_437 = tpu.matmul %slice3A_430, %get3A_435, %dot_general3A_436 {dimension_numbers = #tpu.dot_dimension_numbers<[1], [0], [0], [1], [0, 0, 1, 1], [], []>, transpose_lhs_hint = false} : vector<260x32xf32>, vector<32x128xf32>, vector<260x128xf32> -> vector<260x128xf32>
    %add3A_438 = arith.addf %add3A_429, %dot_general3A_437 : vector<260x128xf32>
    %slice3A_439 = vector.extract_strided_slice %add3A {offsets = [2080, 64], sizes = [260, 32], strides = [1, 1]} : vector<4680x128xf32> to vector<260x32xf32>
    %get3A_440 = arith.constant 8 : index
    %get3A_441 = arith.constant 0 : index
    %get3A_442 = arith.constant 0 : index
    %get3A_443 = vector.load %arg1[%get3A_440, %get3A_441, %get3A_442] : memref<18x32x128xf32, #tpu.memory_space<vmem>>, vector<1x32x128xf32>
    %get3A_444 = vector.shape_cast %get3A_443 : vector<1x32x128xf32> to vector<32x128xf32>
    %dot_general3A_445 = arith.constant dense<0.000000e+00> : vector<260x128xf32>
    %dot_general3A_446 = tpu.matmul %slice3A_439, %get3A_444, %dot_general3A_445 {dimension_numbers = #tpu.dot_dimension_numbers<[1], [0], [0], [1], [0, 0, 1, 1], [], []>, transpose_lhs_hint = false} : vector<260x32xf32>, vector<32x128xf32>, vector<260x128xf32> -> vector<260x128xf32>
    %add3A_447 = arith.addf %add3A_438, %dot_general3A_446 : vector<260x128xf32>
    %slice3A_448 = vector.extract_strided_slice %add3A {offsets = [2340, 64], sizes = [260, 32], strides = [1, 1]} : vector<4680x128xf32> to vector<260x32xf32>
    %get3A_449 = arith.constant 9 : index
    %get3A_450 = arith.constant 0 : index
    %get3A_451 = arith.constant 0 : index
    %get3A_452 = vector.load %arg1[%get3A_449, %get3A_450, %get3A_451] : memref<18x32x128xf32, #tpu.memory_space<vmem>>, vector<1x32x128xf32>
    %get3A_453 = vector.shape_cast %get3A_452 : vector<1x32x128xf32> to vector<32x128xf32>
    %dot_general3A_454 = arith.constant dense<0.000000e+00> : vector<260x128xf32>
    %dot_general3A_455 = tpu.matmul %slice3A_448, %get3A_453, %dot_general3A_454 {dimension_numbers = #tpu.dot_dimension_numbers<[1], [0], [0], [1], [0, 0, 1, 1], [], []>, transpose_lhs_hint = false} : vector<260x32xf32>, vector<32x128xf32>, vector<260x128xf32> -> vector<260x128xf32>
    %add3A_456 = arith.addf %add3A_447, %dot_general3A_455 : vector<260x128xf32>
    %slice3A_457 = vector.extract_strided_slice %add3A {offsets = [2600, 64], sizes = [260, 32], strides = [1, 1]} : vector<4680x128xf32> to vector<260x32xf32>
    %get3A_458 = arith.constant 10 : index
    %get3A_459 = arith.constant 0 : index
    %get3A_460 = arith.constant 0 : index
    %get3A_461 = vector.load %arg1[%get3A_458, %get3A_459, %get3A_460] : memref<18x32x128xf32, #tpu.memory_space<vmem>>, vector<1x32x128xf32>
    %get3A_462 = vector.shape_cast %get3A_461 : vector<1x32x128xf32> to vector<32x128xf32>
    %dot_general3A_463 = arith.constant dense<0.000000e+00> : vector<260x128xf32>
    %dot_general3A_464 = tpu.matmul %slice3A_457, %get3A_462, %dot_general3A_463 {dimension_numbers = #tpu.dot_dimension_numbers<[1], [0], [0], [1], [0, 0, 1, 1], [], []>, transpose_lhs_hint = false} : vector<260x32xf32>, vector<32x128xf32>, vector<260x128xf32> -> vector<260x128xf32>
    %add3A_465 = arith.addf %add3A_456, %dot_general3A_464 : vector<260x128xf32>
    %slice3A_466 = vector.extract_strided_slice %add3A {offsets = [2860, 64], sizes = [260, 32], strides = [1, 1]} : vector<4680x128xf32> to vector<260x32xf32>
    %get3A_467 = arith.constant 11 : index
    %get3A_468 = arith.constant 0 : index
    %get3A_469 = arith.constant 0 : index
    %get3A_470 = vector.load %arg1[%get3A_467, %get3A_468, %get3A_469] : memref<18x32x128xf32, #tpu.memory_space<vmem>>, vector<1x32x128xf32>
    %get3A_471 = vector.shape_cast %get3A_470 : vector<1x32x128xf32> to vector<32x128xf32>
    %dot_general3A_472 = arith.constant dense<0.000000e+00> : vector<260x128xf32>
    %dot_general3A_473 = tpu.matmul %slice3A_466, %get3A_471, %dot_general3A_472 {dimension_numbers = #tpu.dot_dimension_numbers<[1], [0], [0], [1], [0, 0, 1, 1], [], []>, transpose_lhs_hint = false} : vector<260x32xf32>, vector<32x128xf32>, vector<260x128xf32> -> vector<260x128xf32>
    %add3A_474 = arith.addf %add3A_465, %dot_general3A_473 : vector<260x128xf32>
    %slice3A_475 = vector.extract_strided_slice %add3A {offsets = [3120, 64], sizes = [260, 32], strides = [1, 1]} : vector<4680x128xf32> to vector<260x32xf32>
    %get3A_476 = arith.constant 12 : index
    %get3A_477 = arith.constant 0 : index
    %get3A_478 = arith.constant 0 : index
    %get3A_479 = vector.load %arg1[%get3A_476, %get3A_477, %get3A_478] : memref<18x32x128xf32, #tpu.memory_space<vmem>>, vector<1x32x128xf32>
    %get3A_480 = vector.shape_cast %get3A_479 : vector<1x32x128xf32> to vector<32x128xf32>
    %dot_general3A_481 = arith.constant dense<0.000000e+00> : vector<260x128xf32>
    %dot_general3A_482 = tpu.matmul %slice3A_475, %get3A_480, %dot_general3A_481 {dimension_numbers = #tpu.dot_dimension_numbers<[1], [0], [0], [1], [0, 0, 1, 1], [], []>, transpose_lhs_hint = false} : vector<260x32xf32>, vector<32x128xf32>, vector<260x128xf32> -> vector<260x128xf32>
    %add3A_483 = arith.addf %add3A_474, %dot_general3A_482 : vector<260x128xf32>
    %slice3A_484 = vector.extract_strided_slice %add3A {offsets = [3380, 64], sizes = [260, 32], strides = [1, 1]} : vector<4680x128xf32> to vector<260x32xf32>
    %get3A_485 = arith.constant 13 : index
    %get3A_486 = arith.constant 0 : index
    %get3A_487 = arith.constant 0 : index
    %get3A_488 = vector.load %arg1[%get3A_485, %get3A_486, %get3A_487] : memref<18x32x128xf32, #tpu.memory_space<vmem>>, vector<1x32x128xf32>
    %get3A_489 = vector.shape_cast %get3A_488 : vector<1x32x128xf32> to vector<32x128xf32>
    %dot_general3A_490 = arith.constant dense<0.000000e+00> : vector<260x128xf32>
    %dot_general3A_491 = tpu.matmul %slice3A_484, %get3A_489, %dot_general3A_490 {dimension_numbers = #tpu.dot_dimension_numbers<[1], [0], [0], [1], [0, 0, 1, 1], [], []>, transpose_lhs_hint = false} : vector<260x32xf32>, vector<32x128xf32>, vector<260x128xf32> -> vector<260x128xf32>
    %add3A_492 = arith.addf %add3A_483, %dot_general3A_491 : vector<260x128xf32>
    %slice3A_493 = vector.extract_strided_slice %add3A {offsets = [3640, 64], sizes = [260, 32], strides = [1, 1]} : vector<4680x128xf32> to vector<260x32xf32>
    %get3A_494 = arith.constant 14 : index
    %get3A_495 = arith.constant 0 : index
    %get3A_496 = arith.constant 0 : index
    %get3A_497 = vector.load %arg1[%get3A_494, %get3A_495, %get3A_496] : memref<18x32x128xf32, #tpu.memory_space<vmem>>, vector<1x32x128xf32>
    %get3A_498 = vector.shape_cast %get3A_497 : vector<1x32x128xf32> to vector<32x128xf32>
    %dot_general3A_499 = arith.constant dense<0.000000e+00> : vector<260x128xf32>
    %dot_general3A_500 = tpu.matmul %slice3A_493, %get3A_498, %dot_general3A_499 {dimension_numbers = #tpu.dot_dimension_numbers<[1], [0], [0], [1], [0, 0, 1, 1], [], []>, transpose_lhs_hint = false} : vector<260x32xf32>, vector<32x128xf32>, vector<260x128xf32> -> vector<260x128xf32>
    %add3A_501 = arith.addf %add3A_492, %dot_general3A_500 : vector<260x128xf32>
    %slice3A_502 = vector.extract_strided_slice %add3A {offsets = [3900, 64], sizes = [260, 32], strides = [1, 1]} : vector<4680x128xf32> to vector<260x32xf32>
    %get3A_503 = arith.constant 15 : index
    %get3A_504 = arith.constant 0 : index
    %get3A_505 = arith.constant 0 : index
    %get3A_506 = vector.load %arg1[%get3A_503, %get3A_504, %get3A_505] : memref<18x32x128xf32, #tpu.memory_space<vmem>>, vector<1x32x128xf32>
    %get3A_507 = vector.shape_cast %get3A_506 : vector<1x32x128xf32> to vector<32x128xf32>
    %dot_general3A_508 = arith.constant dense<0.000000e+00> : vector<260x128xf32>
    %dot_general3A_509 = tpu.matmul %slice3A_502, %get3A_507, %dot_general3A_508 {dimension_numbers = #tpu.dot_dimension_numbers<[1], [0], [0], [1], [0, 0, 1, 1], [], []>, transpose_lhs_hint = false} : vector<260x32xf32>, vector<32x128xf32>, vector<260x128xf32> -> vector<260x128xf32>
    %add3A_510 = arith.addf %add3A_501, %dot_general3A_509 : vector<260x128xf32>
    %slice3A_511 = vector.extract_strided_slice %add3A {offsets = [4160, 64], sizes = [260, 32], strides = [1, 1]} : vector<4680x128xf32> to vector<260x32xf32>
    %get3A_512 = arith.constant 16 : index
    %get3A_513 = arith.constant 0 : index
    %get3A_514 = arith.constant 0 : index
    %get3A_515 = vector.load %arg1[%get3A_512, %get3A_513, %get3A_514] : memref<18x32x128xf32, #tpu.memory_space<vmem>>, vector<1x32x128xf32>
    %get3A_516 = vector.shape_cast %get3A_515 : vector<1x32x128xf32> to vector<32x128xf32>
    %dot_general3A_517 = arith.constant dense<0.000000e+00> : vector<260x128xf32>
    %dot_general3A_518 = tpu.matmul %slice3A_511, %get3A_516, %dot_general3A_517 {dimension_numbers = #tpu.dot_dimension_numbers<[1], [0], [0], [1], [0, 0, 1, 1], [], []>, transpose_lhs_hint = false} : vector<260x32xf32>, vector<32x128xf32>, vector<260x128xf32> -> vector<260x128xf32>
    %add3A_519 = arith.addf %add3A_510, %dot_general3A_518 : vector<260x128xf32>
    %slice3A_520 = vector.extract_strided_slice %add3A {offsets = [4420, 64], sizes = [260, 32], strides = [1, 1]} : vector<4680x128xf32> to vector<260x32xf32>
    %get3A_521 = arith.constant 17 : index
    %get3A_522 = arith.constant 0 : index
    %get3A_523 = arith.constant 0 : index
    %get3A_524 = vector.load %arg1[%get3A_521, %get3A_522, %get3A_523] : memref<18x32x128xf32, #tpu.memory_space<vmem>>, vector<1x32x128xf32>
    %get3A_525 = vector.shape_cast %get3A_524 : vector<1x32x128xf32> to vector<32x128xf32>
    %dot_general3A_526 = arith.constant dense<0.000000e+00> : vector<260x128xf32>
    %dot_general3A_527 = tpu.matmul %slice3A_520, %get3A_525, %dot_general3A_526 {dimension_numbers = #tpu.dot_dimension_numbers<[1], [0], [0], [1], [0, 0, 1, 1], [], []>, transpose_lhs_hint = false} : vector<260x32xf32>, vector<32x128xf32>, vector<260x128xf32> -> vector<260x128xf32>
    %add3A_528 = arith.addf %add3A_519, %dot_general3A_527 : vector<260x128xf32>
    %eq3A_529 = vector.broadcast %shift_right_logical3A_13 : vector<1024x1xi32> to vector<1024x260xi32>
    %eq3A_530 = arith.cmpi eq, %iota3A, %eq3A_529 : vector<1024x260xi32>
    %eq3A_531 = arith.constant 2 : i32
    %eq3A_532 = vector.broadcast %eq3A_531 : i32 to vector<1024x1xi32>
    %eq3A_533 = arith.cmpi eq, %and3A_15, %eq3A_532 : vector<1024x1xi32>
    %and3A_534 = vector.broadcast %eq3A_533 : vector<1024x1xi1> to vector<1024x260xi1>
    %and3A_535 = arith.andi %eq3A_530, %and3A_534 : vector<1024x260xi1>
    %convert_element_type3A_536 = arith.extui %and3A_535 : vector<1024x260xi1> to vector<1024x260xi32>
    %convert_element_type3A_537 = arith.sitofp %convert_element_type3A_536 : vector<1024x260xi32> to vector<1024x260xf32>
    %dot_general3A_538 = arith.constant dense<0.000000e+00> : vector<1024x128xf32>
    %dot_general3A_539 = tpu.matmul %convert_element_type3A_537, %add3A_528, %dot_general3A_538 {dimension_numbers = #tpu.dot_dimension_numbers<[1], [0], [0], [1], [0, 0, 1, 1], [], []>, transpose_lhs_hint = false} : vector<1024x260xf32>, vector<260x128xf32>, vector<1024x128xf32> -> vector<1024x128xf32>
    %add3A_540 = arith.addf %add3A_364, %dot_general3A_539 : vector<1024x128xf32>
    %broadcast_in_dim3A_541 = arith.constant 0.000000e+00 : f32
    %broadcast_in_dim3A_542 = vector.broadcast %broadcast_in_dim3A_541 : f32 to vector<260x128xf32>
    %slice3A_543 = vector.extract_strided_slice %add3A {offsets = [0, 96], sizes = [260, 32], strides = [1, 1]} : vector<4680x128xf32> to vector<260x32xf32>
    %get3A_544 = arith.constant 0 : index
    %get3A_545 = arith.constant 0 : index
    %get3A_546 = arith.constant 0 : index
    %get3A_547 = vector.load %arg1[%get3A_544, %get3A_545, %get3A_546] : memref<18x32x128xf32, #tpu.memory_space<vmem>>, vector<1x32x128xf32>
    %get3A_548 = vector.shape_cast %get3A_547 : vector<1x32x128xf32> to vector<32x128xf32>
    %dot_general3A_549 = arith.constant dense<0.000000e+00> : vector<260x128xf32>
    %dot_general3A_550 = tpu.matmul %slice3A_543, %get3A_548, %dot_general3A_549 {dimension_numbers = #tpu.dot_dimension_numbers<[1], [0], [0], [1], [0, 0, 1, 1], [], []>, transpose_lhs_hint = false} : vector<260x32xf32>, vector<32x128xf32>, vector<260x128xf32> -> vector<260x128xf32>
    %add3A_551 = arith.addf %broadcast_in_dim3A_542, %dot_general3A_550 : vector<260x128xf32>
    %slice3A_552 = vector.extract_strided_slice %add3A {offsets = [260, 96], sizes = [260, 32], strides = [1, 1]} : vector<4680x128xf32> to vector<260x32xf32>
    %get3A_553 = arith.constant 1 : index
    %get3A_554 = arith.constant 0 : index
    %get3A_555 = arith.constant 0 : index
    %get3A_556 = vector.load %arg1[%get3A_553, %get3A_554, %get3A_555] : memref<18x32x128xf32, #tpu.memory_space<vmem>>, vector<1x32x128xf32>
    %get3A_557 = vector.shape_cast %get3A_556 : vector<1x32x128xf32> to vector<32x128xf32>
    %dot_general3A_558 = arith.constant dense<0.000000e+00> : vector<260x128xf32>
    %dot_general3A_559 = tpu.matmul %slice3A_552, %get3A_557, %dot_general3A_558 {dimension_numbers = #tpu.dot_dimension_numbers<[1], [0], [0], [1], [0, 0, 1, 1], [], []>, transpose_lhs_hint = false} : vector<260x32xf32>, vector<32x128xf32>, vector<260x128xf32> -> vector<260x128xf32>
    %add3A_560 = arith.addf %add3A_551, %dot_general3A_559 : vector<260x128xf32>
    %slice3A_561 = vector.extract_strided_slice %add3A {offsets = [520, 96], sizes = [260, 32], strides = [1, 1]} : vector<4680x128xf32> to vector<260x32xf32>
    %get3A_562 = arith.constant 2 : index
    %get3A_563 = arith.constant 0 : index
    %get3A_564 = arith.constant 0 : index
    %get3A_565 = vector.load %arg1[%get3A_562, %get3A_563, %get3A_564] : memref<18x32x128xf32, #tpu.memory_space<vmem>>, vector<1x32x128xf32>
    %get3A_566 = vector.shape_cast %get3A_565 : vector<1x32x128xf32> to vector<32x128xf32>
    %dot_general3A_567 = arith.constant dense<0.000000e+00> : vector<260x128xf32>
    %dot_general3A_568 = tpu.matmul %slice3A_561, %get3A_566, %dot_general3A_567 {dimension_numbers = #tpu.dot_dimension_numbers<[1], [0], [0], [1], [0, 0, 1, 1], [], []>, transpose_lhs_hint = false} : vector<260x32xf32>, vector<32x128xf32>, vector<260x128xf32> -> vector<260x128xf32>
    %add3A_569 = arith.addf %add3A_560, %dot_general3A_568 : vector<260x128xf32>
    %slice3A_570 = vector.extract_strided_slice %add3A {offsets = [780, 96], sizes = [260, 32], strides = [1, 1]} : vector<4680x128xf32> to vector<260x32xf32>
    %get3A_571 = arith.constant 3 : index
    %get3A_572 = arith.constant 0 : index
    %get3A_573 = arith.constant 0 : index
    %get3A_574 = vector.load %arg1[%get3A_571, %get3A_572, %get3A_573] : memref<18x32x128xf32, #tpu.memory_space<vmem>>, vector<1x32x128xf32>
    %get3A_575 = vector.shape_cast %get3A_574 : vector<1x32x128xf32> to vector<32x128xf32>
    %dot_general3A_576 = arith.constant dense<0.000000e+00> : vector<260x128xf32>
    %dot_general3A_577 = tpu.matmul %slice3A_570, %get3A_575, %dot_general3A_576 {dimension_numbers = #tpu.dot_dimension_numbers<[1], [0], [0], [1], [0, 0, 1, 1], [], []>, transpose_lhs_hint = false} : vector<260x32xf32>, vector<32x128xf32>, vector<260x128xf32> -> vector<260x128xf32>
    %add3A_578 = arith.addf %add3A_569, %dot_general3A_577 : vector<260x128xf32>
    %slice3A_579 = vector.extract_strided_slice %add3A {offsets = [1040, 96], sizes = [260, 32], strides = [1, 1]} : vector<4680x128xf32> to vector<260x32xf32>
    %get3A_580 = arith.constant 4 : index
    %get3A_581 = arith.constant 0 : index
    %get3A_582 = arith.constant 0 : index
    %get3A_583 = vector.load %arg1[%get3A_580, %get3A_581, %get3A_582] : memref<18x32x128xf32, #tpu.memory_space<vmem>>, vector<1x32x128xf32>
    %get3A_584 = vector.shape_cast %get3A_583 : vector<1x32x128xf32> to vector<32x128xf32>
    %dot_general3A_585 = arith.constant dense<0.000000e+00> : vector<260x128xf32>
    %dot_general3A_586 = tpu.matmul %slice3A_579, %get3A_584, %dot_general3A_585 {dimension_numbers = #tpu.dot_dimension_numbers<[1], [0], [0], [1], [0, 0, 1, 1], [], []>, transpose_lhs_hint = false} : vector<260x32xf32>, vector<32x128xf32>, vector<260x128xf32> -> vector<260x128xf32>
    %add3A_587 = arith.addf %add3A_578, %dot_general3A_586 : vector<260x128xf32>
    %slice3A_588 = vector.extract_strided_slice %add3A {offsets = [1300, 96], sizes = [260, 32], strides = [1, 1]} : vector<4680x128xf32> to vector<260x32xf32>
    %get3A_589 = arith.constant 5 : index
    %get3A_590 = arith.constant 0 : index
    %get3A_591 = arith.constant 0 : index
    %get3A_592 = vector.load %arg1[%get3A_589, %get3A_590, %get3A_591] : memref<18x32x128xf32, #tpu.memory_space<vmem>>, vector<1x32x128xf32>
    %get3A_593 = vector.shape_cast %get3A_592 : vector<1x32x128xf32> to vector<32x128xf32>
    %dot_general3A_594 = arith.constant dense<0.000000e+00> : vector<260x128xf32>
    %dot_general3A_595 = tpu.matmul %slice3A_588, %get3A_593, %dot_general3A_594 {dimension_numbers = #tpu.dot_dimension_numbers<[1], [0], [0], [1], [0, 0, 1, 1], [], []>, transpose_lhs_hint = false} : vector<260x32xf32>, vector<32x128xf32>, vector<260x128xf32> -> vector<260x128xf32>
    %add3A_596 = arith.addf %add3A_587, %dot_general3A_595 : vector<260x128xf32>
    %slice3A_597 = vector.extract_strided_slice %add3A {offsets = [1560, 96], sizes = [260, 32], strides = [1, 1]} : vector<4680x128xf32> to vector<260x32xf32>
    %get3A_598 = arith.constant 6 : index
    %get3A_599 = arith.constant 0 : index
    %get3A_600 = arith.constant 0 : index
    %get3A_601 = vector.load %arg1[%get3A_598, %get3A_599, %get3A_600] : memref<18x32x128xf32, #tpu.memory_space<vmem>>, vector<1x32x128xf32>
    %get3A_602 = vector.shape_cast %get3A_601 : vector<1x32x128xf32> to vector<32x128xf32>
    %dot_general3A_603 = arith.constant dense<0.000000e+00> : vector<260x128xf32>
    %dot_general3A_604 = tpu.matmul %slice3A_597, %get3A_602, %dot_general3A_603 {dimension_numbers = #tpu.dot_dimension_numbers<[1], [0], [0], [1], [0, 0, 1, 1], [], []>, transpose_lhs_hint = false} : vector<260x32xf32>, vector<32x128xf32>, vector<260x128xf32> -> vector<260x128xf32>
    %add3A_605 = arith.addf %add3A_596, %dot_general3A_604 : vector<260x128xf32>
    %slice3A_606 = vector.extract_strided_slice %add3A {offsets = [1820, 96], sizes = [260, 32], strides = [1, 1]} : vector<4680x128xf32> to vector<260x32xf32>
    %get3A_607 = arith.constant 7 : index
    %get3A_608 = arith.constant 0 : index
    %get3A_609 = arith.constant 0 : index
    %get3A_610 = vector.load %arg1[%get3A_607, %get3A_608, %get3A_609] : memref<18x32x128xf32, #tpu.memory_space<vmem>>, vector<1x32x128xf32>
    %get3A_611 = vector.shape_cast %get3A_610 : vector<1x32x128xf32> to vector<32x128xf32>
    %dot_general3A_612 = arith.constant dense<0.000000e+00> : vector<260x128xf32>
    %dot_general3A_613 = tpu.matmul %slice3A_606, %get3A_611, %dot_general3A_612 {dimension_numbers = #tpu.dot_dimension_numbers<[1], [0], [0], [1], [0, 0, 1, 1], [], []>, transpose_lhs_hint = false} : vector<260x32xf32>, vector<32x128xf32>, vector<260x128xf32> -> vector<260x128xf32>
    %add3A_614 = arith.addf %add3A_605, %dot_general3A_613 : vector<260x128xf32>
    %slice3A_615 = vector.extract_strided_slice %add3A {offsets = [2080, 96], sizes = [260, 32], strides = [1, 1]} : vector<4680x128xf32> to vector<260x32xf32>
    %get3A_616 = arith.constant 8 : index
    %get3A_617 = arith.constant 0 : index
    %get3A_618 = arith.constant 0 : index
    %get3A_619 = vector.load %arg1[%get3A_616, %get3A_617, %get3A_618] : memref<18x32x128xf32, #tpu.memory_space<vmem>>, vector<1x32x128xf32>
    %get3A_620 = vector.shape_cast %get3A_619 : vector<1x32x128xf32> to vector<32x128xf32>
    %dot_general3A_621 = arith.constant dense<0.000000e+00> : vector<260x128xf32>
    %dot_general3A_622 = tpu.matmul %slice3A_615, %get3A_620, %dot_general3A_621 {dimension_numbers = #tpu.dot_dimension_numbers<[1], [0], [0], [1], [0, 0, 1, 1], [], []>, transpose_lhs_hint = false} : vector<260x32xf32>, vector<32x128xf32>, vector<260x128xf32> -> vector<260x128xf32>
    %add3A_623 = arith.addf %add3A_614, %dot_general3A_622 : vector<260x128xf32>
    %slice3A_624 = vector.extract_strided_slice %add3A {offsets = [2340, 96], sizes = [260, 32], strides = [1, 1]} : vector<4680x128xf32> to vector<260x32xf32>
    %get3A_625 = arith.constant 9 : index
    %get3A_626 = arith.constant 0 : index
    %get3A_627 = arith.constant 0 : index
    %get3A_628 = vector.load %arg1[%get3A_625, %get3A_626, %get3A_627] : memref<18x32x128xf32, #tpu.memory_space<vmem>>, vector<1x32x128xf32>
    %get3A_629 = vector.shape_cast %get3A_628 : vector<1x32x128xf32> to vector<32x128xf32>
    %dot_general3A_630 = arith.constant dense<0.000000e+00> : vector<260x128xf32>
    %dot_general3A_631 = tpu.matmul %slice3A_624, %get3A_629, %dot_general3A_630 {dimension_numbers = #tpu.dot_dimension_numbers<[1], [0], [0], [1], [0, 0, 1, 1], [], []>, transpose_lhs_hint = false} : vector<260x32xf32>, vector<32x128xf32>, vector<260x128xf32> -> vector<260x128xf32>
    %add3A_632 = arith.addf %add3A_623, %dot_general3A_631 : vector<260x128xf32>
    %slice3A_633 = vector.extract_strided_slice %add3A {offsets = [2600, 96], sizes = [260, 32], strides = [1, 1]} : vector<4680x128xf32> to vector<260x32xf32>
    %get3A_634 = arith.constant 10 : index
    %get3A_635 = arith.constant 0 : index
    %get3A_636 = arith.constant 0 : index
    %get3A_637 = vector.load %arg1[%get3A_634, %get3A_635, %get3A_636] : memref<18x32x128xf32, #tpu.memory_space<vmem>>, vector<1x32x128xf32>
    %get3A_638 = vector.shape_cast %get3A_637 : vector<1x32x128xf32> to vector<32x128xf32>
    %dot_general3A_639 = arith.constant dense<0.000000e+00> : vector<260x128xf32>
    %dot_general3A_640 = tpu.matmul %slice3A_633, %get3A_638, %dot_general3A_639 {dimension_numbers = #tpu.dot_dimension_numbers<[1], [0], [0], [1], [0, 0, 1, 1], [], []>, transpose_lhs_hint = false} : vector<260x32xf32>, vector<32x128xf32>, vector<260x128xf32> -> vector<260x128xf32>
    %add3A_641 = arith.addf %add3A_632, %dot_general3A_640 : vector<260x128xf32>
    %slice3A_642 = vector.extract_strided_slice %add3A {offsets = [2860, 96], sizes = [260, 32], strides = [1, 1]} : vector<4680x128xf32> to vector<260x32xf32>
    %get3A_643 = arith.constant 11 : index
    %get3A_644 = arith.constant 0 : index
    %get3A_645 = arith.constant 0 : index
    %get3A_646 = vector.load %arg1[%get3A_643, %get3A_644, %get3A_645] : memref<18x32x128xf32, #tpu.memory_space<vmem>>, vector<1x32x128xf32>
    %get3A_647 = vector.shape_cast %get3A_646 : vector<1x32x128xf32> to vector<32x128xf32>
    %dot_general3A_648 = arith.constant dense<0.000000e+00> : vector<260x128xf32>
    %dot_general3A_649 = tpu.matmul %slice3A_642, %get3A_647, %dot_general3A_648 {dimension_numbers = #tpu.dot_dimension_numbers<[1], [0], [0], [1], [0, 0, 1, 1], [], []>, transpose_lhs_hint = false} : vector<260x32xf32>, vector<32x128xf32>, vector<260x128xf32> -> vector<260x128xf32>
    %add3A_650 = arith.addf %add3A_641, %dot_general3A_649 : vector<260x128xf32>
    %slice3A_651 = vector.extract_strided_slice %add3A {offsets = [3120, 96], sizes = [260, 32], strides = [1, 1]} : vector<4680x128xf32> to vector<260x32xf32>
    %get3A_652 = arith.constant 12 : index
    %get3A_653 = arith.constant 0 : index
    %get3A_654 = arith.constant 0 : index
    %get3A_655 = vector.load %arg1[%get3A_652, %get3A_653, %get3A_654] : memref<18x32x128xf32, #tpu.memory_space<vmem>>, vector<1x32x128xf32>
    %get3A_656 = vector.shape_cast %get3A_655 : vector<1x32x128xf32> to vector<32x128xf32>
    %dot_general3A_657 = arith.constant dense<0.000000e+00> : vector<260x128xf32>
    %dot_general3A_658 = tpu.matmul %slice3A_651, %get3A_656, %dot_general3A_657 {dimension_numbers = #tpu.dot_dimension_numbers<[1], [0], [0], [1], [0, 0, 1, 1], [], []>, transpose_lhs_hint = false} : vector<260x32xf32>, vector<32x128xf32>, vector<260x128xf32> -> vector<260x128xf32>
    %add3A_659 = arith.addf %add3A_650, %dot_general3A_658 : vector<260x128xf32>
    %slice3A_660 = vector.extract_strided_slice %add3A {offsets = [3380, 96], sizes = [260, 32], strides = [1, 1]} : vector<4680x128xf32> to vector<260x32xf32>
    %get3A_661 = arith.constant 13 : index
    %get3A_662 = arith.constant 0 : index
    %get3A_663 = arith.constant 0 : index
    %get3A_664 = vector.load %arg1[%get3A_661, %get3A_662, %get3A_663] : memref<18x32x128xf32, #tpu.memory_space<vmem>>, vector<1x32x128xf32>
    %get3A_665 = vector.shape_cast %get3A_664 : vector<1x32x128xf32> to vector<32x128xf32>
    %dot_general3A_666 = arith.constant dense<0.000000e+00> : vector<260x128xf32>
    %dot_general3A_667 = tpu.matmul %slice3A_660, %get3A_665, %dot_general3A_666 {dimension_numbers = #tpu.dot_dimension_numbers<[1], [0], [0], [1], [0, 0, 1, 1], [], []>, transpose_lhs_hint = false} : vector<260x32xf32>, vector<32x128xf32>, vector<260x128xf32> -> vector<260x128xf32>
    %add3A_668 = arith.addf %add3A_659, %dot_general3A_667 : vector<260x128xf32>
    %slice3A_669 = vector.extract_strided_slice %add3A {offsets = [3640, 96], sizes = [260, 32], strides = [1, 1]} : vector<4680x128xf32> to vector<260x32xf32>
    %get3A_670 = arith.constant 14 : index
    %get3A_671 = arith.constant 0 : index
    %get3A_672 = arith.constant 0 : index
    %get3A_673 = vector.load %arg1[%get3A_670, %get3A_671, %get3A_672] : memref<18x32x128xf32, #tpu.memory_space<vmem>>, vector<1x32x128xf32>
    %get3A_674 = vector.shape_cast %get3A_673 : vector<1x32x128xf32> to vector<32x128xf32>
    %dot_general3A_675 = arith.constant dense<0.000000e+00> : vector<260x128xf32>
    %dot_general3A_676 = tpu.matmul %slice3A_669, %get3A_674, %dot_general3A_675 {dimension_numbers = #tpu.dot_dimension_numbers<[1], [0], [0], [1], [0, 0, 1, 1], [], []>, transpose_lhs_hint = false} : vector<260x32xf32>, vector<32x128xf32>, vector<260x128xf32> -> vector<260x128xf32>
    %add3A_677 = arith.addf %add3A_668, %dot_general3A_676 : vector<260x128xf32>
    %slice3A_678 = vector.extract_strided_slice %add3A {offsets = [3900, 96], sizes = [260, 32], strides = [1, 1]} : vector<4680x128xf32> to vector<260x32xf32>
    %get3A_679 = arith.constant 15 : index
    %get3A_680 = arith.constant 0 : index
    %get3A_681 = arith.constant 0 : index
    %get3A_682 = vector.load %arg1[%get3A_679, %get3A_680, %get3A_681] : memref<18x32x128xf32, #tpu.memory_space<vmem>>, vector<1x32x128xf32>
    %get3A_683 = vector.shape_cast %get3A_682 : vector<1x32x128xf32> to vector<32x128xf32>
    %dot_general3A_684 = arith.constant dense<0.000000e+00> : vector<260x128xf32>
    %dot_general3A_685 = tpu.matmul %slice3A_678, %get3A_683, %dot_general3A_684 {dimension_numbers = #tpu.dot_dimension_numbers<[1], [0], [0], [1], [0, 0, 1, 1], [], []>, transpose_lhs_hint = false} : vector<260x32xf32>, vector<32x128xf32>, vector<260x128xf32> -> vector<260x128xf32>
    %add3A_686 = arith.addf %add3A_677, %dot_general3A_685 : vector<260x128xf32>
    %slice3A_687 = vector.extract_strided_slice %add3A {offsets = [4160, 96], sizes = [260, 32], strides = [1, 1]} : vector<4680x128xf32> to vector<260x32xf32>
    %get3A_688 = arith.constant 16 : index
    %get3A_689 = arith.constant 0 : index
    %get3A_690 = arith.constant 0 : index
    %get3A_691 = vector.load %arg1[%get3A_688, %get3A_689, %get3A_690] : memref<18x32x128xf32, #tpu.memory_space<vmem>>, vector<1x32x128xf32>
    %get3A_692 = vector.shape_cast %get3A_691 : vector<1x32x128xf32> to vector<32x128xf32>
    %dot_general3A_693 = arith.constant dense<0.000000e+00> : vector<260x128xf32>
    %dot_general3A_694 = tpu.matmul %slice3A_687, %get3A_692, %dot_general3A_693 {dimension_numbers = #tpu.dot_dimension_numbers<[1], [0], [0], [1], [0, 0, 1, 1], [], []>, transpose_lhs_hint = false} : vector<260x32xf32>, vector<32x128xf32>, vector<260x128xf32> -> vector<260x128xf32>
    %add3A_695 = arith.addf %add3A_686, %dot_general3A_694 : vector<260x128xf32>
    %slice3A_696 = vector.extract_strided_slice %add3A {offsets = [4420, 96], sizes = [260, 32], strides = [1, 1]} : vector<4680x128xf32> to vector<260x32xf32>
    %get3A_697 = arith.constant 17 : index
    %get3A_698 = arith.constant 0 : index
    %get3A_699 = arith.constant 0 : index
    %get3A_700 = vector.load %arg1[%get3A_697, %get3A_698, %get3A_699] : memref<18x32x128xf32, #tpu.memory_space<vmem>>, vector<1x32x128xf32>
    %get3A_701 = vector.shape_cast %get3A_700 : vector<1x32x128xf32> to vector<32x128xf32>
    %dot_general3A_702 = arith.constant dense<0.000000e+00> : vector<260x128xf32>
    %dot_general3A_703 = tpu.matmul %slice3A_696, %get3A_701, %dot_general3A_702 {dimension_numbers = #tpu.dot_dimension_numbers<[1], [0], [0], [1], [0, 0, 1, 1], [], []>, transpose_lhs_hint = false} : vector<260x32xf32>, vector<32x128xf32>, vector<260x128xf32> -> vector<260x128xf32>
    %add3A_704 = arith.addf %add3A_695, %dot_general3A_703 : vector<260x128xf32>
    %eq3A_705 = vector.broadcast %shift_right_logical3A_13 : vector<1024x1xi32> to vector<1024x260xi32>
    %eq3A_706 = arith.cmpi eq, %iota3A, %eq3A_705 : vector<1024x260xi32>
    %eq3A_707 = arith.constant 3 : i32
    %eq3A_708 = vector.broadcast %eq3A_707 : i32 to vector<1024x1xi32>
    %eq3A_709 = arith.cmpi eq, %and3A_15, %eq3A_708 : vector<1024x1xi32>
    %and3A_710 = vector.broadcast %eq3A_709 : vector<1024x1xi1> to vector<1024x260xi1>
    %and3A_711 = arith.andi %eq3A_706, %and3A_710 : vector<1024x260xi1>
    %convert_element_type3A_712 = arith.extui %and3A_711 : vector<1024x260xi1> to vector<1024x260xi32>
    %convert_element_type3A_713 = arith.sitofp %convert_element_type3A_712 : vector<1024x260xi32> to vector<1024x260xf32>
    %dot_general3A_714 = arith.constant dense<0.000000e+00> : vector<1024x128xf32>
    %dot_general3A_715 = tpu.matmul %convert_element_type3A_713, %add3A_704, %dot_general3A_714 {dimension_numbers = #tpu.dot_dimension_numbers<[1], [0], [0], [1], [0, 0, 1, 1], [], []>, transpose_lhs_hint = false} : vector<1024x260xf32>, vector<260x128xf32>, vector<1024x128xf32> -> vector<1024x128xf32>
    %add3A_716 = arith.addf %add3A_540, %dot_general3A_715 : vector<1024x128xf32>
    %mul3A = arith.mulf %add3A_716, %add3A_716 : vector<1024x128xf32>
    %reduce_sum3A = arith.constant dense<0.000000e+00> : vector<1024xf32>
    %reduce_sum3A_717 = vector.multi_reduction <add>, %mul3A, %reduce_sum3A [1] : vector<1024x128xf32> to vector<1024xf32>
    %broadcast_in_dim3A_718 = vector.shape_cast %reduce_sum3A_717 : vector<1024xf32> to vector<1024x1xf32>
    %sqrt3A = math.sqrt %broadcast_in_dim3A_718 : vector<1024x1xf32>
    %max3A = arith.constant 9.99999996E-13 : f32
    %max3A_719 = vector.broadcast %max3A : f32 to vector<1024x1xf32>
    %max3A_720 = arith.maximumf %sqrt3A, %max3A_719 : vector<1024x1xf32>
    %div3A = vector.broadcast %max3A_720 : vector<1024x1xf32> to vector<1024x128xf32>
    %div3A_721 = arith.divf %add3A_716, %div3A : vector<1024x128xf32>
    %get3A_722 = arith.constant 0 : index
    %get3A_723 = arith.constant 0 : index
    %get3A_724 = vector.load %arg2[%get3A_722, %get3A_723] : memref<32x128xf32, #tpu.memory_space<vmem>>, vector<32x128xf32>
    %mul3A_725 = arith.mulf %get3A_724, %get3A_724 : vector<32x128xf32>
    %reduce_sum3A_726 = arith.constant dense<0.000000e+00> : vector<32xf32>
    %reduce_sum3A_727 = vector.multi_reduction <add>, %mul3A_725, %reduce_sum3A_726 [1] : vector<32x128xf32> to vector<32xf32>
    %broadcast_in_dim3A_728 = vector.shape_cast %reduce_sum3A_727 : vector<32xf32> to vector<32x1xf32>
    %sqrt3A_729 = math.sqrt %broadcast_in_dim3A_728 : vector<32x1xf32>
    %max3A_730 = arith.constant 9.99999996E-13 : f32
    %max3A_731 = vector.broadcast %max3A_730 : f32 to vector<32x1xf32>
    %max3A_732 = arith.maximumf %sqrt3A_729, %max3A_731 : vector<32x1xf32>
    %div3A_733 = vector.broadcast %max3A_732 : vector<32x1xf32> to vector<32x128xf32>
    %div3A_734 = arith.divf %get3A_724, %div3A_733 : vector<32x128xf32>
    %dot_general3A_735 = arith.constant dense<0.000000e+00> : vector<1024x32xf32>
    %dot_general3A_736 = tpu.matmul %div3A_721, %div3A_734, %dot_general3A_735 {dimension_numbers = #tpu.dot_dimension_numbers<[1], [1], [0], [0], [0, 0, 1, 0], [], []>, precision = #tpu.contract_precision<fp32>, transpose_lhs_hint = false} : vector<1024x128xf32>, vector<32x128xf32>, vector<1024x32xf32> -> vector<1024x32xf32>
    %swap3A = arith.constant 0 : index
    %swap3A_737 = arith.constant 0 : index
    %swap3A_738 = vector.load %arg4[%swap3A, %swap3A_737] : memref<1024x32xf32, #tpu.memory_space<vmem>>, vector<1024x32xf32>
    tpu.vector_store %arg4[%swap3A, %swap3A_737], %dot_general3A_736 {strides = array<i32>} : memref<1024x32xf32, #tpu.memory_space<vmem>>, vector<1024x32xf32>,
    return
  }
}

</mosaic_0001>

<sc_bundles>
// kernel: kernel.5.cloned.1.call-start
scs
__scs_entry_jumppad:
0x0: {  	(pc) =	sbr.rel $0x88, $3  }
0x1: {  	(tag) =	ssettag $0x0;
	lr =	simm.s32 $0x1  }
0x2: {  	[smem:$0x3F9B] =	sst lr;
	_ =	strace $0xD0000000  }
0x3: {  	_ = 	snop  }
0x4: {  	_ = 	snop  }
0x5: {  	_ = 	snop  }
0x6: {  	_ = 	snop  }
0x7: {  	_ = 	snop  }
__scs_overlays_trampoline_lowered:
0x8: {  	[smem:$0x3FAA] =	sst s0  }
0x9: {  	[smem:$0x3FAB] =	sst s1  }
0xa: {  	[smem:$0x3FAC] =	sst s2  }
0xb: {  	[smem:$0x3FAD] =	sst s3  }
0xc: {  	[smem:$0x3FAE] =	sst s4  }
0xd: {  	[smem:$0x3FAF] =	sst s5  }
0xe: {  	[smem:$0x3FB0] =	sst s6  }
0xf: {  	[smem:$0x3FB1] =	sst s7  }
0x10: {  	[smem:$0x3FB2] =	sst s8  }
0x11: {  	[smem:$0x3FB3] =	sst s9;
	s0 =	simm.s32 @!p0 $0x0  }
0x12: {  	s1 =	sld [smem:$0x3F99];
	s0 =	simm.s32 @p0 $0x1  }
0x13: {  	[smem:$0x3FB4] =	sst s0;
	s0 =	simm.s32 @!p1 $0x0  }
0x14: {  	s2 =	sld [smem:$0x3F98];
	s0 =	simm.s32 @p1 $0x1  }
0x15: {  	[smem:$0x3FB5] =	sst s0;
	s0 =	simm.s32 @!p2 $0x0  }
0x16: {  	s3 =	sld [smem:$0x3FDB];
	s0 =	simm.s32 @p2 $0x1  }
0x17: {  	s4 =	simm.s32 $0x1BF5;
	[smem:$0x3FB7] =	sst s0  }
0x18: {  	s0 =	sld [smem:$0x3F9A];
	_ =	swait.ge [sflag:s4], $0x0  }
0x19: {  	s7 =	sld [smem:$0x3F9B]  }
0x1a: {  	s8 =	sadd.s32 $0xFFFFE003, lr  }
0x1b: {  	s9 =	sadd.s32 $0xFFFFFEF7, lr;
	s5 =	simm.s32 $0xFFFFFFFF;
	p2 =	slt.u32 s8, $0xFFFFF086  }
0x1c: {  	p1 =	slt.u32 s9, $0xF7A;
	s5 =	simm.s32 @!p2 $0x0  }
0x1d: {  	s5 =	simm.s32 @p1 $0x1;
	p0 =	seq.s32 s7, s2  }
0x1e: {  	s7 =	smul.u32 @!p0 $0xF7A, s2;
	p2 =	seq.s32 @!p0 s5, $0x0  }
0x1f: {  	s9 =	smul.u32 $0xF7A, s1;
	s8 =	simm.s32 @!p0 $0x1BF5;
	p2 =	por !p2, p0  }
0x20: {  	[sflag:s8] =	ssyncset.s32 @!p0 $0xFFFFF086;
	s6 =	sadd.s32 @!p0 s3, s7;
	s7 =	simm.s32 @!p0 $0x108  }
0x21: {  	s3 =	sadd.s32 s3, s9;
	s6 =	sadd.s32 @!p0 $0x88, s6;
	s7 =	simm.s32 @p2 $0x1082  }
0x22: {  	[simem:s7], [sflag:s8] =	dma.local @!p0 [hbm:s6], $0xF7A  }
0x23: {  	s9 =	sor.u32 $0xD0000000, s2;
	s6 =	simm.s32 $0x108;
	_ =	swait.ge @!p0 [sflag:s8], $0x0  }
0x24: {  	s3 =	sadd.s32 $0x88, s3;
	s6 =	simm.s32 @!p1 $0x1082;
	[sflag:s4] =	ssyncset.s32 $0xFFFFF086  }
0x25: {  	[simem:s6], [sflag:s4] =	dma.local [hbm:s3], $0xF7A  }
0x26: {  	[smem:$0x3F9B] =	sst s1;
	(tag) =	ssettag s2;
	_ =	strace s9  }
0x27: {  	s1 =	sld [smem:$0x3FAB]  }
0x28: {  	s2 =	sld [smem:$0x3FAC]  }
0x29: {  	s4 =	sld [smem:$0x3FAE]  }
0x2a: {  	p0 =	seq.s32 s5, $0x0;
	s5 =	sld [smem:$0x3FAF]  }
0x2b: {  	s6 =	sld [smem:$0x3FB0]  }
0x2c: {  	s7 =	sld [smem:$0x3FB1]  }
0x2d: {  	s3 =	simm.s32 $0x108;
	s8 =	sld [smem:$0x3FB2]  }
0x2e: {  	s3 =	simm.s32 @!p0 $0x1082;
	s9 =	sld [smem:$0x3FB3]  }
0x2f: {  	lr =	sadd.s32 s0, s3;
	s0 =	sld [smem:$0x3FAA]  }
0x30: {  	s3 =	sld [smem:$0x3FAD]  }
0x31: {  	[smem:$0x3FB6] =	sst s10  }
0x32: {  	s10 =	sld [smem:$0x3FB4];
	_ =	sdelay $0x3  }
0x33: {  	p0 =	seq.s32 s10, $0x1;
	s10 =	sld [smem:$0x3FB6];
	_ =	sdelay $0x3  }
0x34: {  	[smem:$0x3FB6] =	sst s10  }
0x35: {  	s10 =	sld [smem:$0x3FB5];
	_ =	sdelay $0x3  }
0x36: {  	p1 =	seq.s32 s10, $0x1;
	s10 =	sld [smem:$0x3FB6];
	_ =	sdelay $0x3  }
0x37: {  	[smem:$0x3FB6] =	sst s10  }
0x38: {  	s10 =	sld [smem:$0x3FB7]  }
0x39: {  	_ = 	snop;
	(pc) =	sbr.ind lr, $3  }
0x3a: {  	_ = 	snop  }
0x3b: {  	_ = 	snop  }
0x3c: {  	p2 =	seq.s32 s10, $0x1;
	s10 =	sld [smem:$0x3FB6]  }
0x3d: {  	_ =	shalt  }
0x3e: {  	_ =	shalt  }
0x3f: {  	_ =	shalt  }
0x40: {  	_ =	shalt  }
0x41: {  	_ =	shalt  }
0x42: {  	_ =	shalt  }
0x43: {  	_ =	shalt  }
0x44: {  	_ =	shalt  }
0x45: {  	_ =	shalt  }
0x46: {  	_ =	shalt  }
0x47: {  	_ =	shalt  }
0x48: {  	_ =	shalt  }
0x49: {  	_ =	shalt  }
0x4a: {  	_ =	shalt  }
0x4b: {  	_ =	shalt  }
0x4c: {  	_ =	shalt  }
0x4d: {  	_ =	shalt  }
0x4e: {  	_ =	shalt  }
0x4f: {  	_ =	shalt  }
0x50: {  	_ =	shalt  }
0x51: {  	_ =	shalt  }
0x52: {  	_ =	shalt  }
0x53: {  	_ =	shalt  }
0x54: {  	_ =	shalt  }
0x55: {  	_ =	shalt  }
0x56: {  	_ =	shalt  }
0x57: {  	_ =	shalt  }
0x58: {  	_ =	shalt  }
0x59: {  	_ =	shalt  }
0x5a: {  	_ =	shalt  }
0x5b: {  	_ =	shalt  }
0x5c: {  	_ =	shalt  }
0x5d: {  	_ =	shalt  }
0x5e: {  	_ =	shalt  }
0x5f: {  	_ =	shalt  }
0x60: {  	_ =	shalt  }
0x61: {  	_ =	shalt  }
0x62: {  	_ =	shalt  }
0x63: {  	_ =	shalt  }
0x64: {  	_ =	shalt  }
0x65: {  	_ =	shalt  }
0x66: {  	_ =	shalt  }
0x67: {  	_ =	shalt  }
0x68: {  	_ =	shalt  }
0x69: {  	_ =	shalt  }
0x6a: {  	_ =	shalt  }
0x6b: {  	_ =	shalt  }
0x6c: {  	_ =	shalt  }
0x6d: {  	_ =	shalt  }
0x6e: {  	_ =	shalt  }
0x6f: {  	_ =	shalt  }
0x70: {  	_ =	shalt  }
0x71: {  	_ =	shalt  }
0x72: {  	_ =	shalt  }
0x73: {  	_ =	shalt  }
0x74: {  	_ =	shalt  }
0x75: {  	_ =	shalt  }
0x76: {  	_ =	shalt  }
0x77: {  	_ =	shalt  }
0x78: {  	_ =	shalt  }
0x79: {  	_ =	shalt  }
0x7a: {  	_ =	shalt  }
0x7b: {  	_ =	shalt  }
0x7c: {  	_ =	shalt  }
0x7d: {  	_ =	shalt  }
0x7e: {  	_ =	shalt  }
0x7f: {  	_ =	shalt  }
0x80: {  	_ =	shalt  }
0x81: {  	_ =	shalt  }
0x82: {  	_ =	shalt  }
0x83: {  	_ =	shalt  }
0x84: {  	_ =	shalt  }
0x85: {  	_ =	shalt  }
0x86: {  	_ =	shalt  }
0x87: {  	_ =	shalt  }
.Lfunc_end0:
.L_simem_size_0:
called_computation_lowered:
.L_overlay_start_0:
0x88: {  	s2 =	sld [smem:$0x3FD9]  }
0x89: {  	s3 =	sld [smem:$0x3FFE];
	_ =	sdelay $0x1  }
0x8a: {  	s1 =	srdreg.scid  }
0x8b: {  	s0 =	sand.u32 $0x1, s1  }
0x8c: {  	s17 =	sshll.u32 s0, $0xA;
	s2 =	sadd.s32 s3, s2  }
0x8d: {  	s2 =	sadd.s32 s2, s17  }
0x8e: {  	[smem:$0x3FC2] =	sst s2  }
0x8f: {  	_ = 	snop  }
0x90: {  	s2 =	sld [smem:$0x3FC5]  }
0x91: {  	s18 =	sld [smem:$0x3FD0];
	(tm) =	ssettm $0x1  }
0x92: {  	s4 =	sld [smem:$0x3FFB];
	_ =	sdelay $0x3  }
0x93: {  	_ =	strace s4  }
0x94: {  	s4 =	sld [smem:$0x3FFC];
	_ =	sdelay $0x3  }
0x95: {  	_ =	strace s4  }
0x96: {  	s4 =	sld [smem:$0x3FFD];
	_ =	sdelay $0x3  }
0x97: {  	_ =	strace s4  }
0x98: {  	_ =	strace $0x8FFFFFFF  }
0x99: {  	s19 =	sld [smem:$0x3FDB];
	_ =	sdelay $0x1  }
0x9a: {  	s5 =	simm.s32 $_scs_section_size  }
0x9b: {  	s6 =	simm.s32 $_size__tile_overlayer_lowered;
	s7 =	simm.s32 $_tile_overlayer_lowered  }
0x9c: {  	s22 =	simm.s32 $0x1BFF;
	s21 =	sshll.u32 s7, $0x1;
	s4 =	sadd.s32 s5, s19  }
0x9d: {  	s8 =	simm.s32 $0x0;
	s20 =	sshll.u32 s6, $0x1;
	s6 =	sadd.s32 s21, s4  }
0x9e: {  	[timem:s8], [sflag:s22] =	dma.local [hbm:s6], s20  }
0x9f: {  	_ =	swait.ge [sflag:s22], s20  }
0xa0: {  	s5 =	ssub.s32 $0x0, s20;
	[sflag:s22] =	ssyncset.done $0x0  }
0xa1: {  	[sflag:s22] =	ssyncadd.s32 s5;
	_ =	sdelay $0x1  }
0xa2: {  	s23 =	simm.s32 $0x1B8B  }
0xa3: {  	_ =	swait.ge [sflag:s23], $0x1  }
0xa4: {  	[sflag:s23] =	ssyncset.done $0x0  }
0xa5: {  	s25 =	simm.s32 $0x1B8E;
	s24 =	sld [smem:$0x3FFE];
	[sflag:s23] =	ssyncadd.s32 $0xFFFFFFFF  }
0xa6: {  	s26 =	simm.s32 $execute0_lowered;
	[smem:$0x3FD2] =	sst s25  }
0xa7: {  	s6 =	sshll.u32 s26, $0x1;
	_ =	strace $0x80000046;
	[dreg:$0x1] =	wrdreg $0xFFFFFFFF  }
0xa8: {  	s28 =	simm.s32 $_size_execute0_lowered;
	s4 =	sadd.s32 s4, s6;
	[dreg:$0x0] =	wrdreg $0x0  }
0xa9: {  	s6 =	sshll.u32 s28, $0x1;
	[dreg:$0x2] =	wrdreg s4  }
0xaa: {  	[dreg:$0x3] =	wrdreg s6  }
0xab: {  	[dreg:$0x4] =	wrdreg $0xC0  }
0xac: {  	_ =	task [dreg:s8], $0x5FFFF  }
0xad: {  	[dreg:$0x1] =	wrdreg $0xFFFFFFFF  }
0xae: {  	[dreg:$0x0] =	wrdreg $0x60  }
0xaf: {  	[dreg:$0x2] =	wrdreg s24  }
0xb0: {  	[dreg:$0x3] =	wrdreg s2  }
0xb1: {  	[dreg:$0x4] =	wrdreg s18  }
0xb2: {  	[dreg:$0x5] =	wrdreg $0xD5100  }
0xb3: {  	[dreg:$0x6] =	wrdreg $0x9  }
0xb4: {  	_ =	task.clear_ibuf [dreg:s8], $0x7FFFF;
	_ =	strace $0x90000046  }
0xb5: {  	s29 =	simm.s32 $0x9;
	_ =	strace $0x80000048  }
0xb6: {  	_ =	swait.ge [sflag:s29], $0x1  }
0xb7: {  	[sflag:s29] =	ssyncadd.s32 $0xFFFFFFFF  }
0xb8: {  	_ =	strace $0x90000048  }
0xb9: {  	_ =	sfence  }
0xba: {  	s30 =	sld [smem:$0x0];
	_ =	sdelay $0x2  }
0xbb: {  	s31 =	sshll.u32 s1, $0xD;
	s1 =	sshrl.u32 s1, $0x2  }
0xbc: {  	s3 =	sand.u32 $0x4000, s31;
	s1 =	sadd.s32 s1, s30  }
0xbd: {  	s0 =	sor.u32 s3, s0;
	s1 =	sshll.u32 s1, $0x11  }
0xbe: {  	s0 =	sor.u32 s1, s0  }
0xbf: {  	s0 =	sadd.s32 $0x8F2B, s0  }
0xc0: {  	[sflag:s0] =	ssyncadd.remote.s32 $0x1  }
0xc1: {  	_ =	sfence.sel $0xFFFF  }
0xc2: {  	[dreg:$0x0] =	wrdreg $0xFFFFFFFF;
	(pc) =	sbr.abs _section_cstart, $3  }
0xc3: {  	[dreg:$0x1] =	wrdreg $0xFFFFFFFF  }
0xc4: {  	_ =	task.clear_ibuf [dreg:s8], $0x2FFFF;
	_ =	strace $0x9FFFFFFF  }
0xc5: {  	(tm) =	ssettm $0x7FFFFFFF  }
tec
execute0_lowered:
.L_overlay_start_1:
0x0: {  	(tag) =	ssettag $0x1  }
0x1: {  	s6 =	rddreg [dreg:$0x0]  }
0x2: {  	s8 =	rddreg [dreg:$0x1]  }
0x3: {  	s1 =	srdreg.scid;
	s2 =	rddreg [dreg:$0x2]  }
0x4: {  	s0 =	stileid.u32;
	s3 =	rddreg [dreg:$0x3];
	s4 =	simm.s32 $0x0  }
0x5: {  	s18 =	simm.s32 $0x1;
	s19 =	simm.s32 $0x80;
	s20 =	simm.s32 $0xC490  }
0x6: {  	s21 =	simm.s32 $0xC510;
	s22 =	simm.s32 $0x2;
	s23 =	simm.s32 $0xC410  }
0x7: {  	s24 =	simm.s32 $0x0;
	s5 =	sand.u32 $0x1, s1;
	s9 =	smul.u32 $0x9240, s0  }
0x8: {  	s30 =	sshll.u32 s0, $0x1;
	[smem:$0x7FF] =	sst s4;
	s12 =	smul.u32 $0x1248, s0  }
0x9: {  	s16 =	sshll.u32 s0, $0x6;
	s1 =	sor.u32 s5, s30;
	s31 =	smul.u32 $0x92400, s5  }
0xa: {  	s13 =	ssub.s32 $0x2, s5;
	s5 =	sadd.s32 $0xE00, s6;
	s16 =	sor.u32 $0x1C03, s16  }
0xb: {  	s7 =	smul.u32 $0x2710, s1;
	s1 =	rddreg [dreg:$0x4];
	_ =	strace $0x80000047  }
0xc: {  	s14 =	sshrl.u32 s13, $0x1;
	s12 =	sadd.s32 s12, s6;
	s17 =	sadd.s32 s9, s3  }
0xd: {  	s13 =	ssub.s32 s13, s14;
	s14 =	simm.s32 $0x7540;
	s17 =	sshrl.u32 s17, $0x3  }
.Ltmp0:
0xe: {  	s10 =	sshrl.u32 s7, $0x3;
	s7 =	sadd.s32 s9, s31;
	(pc) =	sbr.rel .LBB2_1-.Ltmp0, $4  }
0xf: {  	s9 =	sadd.s32 $0x1E600, s12;
	s12 =	simm.s32 $0x2720;
	s7 =	sshrl.u32 s7, $0x3  }
0x10: {  	s11 =	sadd.s32 s10, s6;
	s8 =	sadd.s32 s8, s10;
	s15 =	sadd.s32 s7, s6  }
0x11: {  	s6 =	sadd.s32 $0xAC00, s11;
	s7 =	sadd.s32 $0x14840, s11;
	s11 =	smax.u32 s13, $0x1  }
0x12: {  	v0 =	vimm.s32 $0x1002710;
	s13 =	simm.s32 $0x4E30;
	s10 =	sadd.s32 $0x30C00, s15;
	s15 =	simm.s32 $0x3  }
.LBB2_6:
0x13: {  	[tilespmem:$0xC480] =	vst v1  }
0x14: {  	[tilespmem:s21], [sflag:$0x2] =	stream.indirect.gather [hbm4b:s5+s19], $0x20, s20, s19, $0xb8;
	[tilespmem:$0x16750] =	vst v63  }
0x15: {  	_ =	swait.ge [sflag:s22], $0x1000  }
0x16: {  	[sflag:s22] =	ssyncset.done $0x0  }
0x17: {  	[sflag:s22] =	ssyncadd.s32 $0xFFFFF000  }
0x18: {  	[spmem:s3] =	stream.indirect.scatter.add.f32 [tilespmem:s21], [sflag:$0x3], $0x20, s23, s19, $0xb8;
	[tilespmem:$0x16750] =	vst v63  }
0x19: {  	_ =	swait.ge [sflag:s15], $0x1000  }
0x1a: {  	[sflag:s15] =	ssyncset.done $0x0  }
0x1b: {  	[sflag:s15] =	ssyncadd.s32 $0xFFFFF000  }
.LBB2_7:
0x1c: {  	s24 =	sadd.s32 $0x1, s24  }
0x1d: {  	p0 =	sne.s32 s24, s11  }
.Ltmp1:
0x1e: {  	[bflag:$0x0] =	sbarrier.arrive $0xFFFF;
	(pc) =	sbr.rel @!p0 .LBB2_8-.Ltmp1, $4  }
0x1f: {  	[hbm:s10], [sflag:s16] =	dma.local [spmem:s17], $0x1248  }
0x20: {  	_ =	swait.ge [sflag:s15], $0x1248  }
0x21: {  	[sflag:s15] =	ssyncset.done $0x0  }
0x22: {  	[sflag:s15] =	ssyncadd.s32 $0xFFFFEDB8  }
.LBB2_1:
0x23: {  	[tilespmem:s12], [sflag:$0x1] =	stream.linear.gather [hbm4b:s6+s4], $0x2710, $0x38;
	[tilespmem:$0x16750] =	vst v63  }
0x24: {  	_ = 	snop  }
0x25: {  	[tilespmem:s13], [sflag:$0x1] =	stream.linear.gather [hbm4b:s7+s4], $0x2710, $0x38;
	[tilespmem:$0x16750] =	vst v63  }
0x26: {  	_ = 	snop  }
0x27: {  	[tilespmem:s14], [sflag:$0x1] =	stream.linear.gather [hbm4b:s8+s4], $0x2710, $0x38;
	[tilespmem:$0x16750] =	vst v63  }
0x28: {  	_ = 	snop  }
0x29: {  	[tilespmem:s4], [sflag:$0x3] =	stream.linear.gather [hbm4b:s2+s4], $0x2720, $0x38;
	[tilespmem:$0x16750] =	vst v63  }
0x2a: {  	_ =	swait.ge [sflag:s15], $0x2720  }
0x2b: {  	[sflag:s15] =	ssyncset.done $0x0  }
0x2c: {  	[sflag:s15] =	ssyncadd.s32 $0xFFFFD8E0  }
0x2d: {  	[spmem:s17], [sflag:s16] =	dma.local [hbm:s9], $0x1248  }
0x2e: {  	_ =	swait.ge [sflag:s15], $0x1248  }
0x2f: {  	[sflag:s15] =	ssyncset.done $0x0  }
0x30: {  	[sflag:s15] =	ssyncadd.s32 $0xFFFFEDB8  }
0x31: {  	_ =	swait.ge [sflag:s18], $0x2710  }
0x32: {  	[sflag:s18] =	ssyncset.done $0x0  }
0x33: {  	[sflag:s18] =	ssyncadd.s32 $0xFFFFD8F0  }
0x34: {  	_ =	swait.ge [sflag:s18], $0x2710  }
0x35: {  	[sflag:s18] =	ssyncset.done $0x0  }
0x36: {  	[sflag:s18] =	ssyncadd.s32 $0xFFFFD8F0  }
0x37: {  	_ =	swait.ge [sflag:s18], $0x2710  }
0x38: {  	[sflag:s18] =	ssyncset.done $0x0  }
0x39: {  	[sflag:s18] =	ssyncadd.s32 $0xFFFFD8F0  }
0x3a: {  	s25 =	simm.s32 $0x0;
	s26 =	simm.s32 $0x0;
	[bflag:$0x0] =	sbarrier.arrive $0xFFFF  }
.LBB2_2:
0x3b: {  	s28 =	sshra.s32 s25, $0x2  }
0x3c: {  	v1 =	vld [tilespmem:s28+$0x4E30]  }
0x3d: {  	v2 =	vld [tilespmem:s28+$0x4E40]  }
0x3e: {  	v5 =	vld [tilespmem:s28+$0x7540]  }
0x3f: {  	v7 =	vld [tilespmem:s28+$0x2720]  }
0x40: {  	v3 =	vld [tilespmem:s28+$0x4E60]  }
0x41: {  	v13 =	vld [tilespmem:s28+$0x2730]  }
0x42: {  	v4 =	vld [tilespmem:s28+$0x4E70]  }
0x43: {  	v8 =	vld [tilespmem:s28+$0x7560]  }
0x44: {  	v15 =	vld [tilespmem:s28+$0x2740]  }
0x45: {  	v17 =	vld [tilespmem:s28+$0x7570]  }
0x46: {  	v18 =	vld [tilespmem:s28+$0x2750]  }
0x47: {  	v20 =	vld [tilespmem:s28+$0x7580]  }
0x48: {  	v21 =	vld [tilespmem:s28+$0x2760]  }
0x49: {  	v55 =	vld [tilespmem:s28+$0x4EA0]  }
0x4a: {  	v23 =	vld [tilespmem:s28+$0x7590]  }
0x4b: {  	v24 =	vld [tilespmem:s28+$0x2770]  }
0x4c: {  	v26 =	vld [tilespmem:s28+$0x75A0]  }
0x4d: {  	v27 =	vld [tilespmem:s28+$0x2780]  }
0x4e: {  	v29 =	vld [tilespmem:s28+$0x75B0]  }
0x4f: {  	v30 =	vld [tilespmem:s28+$0x2790]  }
0x50: {  	v32 =	vld [tilespmem:s28+$0x75C0]  }
0x51: {  	v33 =	vld [tilespmem:s28+$0x27A0]  }
0x52: {  	v56 =	vld [tilespmem:s28+$0x4EE0]  }
0x53: {  	v42 =	vld [tilespmem:s28+$0x75D0]  }
0x54: {  	v43 =	vld [tilespmem:s28+$0x27B0]  }
0x55: {  	v44 =	vld [tilespmem:s28+$0x75E0]  }
0x56: {  	v45 =	vld [tilespmem:s28+$0x27C0]  }
0x57: {  	v48 =	vld [tilespmem:s28+$0x75F0]  }
0x58: {  	v49 =	vld [tilespmem:s28+$0x27D0]  }
0x59: {  	v57 =	vld [tilespmem:s28+$0x4F10]  }
0x5a: {  	v51 =	vld [tilespmem:s28+$0x7600]  }
0x5b: {  	v52 =	vld [tilespmem:s28+$0x27E0]  }
0x5c: {  	v12 =	vld [tilespmem:s28+$0x4F20]  }
0x5d: {  	v53 =	vld [tilespmem:s28+$0x7610]  }
0x5e: {  	v35 =	vld [tilespmem:s28+$0x4F30]  }
0x5f: {  	v10 =	vld [tilespmem:s28+$0x7620]  }
0x60: {  	v38 =	vld [tilespmem:s28+$0x4F40]  }
0x61: {  	v39 =	vld [tilespmem:s28+$0x4F50]  }
0x62: {  	v61 =	vmul.u32 $0x410, v17;
	v17 =	vld [tilespmem:s28+$0x7640]  }
0x63: {  	v6 =	vld.idx.msk [tilespmem:v1+s4+$0x0], $0xffff  }
0x64: {  	v1 =	vld [tilespmem:s28+$0x4E50]  }
0x65: {  	v9 =	vld.idx.msk [tilespmem:v2+s4+$0x0], $0xffff  }
0x66: {  	v2 =	vld [tilespmem:s28+$0x7550]  }
0x67: {  	v16 =	vld.idx.msk [tilespmem:v3+s4+$0x0], $0xffff  }
0x68: {  	v19 =	vld.idx.msk [tilespmem:v4+s4+$0x0], $0xffff  }
0x69: {  	v3 =	vld [tilespmem:s28+$0x4E90]  }
0x6a: {  	v28 =	vld.idx.msk [tilespmem:v55+s4+$0x0], $0xffff  }
0x6b: {  	v47 =	vld.idx.msk [tilespmem:v56+s4+$0x0], $0xffff  }
0x6c: {  	v4 =	vld.idx.msk [tilespmem:v57+s4+$0x0], $0xffff  }
0x6d: {  	v34 =	vmul.u32 $0x410, v5;
	v5 =	vld.idx.msk [tilespmem:v12+s4+$0x0], $0xffff  }
0x6e: {  	v12 =	vld [tilespmem:s28+$0x7630]  }
0x6f: {  	v59 =	vmul.u32 $0x410, v8;
	v8 =	vld.idx.msk [tilespmem:v35+s4+$0x0], $0xffff  }
0x70: {  	v55 =	vld [tilespmem:s28+$0x4F60]  }
0x71: {  	v14 =	vld.idx.msk [tilespmem:v1+s4+$0x0], $0xffff  }
0x72: {  	v1 =	vld [tilespmem:s28+$0x4E80]  }
0x73: {  	v57 =	vmul.u32 $0x410, v23;
	v23 =	vld [tilespmem:s28+$0x4F80];
	v34 =	vadd.s32 v6, v34  }
0x74: {  	v36 =	vmul.u32 $0x410, v2;
	v2 =	vld [tilespmem:s28+$0x2810];
	v34 =	vshll.u32 v34, $0xE  }
0x75: {  	v34 =	vadd.s32 v7, v34;
	v7 =	vld [tilespmem:s28+$0x2820]  }
0x76: {  	vm8 =	vlt.s32 v9, $0x400;
	v58 =	vadd.s32 v9, v36;
	v9 =	vld.idx.msk [tilespmem:v38+s4+$0x0], $0xffff  }
0x77: {  	v25 =	vld.idx.msk [tilespmem:v3+s4+$0x0], $0xffff  }
0x78: {  	v3 =	vld [tilespmem:s28+$0x4EC0];
	v60 =	vshll.u32 v58, $0xE  }
0x79: {  	v35 =	vadd.s32 v13, v60;
	v60 =	vld [tilespmem:s28+$0x4F70]  }
0x7a: {  	vm6 =	vlt.s32 v6, $0x400;
	v58 =	vmul.u32 $0x410, v26;
	v22 =	vld.idx.msk [tilespmem:v1+s4+$0x0], $0xffff  }
0x7b: {  	v63 =	vadd.s32 v16, v61;
	vm4 =	vlt.s32 v16, $0x400;
	v62 =	vadd.s32 v14, v59;
	v1 =	vld [tilespmem:s28+$0x4EB0]  }
0x7c: {  	vm3 =	vlt.s32 v14, $0x400;
	v16 =	vadd.s32 v25, v58;
	vm7 =	vlt.s32 v25, $0x400;
	v14 =	vld.idx.msk [tilespmem:v55+s4+$0x0], $0xffff  }
0x7d: {  	v25 =	vimm.s32 $0x0;
	v6 =	vshll.u32 v62, $0xE;
	v62 =	vshll.u32 v16, $0xE;
	v16 =	vld.idx.msk [tilespmem:v39+s4+$0x0], $0xffff  }
0x7e: {  	v41 =	vmul.u32 $0x410, v20;
	vm1 =	vlt.s32 v28, $0x400;
	v20 =	vsel vm7, $0xFFFFFFFF, v25;
	v25 =	vld [tilespmem:s28+$0x2880]  }
0x7f: {  	v59 =	vmul.u32 $0x410, v29;
	v29 =	vimm.s32 $0x0;
	v37 =	vadd.s32 v15, v6;
	v15 =	vld [tilespmem:s28+$0x7650]  }
0x80: {  	[tilespmem:$0x1FFC0] =	vst v20;
	v20 =	vsel vm1, $0xFFFFFFFF, v29;
	v29 =	vld [tilespmem:s28+$0x7690]  }
0x81: {  	v40 =	vld.idx.msk [tilespmem:v3+s4+$0x0], $0xffff  }
0x82: {  	v3 =	vld [tilespmem:s28+$0x4EF0]  }
0x83: {  	v56 =	vadd.s32 v19, v41;
	v31 =	vld.idx.msk [tilespmem:v1+s4+$0x0], $0xffff  }
0x84: {  	v6 =	vshll.u32 v56, $0xE;
	v1 =	vld [tilespmem:s28+$0x4ED0]  }
0x85: {  	v38 =	vadd.s32 v21, v6;
	v6 =	vld [tilespmem:s28+$0x2830]  }
0x86: {  	vm5 =	vlt.s32 v19, $0x400;
	v54 =	vshll.u32 v63, $0xE;
	v21 =	vld [tilespmem:s28+$0x7660]  }
0x87: {  	v39 =	vadd.s32 v27, v62;
	v63 =	vadd.s32 v28, v59;
	v27 =	vmul.u32 $0x410, v42;
	v19 =	vld.idx.msk [tilespmem:v60+s4+$0x0], $0xffff  }
0x88: {  	v26 =	vshll.u32 v63, $0xE;
	v60 =	vld [tilespmem:s28+$0x4F90]  }
0x89: {  	v42 =	vadd.s32 v30, v26;
	v30 =	vadd.s32 v40, v27;
	v27 =	vld [tilespmem:s28+$0x7680]  }
0x8a: {  	v61 =	vimm.s32 $0x0;
	v13 =	vadd.s32 v22, v57;
	vm2 =	vlt.s32 v40, $0x400;
	v40 =	vld [tilespmem:s28+$0x4FA0]  }
0x8b: {  	v36 =	vadd.s32 v18, v54;
	vm0 =	vlt.s32 v22, $0x400;
	v22 =	vld.idx.msk [tilespmem:v23+s4+$0x0], $0xffff;
	v13 =	vshll.u32 v13, $0xE  }
0x8c: {  	v59 =	vmpcnt.ones.xlane vm6;
	v41 =	vadd.s32 v24, v13;
	v24 =	vmul.u32 $0x410, v32;
	v46 =	vld.idx.msk [tilespmem:v1+s4+$0x0], $0xffff  }
0x8d: {  	v58 =	vmul.u32 $0x410, v48;
	v23 =	vld [tilespmem:s28+$0x2870];
	v13 =	vsel vm0, $0xFFFFFFFF, v61;
	v61 =	vmpcnt.ones.xlane vm8  }
0x8e: {  	v63 =	vmpcnt.ones.xlane vm3;
	(v2sf) =	vpush v59, $0x0;
	v50 =	vld.idx.msk [tilespmem:v3+s4+$0x0], $0xffff;
	v18 =	vadd.s32 v31, v24  }
0x8f: {  	v32 =	vmul.u32 $0x410, v44;
	v3 =	vld [tilespmem:s28+$0x27F0];
	(v2sf) =	vpush v61, $0x0;
	v18 =	vshll.u32 v18, $0xE  }
0x90: {  	v62 =	vadd.s32 v47, v58;
	[tilespmem:$0x1FFB0] =	vst v13;
	v13 =	vld [tilespmem:s28+$0x2840];
	(v2sf) =	vpush v63, $0x0;
	v44 =	vadd.s32 v33, v18  }
0x91: {  	v26 =	vld.idx.msk [tilespmem:v60+s4+$0x0], $0xffff;
	v33 =	vmpcnt.ones.xlane vm4;
	v57 =	vadd.s32 v46, v32;
	v32 =	vshll.u32 v62, $0xE  }
0x92: {  	v1 =	vld [tilespmem:s28+$0x4F00];
	vm10 =	vlt.s32 v46, $0x400;
	v46 =	vadd.s32 v49, v32;
	v49 =	vmpcnt.ones.xlane vm5  }
0x93: {  	v51 =	vmul.u32 $0x410, v51;
	v54 =	vimm.s32 $0x0;
	v24 =	vld [tilespmem:s28+$0x7670];
	(v2sf) =	vpush v33, $0x0  }
0x94: {  	v55 =	vshll.u32 v30, $0xE;
	vm9 =	vlt.s32 v31, $0x400;
	v30 =	vld.idx.msk [tilespmem:v40+s4+$0x0], $0xffff;
	(v2sf) =	vpush v49, $0x0  }
0x95: {  	v56 =	vimm.s32 $0x0;
	v60 =	vmpcnt.ones.xlane vm2;
	v40 =	vld [tilespmem:s28+$0x76B0];
	v18 =	vsel vm9, $0xFFFFFFFF, v54  }
0x96: {  	[tilespmem:$0x1FFE0] =	vst v18;
	v18 =	vsel vm2, $0xFFFFFFFF, v56;
	v56 =	vadd.s32 v50, v51;
	vm2 =	vlt.s32 v50, $0x400;
	v50 =	vld [tilespmem:s28+$0x76C0]  }
0x97: {  	v10 =	vmul.u32 $0x410, v10;
	v17 =	vmul.u32 $0x410, v17;
	v54 =	vmpcnt.ones.xlane vm0;
	[tilespmem:$0x1FFF0] =	vst v18;
	v18 =	vld [tilespmem:s28+$0x2850]  }
0x98: {  	[tilespmem:$0x1FFD0] =	vst v20;
	v43 =	vadd.s32 v43, v55;
	v55 =	vmpcnt.ones.xlane vm7;
	v20 =	vshll.u32 v57, $0xE;
	v57 =	vld [tilespmem:s28+$0x4FB0]  }
0x99: {  	vm11 =	vlt.s32 v47, $0x400;
	v58 =	vmpcnt.ones.xlane vm1;
	v33 =	vld [tilespmem:s28+$0x76A0];
	(v2sf) =	vpush v54, $0x0  }
0x9a: {  	v59 =	vmpcnt.ones.xlane vm9;
	v28 =	vshll.u32 v56, $0xE;
	v11 =	vld.idx.msk [tilespmem:v1+s4+$0x0], $0xffff;
	(v2sf) =	vpush v55, $0x0  }
0x9b: {  	vm14 =	vlt.s32 v5, $0x400;
	v47 =	vadd.s32 v52, v28;
	v28 =	vld [tilespmem:s28+$0x2890];
	(v2sf) =	vpush v58, $0x0  }
0x9c: {  	vm15 =	vlt.s32 v8, $0x400;
	v61 =	vmpcnt.ones.xlane vm10;
	v32 =	vld [tilespmem:s28+$0x28A0];
	(v2sf) =	vpush v59, $0x0  }
0x9d: {  	v62 =	vmpcnt.ones.xlane vm11;
	v45 =	vadd.s32 v45, v20;
	v20 =	vld [tilespmem:s28+$0x2860];
	(v2sf) =	vpush v60, $0x0  }
0x9e: {  	v12 =	vmul.u32 $0x410, v12;
	vm13 =	vlt.s32 v9, $0x400;
	v1 =	vld [tilespmem:s28+$0x2800];
	(v2sf) =	vpush v61, $0x0  }
0x9f: {  	s30 =	spop (v2sf);
	v63 =	vmpcnt.ones.xlane vm2;
	vm0 =	vlt.s32 v11, $0x400;
	(v2sf) =	vpush v62, $0x0;
	v62 =	vld [tilespmem:$0x1FFB0]  }
0xa0: {  	v48 =	vmul.u32 $0x410, v53;
	vm1 =	vlt.s32 v4, $0x400;
	s31 =	sadd.s32 s26, s30;
	s29 =	spop (v2sf);
	v52 =	vmpcnt.ones.xlane vm0;
	v31 =	vld.idx.msk [tilespmem:v57+s4+$0x0], $0xffff;
	[tilespmem:s26+$0x9C50] =	vst.msk vm6, v34  }
0xa1: {  	v53 =	vmpcnt.ones.xlane vm1;
	vm12 =	vlt.s32 v16, $0x400;
	s30 =	spop (v2sf);
	s26 =	sadd.s32 s31, s29;
	[tilespmem:s31+$0x9C50] =	vst.msk vm8, v35;
	(v2sf) =	vpush v63, $0x0  }
0xa2: {  	vm7 =	vlt.s32 v14, $0x400;
	v54 =	vmpcnt.ones.xlane vm14;
	[tilespmem:s26+$0x9C50] =	vst.msk vm3, v37;
	s26 =	sadd.s32 s26, s30;
	s31 =	spop (v2sf);
	(v2sf) =	vpush v52, $0x0  }
0xa3: {  	v56 =	vmpcnt.ones.xlane vm13;
	v55 =	vmpcnt.ones.xlane vm15;
	[tilespmem:s26+$0x9C50] =	vst.msk vm4, v36;
	s26 =	sadd.s32 s26, s31;
	(v2sf) =	vpush v53, $0x0;
	s29 =	spop (v2sf)  }
0xa4: {  	v58 =	vmpcnt.ones.xlane vm7;
	[tilespmem:s26+$0x9C50] =	vst.msk vm5, v38;
	(v2sf) =	vpush v54, $0x0;
	vm9 =	vnez.u8 v62;
	s26 =	sadd.s32 s26, s29  }
0xa5: {  	v11 =	vadd.s32 v11, v48;
	v57 =	vmpcnt.ones.xlane vm12;
	(v2sf) =	vpush v55, $0x0;
	[tilespmem:s26+$0x9C50] =	vst.msk vm9, v41;
	v41 =	vld [tilespmem:$0x1FFC0]  }
0xa6: {  	v49 =	vld [tilespmem:$0x1FFD0];
	vm6 =	vlt.s32 v19, $0x400;
	vm8 =	vlt.s32 v22, $0x400;
	(v2sf) =	vpush v56, $0x0  }
0xa7: {  	v51 =	vld [tilespmem:$0x1FFE0];
	v59 =	vmpcnt.ones.xlane vm6;
	v60 =	vmpcnt.ones.xlane vm8;
	(v2sf) =	vpush v57, $0x0  }
0xa8: {  	vm3 =	vlt.s32 v30, $0x400;
	vm4 =	vlt.s32 v26, $0x400;
	v52 =	vld [tilespmem:$0x1FFF0];
	(v2sf) =	vpush v58, $0x0  }
0xa9: {  	v63 =	vmpcnt.ones.xlane vm3;
	v61 =	vmpcnt.ones.xlane vm4;
	s30 =	spop (v2sf);
	(v2sf) =	vpush v59, $0x0  }
0xaa: {  	vm5 =	vlt.s32 v31, $0x400;
	s26 =	sadd.s32 s26, s30;
	s31 =	spop (v2sf);
	(v2sf) =	vpush v60, $0x0;
	vm9 =	vnez.u8 v41  }
0xab: {  	v48 =	vmpcnt.ones.xlane vm5;
	s29 =	spop (v2sf);
	(v2sf) =	vpush v61, $0x0;
	[tilespmem:s26+$0x9C50] =	vst.msk vm9, v39;
	s26 =	sadd.s32 s26, s31;
	vm9 =	vnez.u8 v49  }
0xac: {  	v8 =	vadd.s32 v8, v17;
	(v2sf) =	vpush v63, $0x0;
	s30 =	spop (v2sf);
	[tilespmem:s26+$0x9C50] =	vst.msk vm9, v42;
	s26 =	sadd.s32 s26, s29;
	vm9 =	vnez.u8 v51  }
0xad: {  	v5 =	vadd.s32 v5, v12;
	(v2sf) =	vpush v48, $0x0;
	s31 =	spop (v2sf);
	[tilespmem:s26+$0x9C50] =	vst.msk vm9, v44;
	s26 =	sadd.s32 s26, s30;
	vm9 =	vnez.u8 v52  }
0xae: {  	v8 =	vshll.u32 v8, $0xE;
	v5 =	vshll.u32 v5, $0xE;
	s29 =	spop (v2sf);
	[tilespmem:s26+$0x9C50] =	vst.msk vm9, v43;
	s26 =	sadd.s32 s26, s31  }
0xaf: {  	v2 =	vadd.s32 v2, v5;
	v4 =	vadd.s32 v4, v10;
	v54 =	vmul.u32 $0x410, v21;
	s30 =	spop (v2sf);
	[tilespmem:s26+$0x9C50] =	vst.msk vm10, v45;
	s26 =	sadd.s32 s26, s29  }
0xb0: {  	v4 =	vshll.u32 v4, $0xE;
	v11 =	vshll.u32 v11, $0xE;
	v53 =	vmul.u32 $0x410, v15;
	s31 =	spop (v2sf);
	[tilespmem:s26+$0x9C50] =	vst.msk vm11, v46;
	s26 =	sadd.s32 s26, s30  }
0xb1: {  	v1 =	vadd.s32 v1, v4;
	v3 =	vadd.s32 v3, v11;
	v56 =	vadd.s32 v16, v54;
	s29 =	spop (v2sf);
	[tilespmem:s26+$0x9C50] =	vst.msk vm2, v47;
	s26 =	sadd.s32 s26, s31  }
0xb2: {  	v57 =	vmul.u32 $0x410, v24;
	v58 =	vmul.u32 $0x410, v27;
	s30 =	spop (v2sf);
	[tilespmem:s26+$0x9C50] =	vst.msk vm0, v3;
	s26 =	sadd.s32 s26, s29;
	v3 =	vadd.s32 v9, v53  }
0xb3: {  	v55 =	vadd.s32 v7, v8;
	s31 =	spop (v2sf);
	[tilespmem:s26+$0x9C50] =	vst.msk vm1, v1;
	s26 =	sadd.s32 s26, s30;
	v1 =	vshll.u32 v3, $0xE;
	v3 =	vshll.u32 v56, $0xE  }
0xb4: {  	v59 =	vadd.s32 v19, v58;
	s29 =	spop (v2sf);
	[tilespmem:s26+$0x9C50] =	vst.msk vm14, v2;
	s26 =	sadd.s32 s26, s31;
	v2 =	vadd.s32 v13, v3;
	v3 =	vadd.s32 v14, v57  }
0xb5: {  	v60 =	vmul.u32 $0x410, v29;
	s30 =	spop (v2sf);
	v1 =	vadd.s32 v6, v1;
	[tilespmem:s26+$0x9C50] =	vst.msk vm15, v55;
	s26 =	sadd.s32 s26, s29;
	v3 =	vshll.u32 v3, $0xE  }
0xb6: {  	v61 =	vmul.u32 $0x410, v33;
	s31 =	spop (v2sf);
	[tilespmem:s26+$0x9C50] =	vst.msk vm13, v1;
	s26 =	sadd.s32 s26, s30;
	v1 =	vadd.s32 v18, v3;
	v3 =	vshll.u32 v59, $0xE  }
0xb7: {  	v62 =	vmul.u32 $0x410, v40;
	s29 =	spop (v2sf);
	[tilespmem:s26+$0x9C50] =	vst.msk vm12, v2;
	s26 =	sadd.s32 s26, s31;
	v2 =	vadd.s32 v20, v3;
	v3 =	vadd.s32 v22, v60  }
0xb8: {  	p0 =	sne.s32 s25, $0x9600;
	v63 =	vmul.u32 $0x410, v50;
	s30 =	spop (v2sf);
	[tilespmem:s26+$0x9C50] =	vst.msk vm7, v1;
	s26 =	sadd.s32 s26, s29;
	v1 =	vshll.u32 v3, $0xE;
	v3 =	vadd.s32 v26, v61  }
.Ltmp2:
0xb9: {  	s31 =	spop (v2sf);
	[tilespmem:s26+$0x9C50] =	vst.msk vm6, v2;
	s26 =	sadd.s32 s26, s30;
	v1 =	vadd.s32 v23, v1;
	v2 =	vshll.u32 v3, $0xE;
	v3 =	vadd.s32 v30, v62;
	(pc) =	sbr.rel @p0 .LBB2_2-.Ltmp2, $4  }
0xba: {  	s29 =	spop (v2sf);
	[tilespmem:s26+$0x9C50] =	vst.msk vm8, v1;
	s26 =	sadd.s32 s26, s31;
	v1 =	vadd.s32 v25, v2;
	v2 =	vshll.u32 v3, $0xE;
	v3 =	vadd.s32 v31, v63  }
0xbb: {  	s30 =	spop (v2sf);
	[tilespmem:s26+$0x9C50] =	vst.msk vm4, v1;
	s26 =	sadd.s32 s26, s29;
	v1 =	vadd.s32 v28, v2;
	v2 =	vshll.u32 v3, $0xE  }
0xbc: {  	s31 =	spop (v2sf);
	[tilespmem:s26+$0x9C50] =	vst.msk vm3, v1;
	v1 =	vadd.s32 v32, v2;
	s26 =	sadd.s32 s26, s30  }
0xbd: {  	s25 =	sadd.s32 $0x640, s25;
	[tilespmem:s26+$0x9C50] =	vst.msk vm5, v1;
	s26 =	sadd.s32 s26, s31  }
0xbe: {  	s25 =	sadd.s32 $0x7F, s26  }
0xbf: {  	s28 =	sand.u32 $0x7F, s25  }
0xc0: {  	p1 =	slt.s32 s25, $0x1;
	p0 =	sne.s32 s28, $0x0;
	s28 =	sshra.s32 s25, $0x1F  }
0xc1: {  	s28 =	sshrl.u32 s28, $0x19;
	p0 =	por !p1, !p0  }
0xc2: {  	s25 =	sadd.s32 s28, s25;
	p0 =	por !p0, !p0;
	s28 =	simm.s32 $0x1  }
0xc3: {  	[tilespmem:s26+$0x9C50] =	vst v0;
	s25 =	sshra.s32 s25, $0x7;
	s28 =	simm.s32 @!p0 $0x0  }
0xc4: {  	[tilespmem:s26+$0x9C60] =	vst v0;
	s28 =	ssub.s32 s25, s28  }
0xc5: {  	[tilespmem:s26+$0x9C70] =	vst v0;
	p0 =	slt.s32 s28, $0x1  }
.Ltmp3:
0xc6: {  	[tilespmem:s26+$0x9C80] =	vst v0;
	(pc) =	sbr.rel @p0 .LBB2_7-.Ltmp3, $4  }
0xc7: {  	[tilespmem:s26+$0x9C90] =	vst v0  }
0xc8: {  	[tilespmem:s26+$0x9CA0] =	vst v0  }
0xc9: {  	[tilespmem:s26+$0x9CB0] =	vst v0  }
0xca: {  	[tilespmem:s26+$0x9CC0] =	vst v0;
	s25 =	simm.s32 $0x9C90  }
0xcb: {  	v1 =	vld [tilespmem:s25+$0xFFFFFFC0];
	_ =	sdelay $0x4  }
0xcc: {  	v2 =	vand.u32 $0x3FFF, v1  }
0xcd: {  	v1 =	vshrl.u32 v1, $0xE;
	[tilespmem:$0xC490] =	vst v2  }
0xce: {  	[tilespmem:$0xC410] =	vst v1  }
0xcf: {  	v1 =	vld [tilespmem:s25+$0xFFFFFFD0];
	_ =	sdelay $0x4  }
0xd0: {  	v2 =	vand.u32 $0x3FFF, v1  }
0xd1: {  	v1 =	vshrl.u32 v1, $0xE;
	[tilespmem:$0xC4A0] =	vst v2  }
0xd2: {  	[tilespmem:$0xC420] =	vst v1  }
0xd3: {  	v1 =	vld [tilespmem:s25+$0xFFFFFFE0];
	_ =	sdelay $0x4  }
0xd4: {  	v2 =	vand.u32 $0x3FFF, v1  }
0xd5: {  	v1 =	vshrl.u32 v1, $0xE;
	[tilespmem:$0xC4B0] =	vst v2  }
0xd6: {  	[tilespmem:$0xC430] =	vst v1  }
0xd7: {  	v1 =	vld [tilespmem:s25+$0xFFFFFFF0];
	_ =	sdelay $0x4  }
0xd8: {  	v2 =	vand.u32 $0x3FFF, v1  }
0xd9: {  	v1 =	vshrl.u32 v1, $0xE;
	[tilespmem:$0xC4C0] =	vst v2  }
0xda: {  	[tilespmem:$0xC440] =	vst v1  }
0xdb: {  	v1 =	vld [tilespmem:s25+$0x0];
	_ =	sdelay $0x4  }
0xdc: {  	v2 =	vand.u32 $0x3FFF, v1  }
0xdd: {  	v1 =	vshrl.u32 v1, $0xE;
	[tilespmem:$0xC4D0] =	vst v2  }
0xde: {  	[tilespmem:$0xC450] =	vst v1  }
0xdf: {  	v1 =	vld [tilespmem:s25+$0x10];
	_ =	sdelay $0x4  }
0xe0: {  	v2 =	vand.u32 $0x3FFF, v1  }
0xe1: {  	v1 =	vshrl.u32 v1, $0xE;
	[tilespmem:$0xC4E0] =	vst v2  }
0xe2: {  	[tilespmem:$0xC460] =	vst v1  }
0xe3: {  	v1 =	vld [tilespmem:s25+$0x20];
	_ =	sdelay $0x4  }
0xe4: {  	v2 =	vand.u32 $0x3FFF, v1  }
0xe5: {  	v1 =	vshrl.u32 v1, $0xE;
	[tilespmem:$0xC4F0] =	vst v2  }
0xe6: {  	[tilespmem:$0xC470] =	vst v1  }
0xe7: {  	v1 =	vld [tilespmem:s25+$0x30]  }
0xe8: {  	p0 =	sne.s32 s28, $0x1  }
.Ltmp4:
0xe9: {  	_ = 	snop;
	(pc) =	sbr.rel @!p0 .LBB2_6-.Ltmp4, $3  }
0xea: {  	_ =	sdelay $0x1  }
0xeb: {  	v2 =	vand.u32 $0x3FFF, v1  }
0xec: {  	s26 =	sadd.s32 $0xFFFFFFFF, s28;
	v1 =	vshrl.u32 v1, $0xE;
	[tilespmem:$0xC500] =	vst v2  }
.LBB2_5:
0xed: {  	p0 =	sne.s32 s26, $0x1;
	s26 =	sadd.s32 $0xFFFFFFFF, s26;
	[tilespmem:$0xC480] =	vst v1;
	s25 =	sadd.s32 $0x80, s25  }
0xee: {  	[tilespmem:s21], [sflag:$0x2] =	stream.indirect.gather [hbm4b:s5+s19], $0x20, s20, s19, $0xb8;
	[tilespmem:$0x16750] =	vst v63  }
0xef: {  	_ =	swait.ge [sflag:s22], $0x1000  }
0xf0: {  	[sflag:s22] =	ssyncset.done $0x0  }
0xf1: {  	[sflag:s22] =	ssyncadd.s32 $0xFFFFF000  }
0xf2: {  	[spmem:s3] =	stream.indirect.scatter.add.f32 [tilespmem:s21], [sflag:$0x3], $0x20, s23, s19, $0xb8;
	[tilespmem:$0x16750] =	vst v63  }
0xf3: {  	_ =	swait.ge [sflag:s15], $0x1000  }
0xf4: {  	[sflag:s15] =	ssyncset.done $0x0  }
0xf5: {  	[sflag:s15] =	ssyncadd.s32 $0xFFFFF000  }
0xf6: {  	v1 =	vld [tilespmem:s25+$0xFFFFFFC0];
	_ =	sdelay $0x4  }
0xf7: {  	v2 =	vand.u32 $0x3FFF, v1;
	v1 =	vshrl.u32 v1, $0xE  }
0xf8: {  	[tilespmem:$0xC490] =	vst v2  }
0xf9: {  	[tilespmem:$0xC410] =	vst v1  }
0xfa: {  	v1 =	vld [tilespmem:s25+$0xFFFFFFD0];
	_ =	sdelay $0x4  }
0xfb: {  	v2 =	vand.u32 $0x3FFF, v1;
	v1 =	vshrl.u32 v1, $0xE  }
0xfc: {  	[tilespmem:$0xC4A0] =	vst v2  }
0xfd: {  	[tilespmem:$0xC420] =	vst v1  }
0xfe: {  	v1 =	vld [tilespmem:s25+$0xFFFFFFE0];
	_ =	sdelay $0x4  }
0xff: {  	v2 =	vand.u32 $0x3FFF, v1;
	v1 =	vshrl.u32 v1, $0xE  }
0x100: {  	[tilespmem:$0xC4B0] =	vst v2  }
0x101: {  	[tilespmem:$0xC430] =	vst v1  }
0x102: {  	v1 =	vld [tilespmem:s25+$0xFFFFFFF0];
	_ =	sdelay $0x4  }
0x103: {  	v2 =	vand.u32 $0x3FFF, v1;
	v1 =	vshrl.u32 v1, $0xE  }
0x104: {  	[tilespmem:$0xC4C0] =	vst v2  }
0x105: {  	[tilespmem:$0xC440] =	vst v1  }
0x106: {  	v1 =	vld [tilespmem:s25+$0x0];
	_ =	sdelay $0x4  }
0x107: {  	v2 =	vand.u32 $0x3FFF, v1;
	v1 =	vshrl.u32 v1, $0xE  }
0x108: {  	[tilespmem:$0xC4D0] =	vst v2  }
0x109: {  	[tilespmem:$0xC450] =	vst v1  }
0x10a: {  	v1 =	vld [tilespmem:s25+$0x10];
	_ =	sdelay $0x4  }
0x10b: {  	v2 =	vand.u32 $0x3FFF, v1;
	v1 =	vshrl.u32 v1, $0xE  }
0x10c: {  	[tilespmem:$0xC4E0] =	vst v2  }
0x10d: {  	[tilespmem:$0xC460] =	vst v1  }
0x10e: {  	v1 =	vld [tilespmem:s25+$0x20];
	_ =	sdelay $0x4  }
0x10f: {  	v2 =	vand.u32 $0x3FFF, v1;
	v1 =	vshrl.u32 v1, $0xE  }
0x110: {  	[tilespmem:$0xC4F0] =	vst v2  }
0x111: {  	[tilespmem:$0xC470] =	vst v1  }
0x112: {  	v1 =	vld [tilespmem:s25+$0x30];
	_ =	sdelay $0x1  }
.Ltmp5:
0x113: {  	(pc) =	sbr.rel @p0 .LBB2_5-.Ltmp5, $3  }
0x114: {  	_ =	sdelay $0x1  }
0x115: {  	v2 =	vand.u32 $0x3FFF, v1;
	v1 =	vshrl.u32 v1, $0xE  }
0x116: {  	[tilespmem:$0xC500] =	vst v2  }
.Ltmp6:
0x117: {  	_ = 	snop;
	(pc) =	sbr.rel .LBB2_6-.Ltmp6, $1  }
0x118: {  	_ =	sdelay $0x3  }
.LBB2_8:
0x119: {  	_ =	sfence.sel $0x180000  }
0x11a: {  	[bflag:$0x0] =	sbarrier.arrive $0xFFFF  }
0x11b: {  	p0 =	sne.s32 s0, $0x0;
	_ =	strace $0x90000047  }
0x11c: {  	s0 =	sadd.s32 @!p0 $0x100000, s1;
	[bflag:$0x2] =	sbarrier.arrive $0xFFFF  }
0x11d: {  	[sflag:s0] =	ssyncadd.tile.s32 @!p0 $0x1;
	_ =	shalt  }
.Lfunc_end2:
_tile_overlayer_lowered:
.L_overlay_start_2:
0x11e: {  	(tag) =	ssettag $0x2  }
0x11f: {  	s0 =	rddreg [dreg:$0x0];
	s2 =	stileid.u32  }
0x120: {  	s1 =	rddreg [dreg:$0x1];
	p0 =	sne.s32 s2, $0x0  }
0x121: {  	s3 =	rddreg [dreg:$0x2];
	[bflag:$0x3] =	sbarrier.arrive $0xFFFF;
	s2 =	simm.s32 @!p0 $0x1C03  }
0x122: {  	[timem:s3], [sflag:s2] =	dma.local @!p0 [hbm:s0], s1  }
0x123: {  	s0 =	simm.s32 @!p0 $0x3  }
0x124: {  	_ =	swait.ge @!p0 [sflag:s0], s1  }
0x125: {  	s1 =	ssub.s32 @!p0 $0x0, s1;
	[sflag:s0] =	ssyncset.done @!p0 $0x0  }
0x126: {  	[sflag:s0] =	ssyncadd.s32 @!p0 s1  }
0x127: {  	[bflag:$0x3] =	sbarrier.arrive $0xFFFF  }
0x128: {  	_ =	shalt  }

</sc_bundles>
